<compile_context>
chip_gen: v7x
topology: tpu7x:2x2x1
jax: 0.10.2.dev20260603
libtpu: 0.0.44.dev20260713+nightly
codegen_flags: <defaults>
</compile_context>

<pallas_src>
import functools

import jax
import jax.numpy as jnp
from jax import lax
from jax.experimental import pallas as pl
from jax.experimental.pallas import tpu as pltpu
from jax.experimental.pallas import tpu_sc as plsc

_K = 2048
_L = 16
_NC, _NS = 2, 16
_NW = _NC * _NS


_NCHUNK = 4
_CW = 64


def _dispatch_sc(B, S, D, xt, out, idx_v, rows0, rows1, rows2, rows3,
                 out_v, sem0, sem1, sem2, sem3):
    per_w = (B * _K) // _NW
    wid = lax.axis_index("s") * _NC + lax.axis_index("c")
    w_per_b = _K // per_w
    b = wid // w_per_b
    i0 = (wid % w_per_b) * per_w
    tok0 = b * S + i0
    lanes = lax.iota(jnp.int32, _L)
    rows_bufs = (rows0, rows1, rows2, rows3)
    sems = (sem0, sem1, sem2, sem3)

    cps = []
    for h in range(_NCHUNK):
        @pl.loop(0, _CW // _L)
        def _fill(q, h=h):
            idx_v[h, pl.ds(q * _L, _L)] = tok0 + h * _CW + q * _L + lanes

        cps.append(
            pltpu.async_copy(xt.at[idx_v.at[h], pl.ds(0, 128)],
                             rows_bufs[h], sems[h])
        )

    for h in range(_NCHUNK):
        cps[h].wait()
        rows = rows_bufs[h]

        @pl.loop(0, _CW // _L)
        def _extract(q, rows=rows, base=h * _CW):
            acc = lanes * jnp.float32(0)
            for l in range(_L):
                w = rows[q * _L + l, pl.ds(0, _L)][0]
                acc = jnp.where(lanes == l, w, acc)
            out_v[pl.ds(base + q * _L, _L)] = acc

    pltpu.sync_copy(out_v, out.at[pl.ds(wid * per_w, per_w)])


def kernel(x, W, b):
    B, S, D = x.shape
    xt = x.reshape(B * S, D)
    sc_call = functools.partial(
        pl.kernel,
        out_type=jax.ShapeDtypeStruct((B * _K,), x.dtype),
        mesh=plsc.VectorSubcoreMesh(core_axis_name="c", subcore_axis_name="s"),
        scratch_types=[
            pltpu.VMEM((_NCHUNK, _CW), jnp.int32),
            pltpu.VMEM((_CW, 128), jnp.float32),
            pltpu.VMEM((_CW, 128), jnp.float32),
            pltpu.VMEM((_CW, 128), jnp.float32),
            pltpu.VMEM((_CW, 128), jnp.float32),
            pltpu.VMEM(((B * _K) // _NW,), jnp.float32),
            pltpu.SemaphoreType.DMA,
            pltpu.SemaphoreType.DMA,
            pltpu.SemaphoreType.DMA,
            pltpu.SemaphoreType.DMA,
        ],
    )
    out_flat = sc_call(functools.partial(_dispatch_sc, B, S, D))(xt)
    return out_flat.reshape(B, _K, 1)

# --- scband reference (transcript-rebuilt; emitter-appended) ---
"""Pipeline reference for scband-mo-drouter-26998164423421 (READ-ONLY COPY).

The authoritative reference and input builder live on the scoring server;
editing this copy changes nothing except your own understanding.
"""

import jax, jax.numpy as jnp
import numpy as np

NUM_TOKENS = 2048  # init kwarg num_tokens

def setup_inputs(seed: int = 0) -> dict:
    key = jax.random.key(seed)
    k1, k2 = jax.random.split(key, 2)
    x = jax.random.normal(k1, (4, 4096, 2048), dtype=jnp.float32)
    # TokenRouterPredictor: nn.Linear(dim, 1)
    W = jax.random.normal(k2, (2048, 1), dtype=jnp.float32) * 0.02
    b = jnp.zeros((1,), dtype=jnp.float32)
    return {"x": x, "W": W, "b": b}

def reference(x, W, b):
    # weights = Linear(x) -> [B, S, 1]
    weights = x @ W + b
    # softmax over last dim (size 1 -> all ones, kept faithful to torch code)
    weights = jax.nn.softmax(weights, axis=-1)
    # torch.topk(weights, num_tokens, dim=1) -> indices [B, k, 1]
    _, idx = jax.lax.top_k(weights[..., 0], NUM_TOKENS)  # [B, k]
    indices = idx[..., None]  # [B, k, 1]
    # torch.gather(x, 1, indices.expand(-1, k, -1)): index last dim stays 1,
    # so out[b,i,0] = x[b, idx[b,i], 0] -> shape [B, k, 1]
    topk_tokens = jnp.take_along_axis(x[..., :1], indices, axis=1)
    # block = nn.Identity()
    out = topk_tokens
    return out

if __name__ == "__main__":
    import jax
    _d = setup_inputs()
    print(jax.jit(kernel)(*tuple(_d.values())))

</pallas_src>

<mosaic_0001>
#map = affine_map<(d0, d1) -> (0, 0)>
#map1 = affine_map<(d0, d1) -> (0)>
module attributes {stable_mosaic.version = 14 : i64} {
  func.func @_dispatch_sc(%arg0: i32, %arg1: i32, %arg2: memref<16384x2048xf32, #tpu.memory_space<hbm>>, %arg3: memref<8192xf32, #tpu.memory_space<hbm>>, %arg4: memref<4x64xi32, #tpu.memory_space<vmem>>, %arg5: memref<64x128xf32, #tpu.memory_space<vmem>>, %arg6: memref<64x128xf32, #tpu.memory_space<vmem>>, %arg7: memref<64x128xf32, #tpu.memory_space<vmem>>, %arg8: memref<64x128xf32, #tpu.memory_space<vmem>>, %arg9: memref<256xf32, #tpu.memory_space<vmem>>, %arg10: memref<!tpu.dma_semaphore, #tpu.memory_space<semaphore_mem>>, %arg11: memref<!tpu.dma_semaphore, #tpu.memory_space<semaphore_mem>>, %arg12: memref<!tpu.dma_semaphore, #tpu.memory_space<semaphore_mem>>, %arg13: memref<!tpu.dma_semaphore, #tpu.memory_space<semaphore_mem>>) attributes {dimension_semantics = [#tpu.dimension_semantics<core_parallel>, #tpu.dimension_semantics<subcore_parallel>], iteration_bounds = array<i64: 2, 16>, scalar_prefetch = 0 : i64, scratch_operands = 10 : i64, tpu.core_type = #tpu.core_type<sc_vector_subcore>, window_params = [{transform_indices = #map}, {transform_indices = #map1}]} {
    %mul3A = arith.constant 2 : i32
    %mul3A_0 = arith.muli %arg1, %mul3A : i32
    %add3A = arith.addi %mul3A_0, %arg0 : i32
    %jit3A = arith.constant 8 : i32
    %div3A = arith.divsi %add3A, %jit3A : i32
    %sign3A = arith.constant 0 : i32
    %sign3A_1 = arith.cmpi sgt, %add3A, %sign3A : i32
    %sign3A_2 = arith.extui %sign3A_1 : i1 to i32
    %sign3A_3 = arith.constant 0 : i32
    %sign3A_4 = arith.cmpi slt, %add3A, %sign3A_3 : i32
    %sign3A_5 = arith.extui %sign3A_4 : i1 to i32
    %sign3A_6 = arith.subi %sign3A_2, %sign3A_5 : i32
    %sign3A_7 = arith.constant 0 : i32
    %sign3A_8 = arith.cmpi sgt, %jit3A, %sign3A_7 : i32
    %sign3A_9 = arith.extui %sign3A_8 : i1 to i32
    %sign3A_10 = arith.constant 0 : i32
    %sign3A_11 = arith.cmpi slt, %jit3A, %sign3A_10 : i32
    %sign3A_12 = arith.extui %sign3A_11 : i1 to i32
    %sign3A_13 = arith.subi %sign3A_9, %sign3A_12 : i32
    %ne3A = arith.cmpi ne, %sign3A_6, %sign3A_13 : i32
    %rem3A = arith.remsi %add3A, %jit3A : i32
    %ne3A_14 = arith.constant 0 : i32
    %ne3A_15 = arith.cmpi ne, %rem3A, %ne3A_14 : i32
    %and3A = arith.andi %ne3A, %ne3A_15 : i1
    %sub3A = arith.constant 1 : i32
    %sub3A_16 = arith.subi %div3A, %sub3A : i32
    %select_n3A = arith.select %and3A, %sub3A_16, %div3A : i32
    %jit3A_17 = arith.constant 8 : i32
    %eq3A = arith.constant 0 : i32
    %eq3A_18 = arith.cmpi eq, %jit3A_17, %eq3A : i32
    %jit3A_19 = arith.constant 1 : i32
    %select_n3A_20 = arith.select %eq3A_18, %jit3A_19, %jit3A_17 : i32
    %rem3A_21 = arith.remsi %add3A, %select_n3A_20 : i32
    %ne3A_22 = arith.constant 0 : i32
    %ne3A_23 = arith.cmpi ne, %rem3A_21, %ne3A_22 : i32
    %lt3A = arith.constant 0 : i32
    %lt3A_24 = arith.cmpi slt, %rem3A_21, %lt3A : i32
    %lt3A_25 = arith.constant 0 : i32
    %lt3A_26 = arith.cmpi slt, %select_n3A_20, %lt3A_25 : i32
    %ne3A_27 = arith.xori %lt3A_24, %lt3A_26 : i1
    %and3A_28 = arith.andi %ne3A_27, %ne3A_23 : i1
    %add3A_29 = arith.addi %rem3A_21, %select_n3A_20 : i32
    %select_n3A_30 = arith.select %and3A_28, %add3A_29, %rem3A_21 : i32
    %mul3A_31 = arith.constant 256 : i32
    %mul3A_32 = arith.muli %select_n3A_30, %mul3A_31 : i32
    %mul3A_33 = arith.constant 4096 : i32
    %mul3A_34 = arith.muli %select_n3A, %mul3A_33 : i32
    %add3A_35 = arith.addi %mul3A_34, %mul3A_32 : i32
    %iota3A = tpu.iota {dimensions = array<i32: 0>} : vector<16xi32>
    %scan3A = arith.constant 0 : i32
    %scan3A_36 = arith.constant 4 : i32
    %scan3A_37 = arith.addi %scan3A, %scan3A_36 : i32
    %scan3A_38 = arith.constant 1 : i32
    scf.for %scan3A_131 = %scan3A to %scan3A_37 step %scan3A_38  : i32 {
      %mul3A_132 = arith.constant 1 : i32
      %mul3A_133 = arith.muli %scan3A_131, %mul3A_132 : i32
      %add3A_134 = arith.constant 0 : i32
      %add3A_135 = arith.addi %add3A_134, %mul3A_133 : i32
      %add3A_136 = arith.constant 0 : i32
      %add3A_137 = arith.addi %add3A_35, %add3A_136 : i32
      %mul3A_138 = arith.constant 16 : i32
      %mul3A_139 = arith.muli %add3A_135, %mul3A_138 : i32
      %add3A_140 = arith.addi %add3A_137, %mul3A_139 : i32
      %add3A_141 = vector.broadcast %add3A_140 : i32 to vector<16xi32>
      %add3A_142 = arith.addi %add3A_141, %iota3A : vector<16xi32>
      %mul3A_143 = arith.constant 16 : i32
      %mul3A_144 = arith.muli %add3A_135, %mul3A_143 : i32
      %swap3A = arith.constant 0 : i32
      %swap3A_145 = arith.index_cast %swap3A : i32 to index
      %swap3A_146 = arith.index_cast %mul3A_144 : i32 to index
      %swap3A_147 = tpu.vector_load %arg4[%swap3A_145, %swap3A_146] {strides = array<i32>} : memref<4x64xi32, #tpu.memory_space<vmem>>, vector<1x16xi32>,
      %swap3A_148 = vector.shape_cast %swap3A_147 : vector<1x16xi32> to vector<16xi32>
      %swap3A_149 = vector.shape_cast %add3A_142 : vector<16xi32> to vector<1x16xi32>
      tpu.vector_store %arg4[%swap3A_145, %swap3A_146], %swap3A_149 {strides = array<i32>} : memref<4x64xi32, #tpu.memory_space<vmem>>, vector<1x16xi32>,
    }
    %scan3A_39 = arith.constant 4 : i32
    %dma_start3A = arith.constant 0 : i32
    %dma_start3A_40 = arith.constant 0 : i32
    %dma_start3A_41 = tpu.memref_slice %arg4[%dma_start3A, %dma_start3A_40] : memref<4x64xi32, #tpu.memory_space<vmem>> -> memref<1x64xi32, #tpu.memory_space<vmem>>
    %dma_start3A_42 = tpu.memref_squeeze %dma_start3A_41 : memref<1x64xi32, #tpu.memory_space<vmem>> -> memref<64xi32, #tpu.memory_space<vmem>>
    %dma_start3A_43 = arith.constant 0 : i32
    %dma_start3A_44 = arith.constant 0 : i32
    %dma_start3A_45 = tpu.memref_slice %arg2[%dma_start3A_43, %dma_start3A_44] : memref<16384x2048xf32, #tpu.memory_space<hbm>> -> memref<16384x128xf32, #tpu.memory_space<hbm>>
    tpu.enqueue_indirect_dma source(%dma_start3A_45 : memref<16384x128xf32, #tpu.memory_space<hbm>>) target(%arg5 : memref<64x128xf32, #tpu.memory_space<vmem>>) offsets(%dma_start3A_42 : memref<64xi32, #tpu.memory_space<vmem>>) semaphore(%arg10 : memref<!tpu.dma_semaphore, #tpu.memory_space<semaphore_mem>>)
    %scan3A_46 = arith.constant 0 : i32
    %scan3A_47 = arith.constant 4 : i32
    %scan3A_48 = arith.addi %scan3A_46, %scan3A_47 : i32
    %scan3A_49 = arith.constant 1 : i32
    scf.for %scan3A_131 = %scan3A_46 to %scan3A_48 step %scan3A_49  : i32 {
      %mul3A_132 = arith.constant 1 : i32
      %mul3A_133 = arith.muli %scan3A_131, %mul3A_132 : i32
      %add3A_134 = arith.constant 0 : i32
      %add3A_135 = arith.addi %add3A_134, %mul3A_133 : i32
      %add3A_136 = arith.constant 64 : i32
      %add3A_137 = arith.addi %add3A_35, %add3A_136 : i32
      %mul3A_138 = arith.constant 16 : i32
      %mul3A_139 = arith.muli %add3A_135, %mul3A_138 : i32
      %add3A_140 = arith.addi %add3A_137, %mul3A_139 : i32
      %add3A_141 = vector.broadcast %add3A_140 : i32 to vector<16xi32>
      %add3A_142 = arith.addi %add3A_141, %iota3A : vector<16xi32>
      %mul3A_143 = arith.constant 16 : i32
      %mul3A_144 = arith.muli %add3A_135, %mul3A_143 : i32
      %swap3A = arith.constant 1 : i32
      %swap3A_145 = arith.index_cast %swap3A : i32 to index
      %swap3A_146 = arith.index_cast %mul3A_144 : i32 to index
      %swap3A_147 = tpu.vector_load %arg4[%swap3A_145, %swap3A_146] {strides = array<i32>} : memref<4x64xi32, #tpu.memory_space<vmem>>, vector<1x16xi32>,
      %swap3A_148 = vector.shape_cast %swap3A_147 : vector<1x16xi32> to vector<16xi32>
      %swap3A_149 = vector.shape_cast %add3A_142 : vector<16xi32> to vector<1x16xi32>
      tpu.vector_store %arg4[%swap3A_145, %swap3A_146], %swap3A_149 {strides = array<i32>} : memref<4x64xi32, #tpu.memory_space<vmem>>, vector<1x16xi32>,
    }
    %scan3A_50 = arith.constant 4 : i32
    %dma_start3A_51 = arith.constant 1 : i32
    %dma_start3A_52 = arith.constant 0 : i32
    %dma_start3A_53 = tpu.memref_slice %arg4[%dma_start3A_51, %dma_start3A_52] : memref<4x64xi32, #tpu.memory_space<vmem>> -> memref<1x64xi32, #tpu.memory_space<vmem>>
    %dma_start3A_54 = tpu.memref_squeeze %dma_start3A_53 : memref<1x64xi32, #tpu.memory_space<vmem>> -> memref<64xi32, #tpu.memory_space<vmem>>
    %dma_start3A_55 = arith.constant 0 : i32
    %dma_start3A_56 = arith.constant 0 : i32
    %dma_start3A_57 = tpu.memref_slice %arg2[%dma_start3A_55, %dma_start3A_56] : memref<16384x2048xf32, #tpu.memory_space<hbm>> -> memref<16384x128xf32, #tpu.memory_space<hbm>>
    tpu.enqueue_indirect_dma source(%dma_start3A_57 : memref<16384x128xf32, #tpu.memory_space<hbm>>) target(%arg6 : memref<64x128xf32, #tpu.memory_space<vmem>>) offsets(%dma_start3A_54 : memref<64xi32, #tpu.memory_space<vmem>>) semaphore(%arg11 : memref<!tpu.dma_semaphore, #tpu.memory_space<semaphore_mem>>)
    %scan3A_58 = arith.constant 0 : i32
    %scan3A_59 = arith.constant 4 : i32
    %scan3A_60 = arith.addi %scan3A_58, %scan3A_59 : i32
    %scan3A_61 = arith.constant 1 : i32
    scf.for %scan3A_131 = %scan3A_58 to %scan3A_60 step %scan3A_61  : i32 {
      %mul3A_132 = arith.constant 1 : i32
      %mul3A_133 = arith.muli %scan3A_131, %mul3A_132 : i32
      %add3A_134 = arith.constant 0 : i32
      %add3A_135 = arith.addi %add3A_134, %mul3A_133 : i32
      %add3A_136 = arith.constant 128 : i32
      %add3A_137 = arith.addi %add3A_35, %add3A_136 : i32
      %mul3A_138 = arith.constant 16 : i32
      %mul3A_139 = arith.muli %add3A_135, %mul3A_138 : i32
      %add3A_140 = arith.addi %add3A_137, %mul3A_139 : i32
      %add3A_141 = vector.broadcast %add3A_140 : i32 to vector<16xi32>
      %add3A_142 = arith.addi %add3A_141, %iota3A : vector<16xi32>
      %mul3A_143 = arith.constant 16 : i32
      %mul3A_144 = arith.muli %add3A_135, %mul3A_143 : i32
      %swap3A = arith.constant 2 : i32
      %swap3A_145 = arith.index_cast %swap3A : i32 to index
      %swap3A_146 = arith.index_cast %mul3A_144 : i32 to index
      %swap3A_147 = tpu.vector_load %arg4[%swap3A_145, %swap3A_146] {strides = array<i32>} : memref<4x64xi32, #tpu.memory_space<vmem>>, vector<1x16xi32>,
      %swap3A_148 = vector.shape_cast %swap3A_147 : vector<1x16xi32> to vector<16xi32>
      %swap3A_149 = vector.shape_cast %add3A_142 : vector<16xi32> to vector<1x16xi32>
      tpu.vector_store %arg4[%swap3A_145, %swap3A_146], %swap3A_149 {strides = array<i32>} : memref<4x64xi32, #tpu.memory_space<vmem>>, vector<1x16xi32>,
    }
    %scan3A_62 = arith.constant 4 : i32
    %dma_start3A_63 = arith.constant 2 : i32
    %dma_start3A_64 = arith.constant 0 : i32
    %dma_start3A_65 = tpu.memref_slice %arg4[%dma_start3A_63, %dma_start3A_64] : memref<4x64xi32, #tpu.memory_space<vmem>> -> memref<1x64xi32, #tpu.memory_space<vmem>>
    %dma_start3A_66 = tpu.memref_squeeze %dma_start3A_65 : memref<1x64xi32, #tpu.memory_space<vmem>> -> memref<64xi32, #tpu.memory_space<vmem>>
    %dma_start3A_67 = arith.constant 0 : i32
    %dma_start3A_68 = arith.constant 0 : i32
    %dma_start3A_69 = tpu.memref_slice %arg2[%dma_start3A_67, %dma_start3A_68] : memref<16384x2048xf32, #tpu.memory_space<hbm>> -> memref<16384x128xf32, #tpu.memory_space<hbm>>
    tpu.enqueue_indirect_dma source(%dma_start3A_69 : memref<16384x128xf32, #tpu.memory_space<hbm>>) target(%arg7 : memref<64x128xf32, #tpu.memory_space<vmem>>) offsets(%dma_start3A_66 : memref<64xi32, #tpu.memory_space<vmem>>) semaphore(%arg12 : memref<!tpu.dma_semaphore, #tpu.memory_space<semaphore_mem>>)
    %scan3A_70 = arith.constant 0 : i32
    %scan3A_71 = arith.constant 4 : i32
    %scan3A_72 = arith.addi %scan3A_70, %scan3A_71 : i32
    %scan3A_73 = arith.constant 1 : i32
    scf.for %scan3A_131 = %scan3A_70 to %scan3A_72 step %scan3A_73  : i32 {
      %mul3A_132 = arith.constant 1 : i32
      %mul3A_133 = arith.muli %scan3A_131, %mul3A_132 : i32
      %add3A_134 = arith.constant 0 : i32
      %add3A_135 = arith.addi %add3A_134, %mul3A_133 : i32
      %add3A_136 = arith.constant 192 : i32
      %add3A_137 = arith.addi %add3A_35, %add3A_136 : i32
      %mul3A_138 = arith.constant 16 : i32
      %mul3A_139 = arith.muli %add3A_135, %mul3A_138 : i32
      %add3A_140 = arith.addi %add3A_137, %mul3A_139 : i32
      %add3A_141 = vector.broadcast %add3A_140 : i32 to vector<16xi32>
      %add3A_142 = arith.addi %add3A_141, %iota3A : vector<16xi32>
      %mul3A_143 = arith.constant 16 : i32
      %mul3A_144 = arith.muli %add3A_135, %mul3A_143 : i32
      %swap3A = arith.constant 3 : i32
      %swap3A_145 = arith.index_cast %swap3A : i32 to index
      %swap3A_146 = arith.index_cast %mul3A_144 : i32 to index
      %swap3A_147 = tpu.vector_load %arg4[%swap3A_145, %swap3A_146] {strides = array<i32>} : memref<4x64xi32, #tpu.memory_space<vmem>>, vector<1x16xi32>,
      %swap3A_148 = vector.shape_cast %swap3A_147 : vector<1x16xi32> to vector<16xi32>
      %swap3A_149 = vector.shape_cast %add3A_142 : vector<16xi32> to vector<1x16xi32>
      tpu.vector_store %arg4[%swap3A_145, %swap3A_146], %swap3A_149 {strides = array<i32>} : memref<4x64xi32, #tpu.memory_space<vmem>>, vector<1x16xi32>,
    }
    %scan3A_74 = arith.constant 4 : i32
    %dma_start3A_75 = arith.constant 3 : i32
    %dma_start3A_76 = arith.constant 0 : i32
    %dma_start3A_77 = tpu.memref_slice %arg4[%dma_start3A_75, %dma_start3A_76] : memref<4x64xi32, #tpu.memory_space<vmem>> -> memref<1x64xi32, #tpu.memory_space<vmem>>
    %dma_start3A_78 = tpu.memref_squeeze %dma_start3A_77 : memref<1x64xi32, #tpu.memory_space<vmem>> -> memref<64xi32, #tpu.memory_space<vmem>>
    %dma_start3A_79 = arith.constant 0 : i32
    %dma_start3A_80 = arith.constant 0 : i32
    %dma_start3A_81 = tpu.memref_slice %arg2[%dma_start3A_79, %dma_start3A_80] : memref<16384x2048xf32, #tpu.memory_space<hbm>> -> memref<16384x128xf32, #tpu.memory_space<hbm>>
    tpu.enqueue_indirect_dma source(%dma_start3A_81 : memref<16384x128xf32, #tpu.memory_space<hbm>>) target(%arg8 : memref<64x128xf32, #tpu.memory_space<vmem>>) offsets(%dma_start3A_78 : memref<64xi32, #tpu.memory_space<vmem>>) semaphore(%arg13 : memref<!tpu.dma_semaphore, #tpu.memory_space<semaphore_mem>>)
    %dma_wait3A = arith.constant 0 : i32
    %dma_wait3A_82 = arith.constant 0 : i32
    %dma_wait3A_83 = tpu.memref_slice %arg4[%dma_wait3A, %dma_wait3A_82] : memref<4x64xi32, #tpu.memory_space<vmem>> -> memref<1x64xi32, #tpu.memory_space<vmem>>
    %dma_wait3A_84 = tpu.memref_squeeze %dma_wait3A_83 : memref<1x64xi32, #tpu.memory_space<vmem>> -> memref<64xi32, #tpu.memory_space<vmem>>
    %dma_wait3A_85 = arith.constant 0 : i32
    %dma_wait3A_86 = arith.constant 0 : i32
    %dma_wait3A_87 = tpu.memref_slice %arg2[%dma_wait3A_85, %dma_wait3A_86] : memref<16384x2048xf32, #tpu.memory_space<hbm>> -> memref<16384x128xf32, #tpu.memory_space<hbm>>
    tpu.wait_indirect_dma semaphore(%arg10 : memref<!tpu.dma_semaphore, #tpu.memory_space<semaphore_mem>>) src(%dma_wait3A_87 : memref<16384x128xf32, #tpu.memory_space<hbm>>) dst(%arg5 : memref<64x128xf32, #tpu.memory_space<vmem>>)
    %scan3A_88 = arith.constant 0 : i32
    %scan3A_89 = arith.constant 4 : i32
    %scan3A_90 = arith.addi %scan3A_88, %scan3A_89 : i32
    %scan3A_91 = arith.constant 1 : i32
    scf.for %scan3A_131 = %scan3A_88 to %scan3A_90 step %scan3A_91  : i32 {
      %mul3A_132 = arith.constant 1 : i32
      %mul3A_133 = arith.muli %scan3A_131, %mul3A_132 : i32
      %add3A_134 = arith.constant 0 : i32
      %add3A_135 = arith.addi %add3A_134, %mul3A_133 : i32
      %convert_element_type3A = arith.sitofp %iota3A : vector<16xi32> to vector<16xf32>
      %mul3A_136 = arith.constant 0.000000e+00 : f32
      %mul3A_137 = vector.broadcast %mul3A_136 : f32 to vector<16xf32>
      %mul3A_138 = arith.mulf %convert_element_type3A, %mul3A_137 : vector<16xf32>
      %mul3A_139 = arith.constant 16 : i32
      %mul3A_140 = arith.muli %add3A_135, %mul3A_139 : i32
      %add3A_141 = arith.constant 0 : i32
      %add3A_142 = arith.addi %mul3A_140, %add3A_141 : i32
      %get3A = arith.index_cast %add3A_142 : i32 to index
      %get3A_143 = arith.constant 0 : index
      %get3A_144 = tpu.vector_load %arg5[%get3A, %get3A_143] {strides = array<i32>} : memref<64x128xf32, #tpu.memory_space<vmem>>, vector<1x16xf32>,
      %get3A_145 = vector.shape_cast %get3A_144 : vector<1x16xf32> to vector<16xf32>
      %slice3A = vector.extract_strided_slice %get3A_145 {offsets = [0], sizes = [1], strides = [1]} : vector<16xf32> to vector<1xf32>
      %squeeze3A = vector.extract %slice3A[0] : f32 from vector<1xf32>
      %eq3A_146 = arith.constant 0 : i32
      %eq3A_147 = vector.broadcast %eq3A_146 : i32 to vector<16xi32>
      %eq3A_148 = arith.cmpi eq, %iota3A, %eq3A_147 : vector<16xi32>
      %broadcast_in_dim3A = vector.broadcast %squeeze3A : f32 to vector<16xf32>
      %select_n3A_149 = arith.select %eq3A_148, %broadcast_in_dim3A, %mul3A_138 : vector<16xi1>, vector<16xf32>
      %mul3A_150 = arith.constant 16 : i32
      %mul3A_151 = arith.muli %add3A_135, %mul3A_150 : i32
      %add3A_152 = arith.constant 1 : i32
      %add3A_153 = arith.addi %mul3A_151, %add3A_152 : i32
      %get3A_154 = arith.index_cast %add3A_153 : i32 to index
      %get3A_155 = arith.constant 0 : index
      %get3A_156 = tpu.vector_load %arg5[%get3A_154, %get3A_155] {strides = array<i32>} : memref<64x128xf32, #tpu.memory_space<vmem>>, vector<1x16xf32>,
      %get3A_157 = vector.shape_cast %get3A_156 : vector<1x16xf32> to vector<16xf32>
      %slice3A_158 = vector.extract_strided_slice %get3A_157 {offsets = [0], sizes = [1], strides = [1]} : vector<16xf32> to vector<1xf32>
      %squeeze3A_159 = vector.extract %slice3A_158[0] : f32 from vector<1xf32>
      %eq3A_160 = arith.constant 1 : i32
      %eq3A_161 = vector.broadcast %eq3A_160 : i32 to vector<16xi32>
      %eq3A_162 = arith.cmpi eq, %iota3A, %eq3A_161 : vector<16xi32>
      %broadcast_in_dim3A_163 = vector.broadcast %squeeze3A_159 : f32 to vector<16xf32>
      %select_n3A_164 = arith.select %eq3A_162, %broadcast_in_dim3A_163, %select_n3A_149 : vector<16xi1>, vector<16xf32>
      %mul3A_165 = arith.constant 16 : i32
      %mul3A_166 = arith.muli %add3A_135, %mul3A_165 : i32
      %add3A_167 = arith.constant 2 : i32
      %add3A_168 = arith.addi %mul3A_166, %add3A_167 : i32
      %get3A_169 = arith.index_cast %add3A_168 : i32 to index
      %get3A_170 = arith.constant 0 : index
      %get3A_171 = tpu.vector_load %arg5[%get3A_169, %get3A_170] {strides = array<i32>} : memref<64x128xf32, #tpu.memory_space<vmem>>, vector<1x16xf32>,
      %get3A_172 = vector.shape_cast %get3A_171 : vector<1x16xf32> to vector<16xf32>
      %slice3A_173 = vector.extract_strided_slice %get3A_172 {offsets = [0], sizes = [1], strides = [1]} : vector<16xf32> to vector<1xf32>
      %squeeze3A_174 = vector.extract %slice3A_173[0] : f32 from vector<1xf32>
      %eq3A_175 = arith.constant 2 : i32
      %eq3A_176 = vector.broadcast %eq3A_175 : i32 to vector<16xi32>
      %eq3A_177 = arith.cmpi eq, %iota3A, %eq3A_176 : vector<16xi32>
      %broadcast_in_dim3A_178 = vector.broadcast %squeeze3A_174 : f32 to vector<16xf32>
      %select_n3A_179 = arith.select %eq3A_177, %broadcast_in_dim3A_178, %select_n3A_164 : vector<16xi1>, vector<16xf32>
      %mul3A_180 = arith.constant 16 : i32
      %mul3A_181 = arith.muli %add3A_135, %mul3A_180 : i32
      %add3A_182 = arith.constant 3 : i32
      %add3A_183 = arith.addi %mul3A_181, %add3A_182 : i32
      %get3A_184 = arith.index_cast %add3A_183 : i32 to index
      %get3A_185 = arith.constant 0 : index
      %get3A_186 = tpu.vector_load %arg5[%get3A_184, %get3A_185] {strides = array<i32>} : memref<64x128xf32, #tpu.memory_space<vmem>>, vector<1x16xf32>,
      %get3A_187 = vector.shape_cast %get3A_186 : vector<1x16xf32> to vector<16xf32>
      %slice3A_188 = vector.extract_strided_slice %get3A_187 {offsets = [0], sizes = [1], strides = [1]} : vector<16xf32> to vector<1xf32>
      %squeeze3A_189 = vector.extract %slice3A_188[0] : f32 from vector<1xf32>
      %eq3A_190 = arith.constant 3 : i32
      %eq3A_191 = vector.broadcast %eq3A_190 : i32 to vector<16xi32>
      %eq3A_192 = arith.cmpi eq, %iota3A, %eq3A_191 : vector<16xi32>
      %broadcast_in_dim3A_193 = vector.broadcast %squeeze3A_189 : f32 to vector<16xf32>
      %select_n3A_194 = arith.select %eq3A_192, %broadcast_in_dim3A_193, %select_n3A_179 : vector<16xi1>, vector<16xf32>
      %mul3A_195 = arith.constant 16 : i32
      %mul3A_196 = arith.muli %add3A_135, %mul3A_195 : i32
      %add3A_197 = arith.constant 4 : i32
      %add3A_198 = arith.addi %mul3A_196, %add3A_197 : i32
      %get3A_199 = arith.index_cast %add3A_198 : i32 to index
      %get3A_200 = arith.constant 0 : index
      %get3A_201 = tpu.vector_load %arg5[%get3A_199, %get3A_200] {strides = array<i32>} : memref<64x128xf32, #tpu.memory_space<vmem>>, vector<1x16xf32>,
      %get3A_202 = vector.shape_cast %get3A_201 : vector<1x16xf32> to vector<16xf32>
      %slice3A_203 = vector.extract_strided_slice %get3A_202 {offsets = [0], sizes = [1], strides = [1]} : vector<16xf32> to vector<1xf32>
      %squeeze3A_204 = vector.extract %slice3A_203[0] : f32 from vector<1xf32>
      %eq3A_205 = arith.constant 4 : i32
      %eq3A_206 = vector.broadcast %eq3A_205 : i32 to vector<16xi32>
      %eq3A_207 = arith.cmpi eq, %iota3A, %eq3A_206 : vector<16xi32>
      %broadcast_in_dim3A_208 = vector.broadcast %squeeze3A_204 : f32 to vector<16xf32>
      %select_n3A_209 = arith.select %eq3A_207, %broadcast_in_dim3A_208, %select_n3A_194 : vector<16xi1>, vector<16xf32>
      %mul3A_210 = arith.constant 16 : i32
      %mul3A_211 = arith.muli %add3A_135, %mul3A_210 : i32
      %add3A_212 = arith.constant 5 : i32
      %add3A_213 = arith.addi %mul3A_211, %add3A_212 : i32
      %get3A_214 = arith.index_cast %add3A_213 : i32 to index
      %get3A_215 = arith.constant 0 : index
      %get3A_216 = tpu.vector_load %arg5[%get3A_214, %get3A_215] {strides = array<i32>} : memref<64x128xf32, #tpu.memory_space<vmem>>, vector<1x16xf32>,
      %get3A_217 = vector.shape_cast %get3A_216 : vector<1x16xf32> to vector<16xf32>
      %slice3A_218 = vector.extract_strided_slice %get3A_217 {offsets = [0], sizes = [1], strides = [1]} : vector<16xf32> to vector<1xf32>
      %squeeze3A_219 = vector.extract %slice3A_218[0] : f32 from vector<1xf32>
      %eq3A_220 = arith.constant 5 : i32
      %eq3A_221 = vector.broadcast %eq3A_220 : i32 to vector<16xi32>
      %eq3A_222 = arith.cmpi eq, %iota3A, %eq3A_221 : vector<16xi32>
      %broadcast_in_dim3A_223 = vector.broadcast %squeeze3A_219 : f32 to vector<16xf32>
      %select_n3A_224 = arith.select %eq3A_222, %broadcast_in_dim3A_223, %select_n3A_209 : vector<16xi1>, vector<16xf32>
      %mul3A_225 = arith.constant 16 : i32
      %mul3A_226 = arith.muli %add3A_135, %mul3A_225 : i32
      %add3A_227 = arith.constant 6 : i32
      %add3A_228 = arith.addi %mul3A_226, %add3A_227 : i32
      %get3A_229 = arith.index_cast %add3A_228 : i32 to index
      %get3A_230 = arith.constant 0 : index
      %get3A_231 = tpu.vector_load %arg5[%get3A_229, %get3A_230] {strides = array<i32>} : memref<64x128xf32, #tpu.memory_space<vmem>>, vector<1x16xf32>,
      %get3A_232 = vector.shape_cast %get3A_231 : vector<1x16xf32> to vector<16xf32>
      %slice3A_233 = vector.extract_strided_slice %get3A_232 {offsets = [0], sizes = [1], strides = [1]} : vector<16xf32> to vector<1xf32>
      %squeeze3A_234 = vector.extract %slice3A_233[0] : f32 from vector<1xf32>
      %eq3A_235 = arith.constant 6 : i32
      %eq3A_236 = vector.broadcast %eq3A_235 : i32 to vector<16xi32>
      %eq3A_237 = arith.cmpi eq, %iota3A, %eq3A_236 : vector<16xi32>
      %broadcast_in_dim3A_238 = vector.broadcast %squeeze3A_234 : f32 to vector<16xf32>
      %select_n3A_239 = arith.select %eq3A_237, %broadcast_in_dim3A_238, %select_n3A_224 : vector<16xi1>, vector<16xf32>
      %mul3A_240 = arith.constant 16 : i32
      %mul3A_241 = arith.muli %add3A_135, %mul3A_240 : i32
      %add3A_242 = arith.constant 7 : i32
      %add3A_243 = arith.addi %mul3A_241, %add3A_242 : i32
      %get3A_244 = arith.index_cast %add3A_243 : i32 to index
      %get3A_245 = arith.constant 0 : index
      %get3A_246 = tpu.vector_load %arg5[%get3A_244, %get3A_245] {strides = array<i32>} : memref<64x128xf32, #tpu.memory_space<vmem>>, vector<1x16xf32>,
      %get3A_247 = vector.shape_cast %get3A_246 : vector<1x16xf32> to vector<16xf32>
      %slice3A_248 = vector.extract_strided_slice %get3A_247 {offsets = [0], sizes = [1], strides = [1]} : vector<16xf32> to vector<1xf32>
      %squeeze3A_249 = vector.extract %slice3A_248[0] : f32 from vector<1xf32>
      %eq3A_250 = arith.constant 7 : i32
      %eq3A_251 = vector.broadcast %eq3A_250 : i32 to vector<16xi32>
      %eq3A_252 = arith.cmpi eq, %iota3A, %eq3A_251 : vector<16xi32>
      %broadcast_in_dim3A_253 = vector.broadcast %squeeze3A_249 : f32 to vector<16xf32>
      %select_n3A_254 = arith.select %eq3A_252, %broadcast_in_dim3A_253, %select_n3A_239 : vector<16xi1>, vector<16xf32>
      %mul3A_255 = arith.constant 16 : i32
      %mul3A_256 = arith.muli %add3A_135, %mul3A_255 : i32
      %add3A_257 = arith.constant 8 : i32
      %add3A_258 = arith.addi %mul3A_256, %add3A_257 : i32
      %get3A_259 = arith.index_cast %add3A_258 : i32 to index
      %get3A_260 = arith.constant 0 : index
      %get3A_261 = tpu.vector_load %arg5[%get3A_259, %get3A_260] {strides = array<i32>} : memref<64x128xf32, #tpu.memory_space<vmem>>, vector<1x16xf32>,
      %get3A_262 = vector.shape_cast %get3A_261 : vector<1x16xf32> to vector<16xf32>
      %slice3A_263 = vector.extract_strided_slice %get3A_262 {offsets = [0], sizes = [1], strides = [1]} : vector<16xf32> to vector<1xf32>
      %squeeze3A_264 = vector.extract %slice3A_263[0] : f32 from vector<1xf32>
      %eq3A_265 = arith.constant 8 : i32
      %eq3A_266 = vector.broadcast %eq3A_265 : i32 to vector<16xi32>
      %eq3A_267 = arith.cmpi eq, %iota3A, %eq3A_266 : vector<16xi32>
      %broadcast_in_dim3A_268 = vector.broadcast %squeeze3A_264 : f32 to vector<16xf32>
      %select_n3A_269 = arith.select %eq3A_267, %broadcast_in_dim3A_268, %select_n3A_254 : vector<16xi1>, vector<16xf32>
      %mul3A_270 = arith.constant 16 : i32
      %mul3A_271 = arith.muli %add3A_135, %mul3A_270 : i32
      %add3A_272 = arith.constant 9 : i32
      %add3A_273 = arith.addi %mul3A_271, %add3A_272 : i32
      %get3A_274 = arith.index_cast %add3A_273 : i32 to index
      %get3A_275 = arith.constant 0 : index
      %get3A_276 = tpu.vector_load %arg5[%get3A_274, %get3A_275] {strides = array<i32>} : memref<64x128xf32, #tpu.memory_space<vmem>>, vector<1x16xf32>,
      %get3A_277 = vector.shape_cast %get3A_276 : vector<1x16xf32> to vector<16xf32>
      %slice3A_278 = vector.extract_strided_slice %get3A_277 {offsets = [0], sizes = [1], strides = [1]} : vector<16xf32> to vector<1xf32>
      %squeeze3A_279 = vector.extract %slice3A_278[0] : f32 from vector<1xf32>
      %eq3A_280 = arith.constant 9 : i32
      %eq3A_281 = vector.broadcast %eq3A_280 : i32 to vector<16xi32>
      %eq3A_282 = arith.cmpi eq, %iota3A, %eq3A_281 : vector<16xi32>
      %broadcast_in_dim3A_283 = vector.broadcast %squeeze3A_279 : f32 to vector<16xf32>
      %select_n3A_284 = arith.select %eq3A_282, %broadcast_in_dim3A_283, %select_n3A_269 : vector<16xi1>, vector<16xf32>
      %mul3A_285 = arith.constant 16 : i32
      %mul3A_286 = arith.muli %add3A_135, %mul3A_285 : i32
      %add3A_287 = arith.constant 10 : i32
      %add3A_288 = arith.addi %mul3A_286, %add3A_287 : i32
      %get3A_289 = arith.index_cast %add3A_288 : i32 to index
      %get3A_290 = arith.constant 0 : index
      %get3A_291 = tpu.vector_load %arg5[%get3A_289, %get3A_290] {strides = array<i32>} : memref<64x128xf32, #tpu.memory_space<vmem>>, vector<1x16xf32>,
      %get3A_292 = vector.shape_cast %get3A_291 : vector<1x16xf32> to vector<16xf32>
      %slice3A_293 = vector.extract_strided_slice %get3A_292 {offsets = [0], sizes = [1], strides = [1]} : vector<16xf32> to vector<1xf32>
      %squeeze3A_294 = vector.extract %slice3A_293[0] : f32 from vector<1xf32>
      %eq3A_295 = arith.constant 10 : i32
      %eq3A_296 = vector.broadcast %eq3A_295 : i32 to vector<16xi32>
      %eq3A_297 = arith.cmpi eq, %iota3A, %eq3A_296 : vector<16xi32>
      %broadcast_in_dim3A_298 = vector.broadcast %squeeze3A_294 : f32 to vector<16xf32>
      %select_n3A_299 = arith.select %eq3A_297, %broadcast_in_dim3A_298, %select_n3A_284 : vector<16xi1>, vector<16xf32>
      %mul3A_300 = arith.constant 16 : i32
      %mul3A_301 = arith.muli %add3A_135, %mul3A_300 : i32
      %add3A_302 = arith.constant 11 : i32
      %add3A_303 = arith.addi %mul3A_301, %add3A_302 : i32
      %get3A_304 = arith.index_cast %add3A_303 : i32 to index
      %get3A_305 = arith.constant 0 : index
      %get3A_306 = tpu.vector_load %arg5[%get3A_304, %get3A_305] {strides = array<i32>} : memref<64x128xf32, #tpu.memory_space<vmem>>, vector<1x16xf32>,
      %get3A_307 = vector.shape_cast %get3A_306 : vector<1x16xf32> to vector<16xf32>
      %slice3A_308 = vector.extract_strided_slice %get3A_307 {offsets = [0], sizes = [1], strides = [1]} : vector<16xf32> to vector<1xf32>
      %squeeze3A_309 = vector.extract %slice3A_308[0] : f32 from vector<1xf32>
      %eq3A_310 = arith.constant 11 : i32
      %eq3A_311 = vector.broadcast %eq3A_310 : i32 to vector<16xi32>
      %eq3A_312 = arith.cmpi eq, %iota3A, %eq3A_311 : vector<16xi32>
      %broadcast_in_dim3A_313 = vector.broadcast %squeeze3A_309 : f32 to vector<16xf32>
      %select_n3A_314 = arith.select %eq3A_312, %broadcast_in_dim3A_313, %select_n3A_299 : vector<16xi1>, vector<16xf32>
      %mul3A_315 = arith.constant 16 : i32
      %mul3A_316 = arith.muli %add3A_135, %mul3A_315 : i32
      %add3A_317 = arith.constant 12 : i32
      %add3A_318 = arith.addi %mul3A_316, %add3A_317 : i32
      %get3A_319 = arith.index_cast %add3A_318 : i32 to index
      %get3A_320 = arith.constant 0 : index
      %get3A_321 = tpu.vector_load %arg5[%get3A_319, %get3A_320] {strides = array<i32>} : memref<64x128xf32, #tpu.memory_space<vmem>>, vector<1x16xf32>,
      %get3A_322 = vector.shape_cast %get3A_321 : vector<1x16xf32> to vector<16xf32>
      %slice3A_323 = vector.extract_strided_slice %get3A_322 {offsets = [0], sizes = [1], strides = [1]} : vector<16xf32> to vector<1xf32>
      %squeeze3A_324 = vector.extract %slice3A_323[0] : f32 from vector<1xf32>
      %eq3A_325 = arith.constant 12 : i32
      %eq3A_326 = vector.broadcast %eq3A_325 : i32 to vector<16xi32>
      %eq3A_327 = arith.cmpi eq, %iota3A, %eq3A_326 : vector<16xi32>
      %broadcast_in_dim3A_328 = vector.broadcast %squeeze3A_324 : f32 to vector<16xf32>
      %select_n3A_329 = arith.select %eq3A_327, %broadcast_in_dim3A_328, %select_n3A_314 : vector<16xi1>, vector<16xf32>
      %mul3A_330 = arith.constant 16 : i32
      %mul3A_331 = arith.muli %add3A_135, %mul3A_330 : i32
      %add3A_332 = arith.constant 13 : i32
      %add3A_333 = arith.addi %mul3A_331, %add3A_332 : i32
      %get3A_334 = arith.index_cast %add3A_333 : i32 to index
      %get3A_335 = arith.constant 0 : index
      %get3A_336 = tpu.vector_load %arg5[%get3A_334, %get3A_335] {strides = array<i32>} : memref<64x128xf32, #tpu.memory_space<vmem>>, vector<1x16xf32>,
      %get3A_337 = vector.shape_cast %get3A_336 : vector<1x16xf32> to vector<16xf32>
      %slice3A_338 = vector.extract_strided_slice %get3A_337 {offsets = [0], sizes = [1], strides = [1]} : vector<16xf32> to vector<1xf32>
      %squeeze3A_339 = vector.extract %slice3A_338[0] : f32 from vector<1xf32>
      %eq3A_340 = arith.constant 13 : i32
      %eq3A_341 = vector.broadcast %eq3A_340 : i32 to vector<16xi32>
      %eq3A_342 = arith.cmpi eq, %iota3A, %eq3A_341 : vector<16xi32>
      %broadcast_in_dim3A_343 = vector.broadcast %squeeze3A_339 : f32 to vector<16xf32>
      %select_n3A_344 = arith.select %eq3A_342, %broadcast_in_dim3A_343, %select_n3A_329 : vector<16xi1>, vector<16xf32>
      %mul3A_345 = arith.constant 16 : i32
      %mul3A_346 = arith.muli %add3A_135, %mul3A_345 : i32
      %add3A_347 = arith.constant 14 : i32
      %add3A_348 = arith.addi %mul3A_346, %add3A_347 : i32
      %get3A_349 = arith.index_cast %add3A_348 : i32 to index
      %get3A_350 = arith.constant 0 : index
      %get3A_351 = tpu.vector_load %arg5[%get3A_349, %get3A_350] {strides = array<i32>} : memref<64x128xf32, #tpu.memory_space<vmem>>, vector<1x16xf32>,
      %get3A_352 = vector.shape_cast %get3A_351 : vector<1x16xf32> to vector<16xf32>
      %slice3A_353 = vector.extract_strided_slice %get3A_352 {offsets = [0], sizes = [1], strides = [1]} : vector<16xf32> to vector<1xf32>
      %squeeze3A_354 = vector.extract %slice3A_353[0] : f32 from vector<1xf32>
      %eq3A_355 = arith.constant 14 : i32
      %eq3A_356 = vector.broadcast %eq3A_355 : i32 to vector<16xi32>
      %eq3A_357 = arith.cmpi eq, %iota3A, %eq3A_356 : vector<16xi32>
      %broadcast_in_dim3A_358 = vector.broadcast %squeeze3A_354 : f32 to vector<16xf32>
      %select_n3A_359 = arith.select %eq3A_357, %broadcast_in_dim3A_358, %select_n3A_344 : vector<16xi1>, vector<16xf32>
      %mul3A_360 = arith.constant 16 : i32
      %mul3A_361 = arith.muli %add3A_135, %mul3A_360 : i32
      %add3A_362 = arith.constant 15 : i32
      %add3A_363 = arith.addi %mul3A_361, %add3A_362 : i32
      %get3A_364 = arith.index_cast %add3A_363 : i32 to index
      %get3A_365 = arith.constant 0 : index
      %get3A_366 = tpu.vector_load %arg5[%get3A_364, %get3A_365] {strides = array<i32>} : memref<64x128xf32, #tpu.memory_space<vmem>>, vector<1x16xf32>,
      %get3A_367 = vector.shape_cast %get3A_366 : vector<1x16xf32> to vector<16xf32>
      %slice3A_368 = vector.extract_strided_slice %get3A_367 {offsets = [0], sizes = [1], strides = [1]} : vector<16xf32> to vector<1xf32>
      %squeeze3A_369 = vector.extract %slice3A_368[0] : f32 from vector<1xf32>
      %eq3A_370 = arith.constant 15 : i32
      %eq3A_371 = vector.broadcast %eq3A_370 : i32 to vector<16xi32>
      %eq3A_372 = arith.cmpi eq, %iota3A, %eq3A_371 : vector<16xi32>
      %broadcast_in_dim3A_373 = vector.broadcast %squeeze3A_369 : f32 to vector<16xf32>
      %select_n3A_374 = arith.select %eq3A_372, %broadcast_in_dim3A_373, %select_n3A_359 : vector<16xi1>, vector<16xf32>
      %mul3A_375 = arith.constant 16 : i32
      %mul3A_376 = arith.muli %add3A_135, %mul3A_375 : i32
      %add3A_377 = arith.constant 0 : i32
      %add3A_378 = arith.addi %add3A_377, %mul3A_376 : i32
      %swap3A = arith.index_cast %add3A_378 : i32 to index
      %swap3A_379 = tpu.vector_load %arg9[%swap3A] {strides = array<i32>} : memref<256xf32, #tpu.memory_space<vmem>>, vector<16xf32>,
      %swap3A_380 = vector.shape_cast %swap3A_379 : vector<16xf32> to vector<16xf32>
      %swap3A_381 = vector.shape_cast %select_n3A_374 : vector<16xf32> to vector<16xf32>
      tpu.vector_store %arg9[%swap3A], %swap3A_381 {strides = array<i32>} : memref<256xf32, #tpu.memory_space<vmem>>, vector<16xf32>,
    }
    %scan3A_92 = arith.constant 4 : i32
    %dma_wait3A_93 = arith.constant 1 : i32
    %dma_wait3A_94 = arith.constant 0 : i32
    %dma_wait3A_95 = tpu.memref_slice %arg4[%dma_wait3A_93, %dma_wait3A_94] : memref<4x64xi32, #tpu.memory_space<vmem>> -> memref<1x64xi32, #tpu.memory_space<vmem>>
    %dma_wait3A_96 = tpu.memref_squeeze %dma_wait3A_95 : memref<1x64xi32, #tpu.memory_space<vmem>> -> memref<64xi32, #tpu.memory_space<vmem>>
    %dma_wait3A_97 = arith.constant 0 : i32
    %dma_wait3A_98 = arith.constant 0 : i32
    %dma_wait3A_99 = tpu.memref_slice %arg2[%dma_wait3A_97, %dma_wait3A_98] : memref<16384x2048xf32, #tpu.memory_space<hbm>> -> memref<16384x128xf32, #tpu.memory_space<hbm>>
    tpu.wait_indirect_dma semaphore(%arg11 : memref<!tpu.dma_semaphore, #tpu.memory_space<semaphore_mem>>) src(%dma_wait3A_99 : memref<16384x128xf32, #tpu.memory_space<hbm>>) dst(%arg6 : memref<64x128xf32, #tpu.memory_space<vmem>>)
    %scan3A_100 = arith.constant 0 : i32
    %scan3A_101 = arith.constant 4 : i32
    %scan3A_102 = arith.addi %scan3A_100, %scan3A_101 : i32
    %scan3A_103 = arith.constant 1 : i32
    scf.for %scan3A_131 = %scan3A_100 to %scan3A_102 step %scan3A_103  : i32 {
      %mul3A_132 = arith.constant 1 : i32
      %mul3A_133 = arith.muli %scan3A_131, %mul3A_132 : i32
      %add3A_134 = arith.constant 0 : i32
      %add3A_135 = arith.addi %add3A_134, %mul3A_133 : i32
      %convert_element_type3A = arith.sitofp %iota3A : vector<16xi32> to vector<16xf32>
      %mul3A_136 = arith.constant 0.000000e+00 : f32
      %mul3A_137 = vector.broadcast %mul3A_136 : f32 to vector<16xf32>
      %mul3A_138 = arith.mulf %convert_element_type3A, %mul3A_137 : vector<16xf32>
      %mul3A_139 = arith.constant 16 : i32
      %mul3A_140 = arith.muli %add3A_135, %mul3A_139 : i32
      %add3A_141 = arith.constant 0 : i32
      %add3A_142 = arith.addi %mul3A_140, %add3A_141 : i32
      %get3A = arith.index_cast %add3A_142 : i32 to index
      %get3A_143 = arith.constant 0 : index
      %get3A_144 = tpu.vector_load %arg6[%get3A, %get3A_143] {strides = array<i32>} : memref<64x128xf32, #tpu.memory_space<vmem>>, vector<1x16xf32>,
      %get3A_145 = vector.shape_cast %get3A_144 : vector<1x16xf32> to vector<16xf32>
      %slice3A = vector.extract_strided_slice %get3A_145 {offsets = [0], sizes = [1], strides = [1]} : vector<16xf32> to vector<1xf32>
      %squeeze3A = vector.extract %slice3A[0] : f32 from vector<1xf32>
      %eq3A_146 = arith.constant 0 : i32
      %eq3A_147 = vector.broadcast %eq3A_146 : i32 to vector<16xi32>
      %eq3A_148 = arith.cmpi eq, %iota3A, %eq3A_147 : vector<16xi32>
      %broadcast_in_dim3A = vector.broadcast %squeeze3A : f32 to vector<16xf32>
      %select_n3A_149 = arith.select %eq3A_148, %broadcast_in_dim3A, %mul3A_138 : vector<16xi1>, vector<16xf32>
      %mul3A_150 = arith.constant 16 : i32
      %mul3A_151 = arith.muli %add3A_135, %mul3A_150 : i32
      %add3A_152 = arith.constant 1 : i32
      %add3A_153 = arith.addi %mul3A_151, %add3A_152 : i32
      %get3A_154 = arith.index_cast %add3A_153 : i32 to index
      %get3A_155 = arith.constant 0 : index
      %get3A_156 = tpu.vector_load %arg6[%get3A_154, %get3A_155] {strides = array<i32>} : memref<64x128xf32, #tpu.memory_space<vmem>>, vector<1x16xf32>,
      %get3A_157 = vector.shape_cast %get3A_156 : vector<1x16xf32> to vector<16xf32>
      %slice3A_158 = vector.extract_strided_slice %get3A_157 {offsets = [0], sizes = [1], strides = [1]} : vector<16xf32> to vector<1xf32>
      %squeeze3A_159 = vector.extract %slice3A_158[0] : f32 from vector<1xf32>
      %eq3A_160 = arith.constant 1 : i32
      %eq3A_161 = vector.broadcast %eq3A_160 : i32 to vector<16xi32>
      %eq3A_162 = arith.cmpi eq, %iota3A, %eq3A_161 : vector<16xi32>
      %broadcast_in_dim3A_163 = vector.broadcast %squeeze3A_159 : f32 to vector<16xf32>
      %select_n3A_164 = arith.select %eq3A_162, %broadcast_in_dim3A_163, %select_n3A_149 : vector<16xi1>, vector<16xf32>
      %mul3A_165 = arith.constant 16 : i32
      %mul3A_166 = arith.muli %add3A_135, %mul3A_165 : i32
      %add3A_167 = arith.constant 2 : i32
      %add3A_168 = arith.addi %mul3A_166, %add3A_167 : i32
      %get3A_169 = arith.index_cast %add3A_168 : i32 to index
      %get3A_170 = arith.constant 0 : index
      %get3A_171 = tpu.vector_load %arg6[%get3A_169, %get3A_170] {strides = array<i32>} : memref<64x128xf32, #tpu.memory_space<vmem>>, vector<1x16xf32>,
      %get3A_172 = vector.shape_cast %get3A_171 : vector<1x16xf32> to vector<16xf32>
      %slice3A_173 = vector.extract_strided_slice %get3A_172 {offsets = [0], sizes = [1], strides = [1]} : vector<16xf32> to vector<1xf32>
      %squeeze3A_174 = vector.extract %slice3A_173[0] : f32 from vector<1xf32>
      %eq3A_175 = arith.constant 2 : i32
      %eq3A_176 = vector.broadcast %eq3A_175 : i32 to vector<16xi32>
      %eq3A_177 = arith.cmpi eq, %iota3A, %eq3A_176 : vector<16xi32>
      %broadcast_in_dim3A_178 = vector.broadcast %squeeze3A_174 : f32 to vector<16xf32>
      %select_n3A_179 = arith.select %eq3A_177, %broadcast_in_dim3A_178, %select_n3A_164 : vector<16xi1>, vector<16xf32>
      %mul3A_180 = arith.constant 16 : i32
      %mul3A_181 = arith.muli %add3A_135, %mul3A_180 : i32
      %add3A_182 = arith.constant 3 : i32
      %add3A_183 = arith.addi %mul3A_181, %add3A_182 : i32
      %get3A_184 = arith.index_cast %add3A_183 : i32 to index
      %get3A_185 = arith.constant 0 : index
      %get3A_186 = tpu.vector_load %arg6[%get3A_184, %get3A_185] {strides = array<i32>} : memref<64x128xf32, #tpu.memory_space<vmem>>, vector<1x16xf32>,
      %get3A_187 = vector.shape_cast %get3A_186 : vector<1x16xf32> to vector<16xf32>
      %slice3A_188 = vector.extract_strided_slice %get3A_187 {offsets = [0], sizes = [1], strides = [1]} : vector<16xf32> to vector<1xf32>
      %squeeze3A_189 = vector.extract %slice3A_188[0] : f32 from vector<1xf32>
      %eq3A_190 = arith.constant 3 : i32
      %eq3A_191 = vector.broadcast %eq3A_190 : i32 to vector<16xi32>
      %eq3A_192 = arith.cmpi eq, %iota3A, %eq3A_191 : vector<16xi32>
      %broadcast_in_dim3A_193 = vector.broadcast %squeeze3A_189 : f32 to vector<16xf32>
      %select_n3A_194 = arith.select %eq3A_192, %broadcast_in_dim3A_193, %select_n3A_179 : vector<16xi1>, vector<16xf32>
      %mul3A_195 = arith.constant 16 : i32
      %mul3A_196 = arith.muli %add3A_135, %mul3A_195 : i32
      %add3A_197 = arith.constant 4 : i32
      %add3A_198 = arith.addi %mul3A_196, %add3A_197 : i32
      %get3A_199 = arith.index_cast %add3A_198 : i32 to index
      %get3A_200 = arith.constant 0 : index
      %get3A_201 = tpu.vector_load %arg6[%get3A_199, %get3A_200] {strides = array<i32>} : memref<64x128xf32, #tpu.memory_space<vmem>>, vector<1x16xf32>,
      %get3A_202 = vector.shape_cast %get3A_201 : vector<1x16xf32> to vector<16xf32>
      %slice3A_203 = vector.extract_strided_slice %get3A_202 {offsets = [0], sizes = [1], strides = [1]} : vector<16xf32> to vector<1xf32>
      %squeeze3A_204 = vector.extract %slice3A_203[0] : f32 from vector<1xf32>
      %eq3A_205 = arith.constant 4 : i32
      %eq3A_206 = vector.broadcast %eq3A_205 : i32 to vector<16xi32>
      %eq3A_207 = arith.cmpi eq, %iota3A, %eq3A_206 : vector<16xi32>
      %broadcast_in_dim3A_208 = vector.broadcast %squeeze3A_204 : f32 to vector<16xf32>
      %select_n3A_209 = arith.select %eq3A_207, %broadcast_in_dim3A_208, %select_n3A_194 : vector<16xi1>, vector<16xf32>
      %mul3A_210 = arith.constant 16 : i32
      %mul3A_211 = arith.muli %add3A_135, %mul3A_210 : i32
      %add3A_212 = arith.constant 5 : i32
      %add3A_213 = arith.addi %mul3A_211, %add3A_212 : i32
      %get3A_214 = arith.index_cast %add3A_213 : i32 to index
      %get3A_215 = arith.constant 0 : index
      %get3A_216 = tpu.vector_load %arg6[%get3A_214, %get3A_215] {strides = array<i32>} : memref<64x128xf32, #tpu.memory_space<vmem>>, vector<1x16xf32>,
      %get3A_217 = vector.shape_cast %get3A_216 : vector<1x16xf32> to vector<16xf32>
      %slice3A_218 = vector.extract_strided_slice %get3A_217 {offsets = [0], sizes = [1], strides = [1]} : vector<16xf32> to vector<1xf32>
      %squeeze3A_219 = vector.extract %slice3A_218[0] : f32 from vector<1xf32>
      %eq3A_220 = arith.constant 5 : i32
      %eq3A_221 = vector.broadcast %eq3A_220 : i32 to vector<16xi32>
      %eq3A_222 = arith.cmpi eq, %iota3A, %eq3A_221 : vector<16xi32>
      %broadcast_in_dim3A_223 = vector.broadcast %squeeze3A_219 : f32 to vector<16xf32>
      %select_n3A_224 = arith.select %eq3A_222, %broadcast_in_dim3A_223, %select_n3A_209 : vector<16xi1>, vector<16xf32>
      %mul3A_225 = arith.constant 16 : i32
      %mul3A_226 = arith.muli %add3A_135, %mul3A_225 : i32
      %add3A_227 = arith.constant 6 : i32
      %add3A_228 = arith.addi %mul3A_226, %add3A_227 : i32
      %get3A_229 = arith.index_cast %add3A_228 : i32 to index
      %get3A_230 = arith.constant 0 : index
      %get3A_231 = tpu.vector_load %arg6[%get3A_229, %get3A_230] {strides = array<i32>} : memref<64x128xf32, #tpu.memory_space<vmem>>, vector<1x16xf32>,
      %get3A_232 = vector.shape_cast %get3A_231 : vector<1x16xf32> to vector<16xf32>
      %slice3A_233 = vector.extract_strided_slice %get3A_232 {offsets = [0], sizes = [1], strides = [1]} : vector<16xf32> to vector<1xf32>
      %squeeze3A_234 = vector.extract %slice3A_233[0] : f32 from vector<1xf32>
      %eq3A_235 = arith.constant 6 : i32
      %eq3A_236 = vector.broadcast %eq3A_235 : i32 to vector<16xi32>
      %eq3A_237 = arith.cmpi eq, %iota3A, %eq3A_236 : vector<16xi32>
      %broadcast_in_dim3A_238 = vector.broadcast %squeeze3A_234 : f32 to vector<16xf32>
      %select_n3A_239 = arith.select %eq3A_237, %broadcast_in_dim3A_238, %select_n3A_224 : vector<16xi1>, vector<16xf32>
      %mul3A_240 = arith.constant 16 : i32
      %mul3A_241 = arith.muli %add3A_135, %mul3A_240 : i32
      %add3A_242 = arith.constant 7 : i32
      %add3A_243 = arith.addi %mul3A_241, %add3A_242 : i32
      %get3A_244 = arith.index_cast %add3A_243 : i32 to index
      %get3A_245 = arith.constant 0 : index
      %get3A_246 = tpu.vector_load %arg6[%get3A_244, %get3A_245] {strides = array<i32>} : memref<64x128xf32, #tpu.memory_space<vmem>>, vector<1x16xf32>,
      %get3A_247 = vector.shape_cast %get3A_246 : vector<1x16xf32> to vector<16xf32>
      %slice3A_248 = vector.extract_strided_slice %get3A_247 {offsets = [0], sizes = [1], strides = [1]} : vector<16xf32> to vector<1xf32>
      %squeeze3A_249 = vector.extract %slice3A_248[0] : f32 from vector<1xf32>
      %eq3A_250 = arith.constant 7 : i32
      %eq3A_251 = vector.broadcast %eq3A_250 : i32 to vector<16xi32>
      %eq3A_252 = arith.cmpi eq, %iota3A, %eq3A_251 : vector<16xi32>
      %broadcast_in_dim3A_253 = vector.broadcast %squeeze3A_249 : f32 to vector<16xf32>
      %select_n3A_254 = arith.select %eq3A_252, %broadcast_in_dim3A_253, %select_n3A_239 : vector<16xi1>, vector<16xf32>
      %mul3A_255 = arith.constant 16 : i32
      %mul3A_256 = arith.muli %add3A_135, %mul3A_255 : i32
      %add3A_257 = arith.constant 8 : i32
      %add3A_258 = arith.addi %mul3A_256, %add3A_257 : i32
      %get3A_259 = arith.index_cast %add3A_258 : i32 to index
      %get3A_260 = arith.constant 0 : index
      %get3A_261 = tpu.vector_load %arg6[%get3A_259, %get3A_260] {strides = array<i32>} : memref<64x128xf32, #tpu.memory_space<vmem>>, vector<1x16xf32>,
      %get3A_262 = vector.shape_cast %get3A_261 : vector<1x16xf32> to vector<16xf32>
      %slice3A_263 = vector.extract_strided_slice %get3A_262 {offsets = [0], sizes = [1], strides = [1]} : vector<16xf32> to vector<1xf32>
      %squeeze3A_264 = vector.extract %slice3A_263[0] : f32 from vector<1xf32>
      %eq3A_265 = arith.constant 8 : i32
      %eq3A_266 = vector.broadcast %eq3A_265 : i32 to vector<16xi32>
      %eq3A_267 = arith.cmpi eq, %iota3A, %eq3A_266 : vector<16xi32>
      %broadcast_in_dim3A_268 = vector.broadcast %squeeze3A_264 : f32 to vector<16xf32>
      %select_n3A_269 = arith.select %eq3A_267, %broadcast_in_dim3A_268, %select_n3A_254 : vector<16xi1>, vector<16xf32>
      %mul3A_270 = arith.constant 16 : i32
      %mul3A_271 = arith.muli %add3A_135, %mul3A_270 : i32
      %add3A_272 = arith.constant 9 : i32
      %add3A_273 = arith.addi %mul3A_271, %add3A_272 : i32
      %get3A_274 = arith.index_cast %add3A_273 : i32 to index
      %get3A_275 = arith.constant 0 : index
      %get3A_276 = tpu.vector_load %arg6[%get3A_274, %get3A_275] {strides = array<i32>} : memref<64x128xf32, #tpu.memory_space<vmem>>, vector<1x16xf32>,
      %get3A_277 = vector.shape_cast %get3A_276 : vector<1x16xf32> to vector<16xf32>
      %slice3A_278 = vector.extract_strided_slice %get3A_277 {offsets = [0], sizes = [1], strides = [1]} : vector<16xf32> to vector<1xf32>
      %squeeze3A_279 = vector.extract %slice3A_278[0] : f32 from vector<1xf32>
      %eq3A_280 = arith.constant 9 : i32
      %eq3A_281 = vector.broadcast %eq3A_280 : i32 to vector<16xi32>
      %eq3A_282 = arith.cmpi eq, %iota3A, %eq3A_281 : vector<16xi32>
      %broadcast_in_dim3A_283 = vector.broadcast %squeeze3A_279 : f32 to vector<16xf32>
      %select_n3A_284 = arith.select %eq3A_282, %broadcast_in_dim3A_283, %select_n3A_269 : vector<16xi1>, vector<16xf32>
      %mul3A_285 = arith.constant 16 : i32
      %mul3A_286 = arith.muli %add3A_135, %mul3A_285 : i32
      %add3A_287 = arith.constant 10 : i32
      %add3A_288 = arith.addi %mul3A_286, %add3A_287 : i32
      %get3A_289 = arith.index_cast %add3A_288 : i32 to index
      %get3A_290 = arith.constant 0 : index
      %get3A_291 = tpu.vector_load %arg6[%get3A_289, %get3A_290] {strides = array<i32>} : memref<64x128xf32, #tpu.memory_space<vmem>>, vector<1x16xf32>,
      %get3A_292 = vector.shape_cast %get3A_291 : vector<1x16xf32> to vector<16xf32>
      %slice3A_293 = vector.extract_strided_slice %get3A_292 {offsets = [0], sizes = [1], strides = [1]} : vector<16xf32> to vector<1xf32>
      %squeeze3A_294 = vector.extract %slice3A_293[0] : f32 from vector<1xf32>
      %eq3A_295 = arith.constant 10 : i32
      %eq3A_296 = vector.broadcast %eq3A_295 : i32 to vector<16xi32>
      %eq3A_297 = arith.cmpi eq, %iota3A, %eq3A_296 : vector<16xi32>
      %broadcast_in_dim3A_298 = vector.broadcast %squeeze3A_294 : f32 to vector<16xf32>
      %select_n3A_299 = arith.select %eq3A_297, %broadcast_in_dim3A_298, %select_n3A_284 : vector<16xi1>, vector<16xf32>
      %mul3A_300 = arith.constant 16 : i32
      %mul3A_301 = arith.muli %add3A_135, %mul3A_300 : i32
      %add3A_302 = arith.constant 11 : i32
      %add3A_303 = arith.addi %mul3A_301, %add3A_302 : i32
      %get3A_304 = arith.index_cast %add3A_303 : i32 to index
      %get3A_305 = arith.constant 0 : index
      %get3A_306 = tpu.vector_load %arg6[%get3A_304, %get3A_305] {strides = array<i32>} : memref<64x128xf32, #tpu.memory_space<vmem>>, vector<1x16xf32>,
      %get3A_307 = vector.shape_cast %get3A_306 : vector<1x16xf32> to vector<16xf32>
      %slice3A_308 = vector.extract_strided_slice %get3A_307 {offsets = [0], sizes = [1], strides = [1]} : vector<16xf32> to vector<1xf32>
      %squeeze3A_309 = vector.extract %slice3A_308[0] : f32 from vector<1xf32>
      %eq3A_310 = arith.constant 11 : i32
      %eq3A_311 = vector.broadcast %eq3A_310 : i32 to vector<16xi32>
      %eq3A_312 = arith.cmpi eq, %iota3A, %eq3A_311 : vector<16xi32>
      %broadcast_in_dim3A_313 = vector.broadcast %squeeze3A_309 : f32 to vector<16xf32>
      %select_n3A_314 = arith.select %eq3A_312, %broadcast_in_dim3A_313, %select_n3A_299 : vector<16xi1>, vector<16xf32>
      %mul3A_315 = arith.constant 16 : i32
      %mul3A_316 = arith.muli %add3A_135, %mul3A_315 : i32
      %add3A_317 = arith.constant 12 : i32
      %add3A_318 = arith.addi %mul3A_316, %add3A_317 : i32
      %get3A_319 = arith.index_cast %add3A_318 : i32 to index
      %get3A_320 = arith.constant 0 : index
      %get3A_321 = tpu.vector_load %arg6[%get3A_319, %get3A_320] {strides = array<i32>} : memref<64x128xf32, #tpu.memory_space<vmem>>, vector<1x16xf32>,
      %get3A_322 = vector.shape_cast %get3A_321 : vector<1x16xf32> to vector<16xf32>
      %slice3A_323 = vector.extract_strided_slice %get3A_322 {offsets = [0], sizes = [1], strides = [1]} : vector<16xf32> to vector<1xf32>
      %squeeze3A_324 = vector.extract %slice3A_323[0] : f32 from vector<1xf32>
      %eq3A_325 = arith.constant 12 : i32
      %eq3A_326 = vector.broadcast %eq3A_325 : i32 to vector<16xi32>
      %eq3A_327 = arith.cmpi eq, %iota3A, %eq3A_326 : vector<16xi32>
      %broadcast_in_dim3A_328 = vector.broadcast %squeeze3A_324 : f32 to vector<16xf32>
      %select_n3A_329 = arith.select %eq3A_327, %broadcast_in_dim3A_328, %select_n3A_314 : vector<16xi1>, vector<16xf32>
      %mul3A_330 = arith.constant 16 : i32
      %mul3A_331 = arith.muli %add3A_135, %mul3A_330 : i32
      %add3A_332 = arith.constant 13 : i32
      %add3A_333 = arith.addi %mul3A_331, %add3A_332 : i32
      %get3A_334 = arith.index_cast %add3A_333 : i32 to index
      %get3A_335 = arith.constant 0 : index
      %get3A_336 = tpu.vector_load %arg6[%get3A_334, %get3A_335] {strides = array<i32>} : memref<64x128xf32, #tpu.memory_space<vmem>>, vector<1x16xf32>,
      %get3A_337 = vector.shape_cast %get3A_336 : vector<1x16xf32> to vector<16xf32>
      %slice3A_338 = vector.extract_strided_slice %get3A_337 {offsets = [0], sizes = [1], strides = [1]} : vector<16xf32> to vector<1xf32>
      %squeeze3A_339 = vector.extract %slice3A_338[0] : f32 from vector<1xf32>
      %eq3A_340 = arith.constant 13 : i32
      %eq3A_341 = vector.broadcast %eq3A_340 : i32 to vector<16xi32>
      %eq3A_342 = arith.cmpi eq, %iota3A, %eq3A_341 : vector<16xi32>
      %broadcast_in_dim3A_343 = vector.broadcast %squeeze3A_339 : f32 to vector<16xf32>
      %select_n3A_344 = arith.select %eq3A_342, %broadcast_in_dim3A_343, %select_n3A_329 : vector<16xi1>, vector<16xf32>
      %mul3A_345 = arith.constant 16 : i32
      %mul3A_346 = arith.muli %add3A_135, %mul3A_345 : i32
      %add3A_347 = arith.constant 14 : i32
      %add3A_348 = arith.addi %mul3A_346, %add3A_347 : i32
      %get3A_349 = arith.index_cast %add3A_348 : i32 to index
      %get3A_350 = arith.constant 0 : index
      %get3A_351 = tpu.vector_load %arg6[%get3A_349, %get3A_350] {strides = array<i32>} : memref<64x128xf32, #tpu.memory_space<vmem>>, vector<1x16xf32>,
      %get3A_352 = vector.shape_cast %get3A_351 : vector<1x16xf32> to vector<16xf32>
      %slice3A_353 = vector.extract_strided_slice %get3A_352 {offsets = [0], sizes = [1], strides = [1]} : vector<16xf32> to vector<1xf32>
      %squeeze3A_354 = vector.extract %slice3A_353[0] : f32 from vector<1xf32>
      %eq3A_355 = arith.constant 14 : i32
      %eq3A_356 = vector.broadcast %eq3A_355 : i32 to vector<16xi32>
      %eq3A_357 = arith.cmpi eq, %iota3A, %eq3A_356 : vector<16xi32>
      %broadcast_in_dim3A_358 = vector.broadcast %squeeze3A_354 : f32 to vector<16xf32>
      %select_n3A_359 = arith.select %eq3A_357, %broadcast_in_dim3A_358, %select_n3A_344 : vector<16xi1>, vector<16xf32>
      %mul3A_360 = arith.constant 16 : i32
      %mul3A_361 = arith.muli %add3A_135, %mul3A_360 : i32
      %add3A_362 = arith.constant 15 : i32
      %add3A_363 = arith.addi %mul3A_361, %add3A_362 : i32
      %get3A_364 = arith.index_cast %add3A_363 : i32 to index
      %get3A_365 = arith.constant 0 : index
      %get3A_366 = tpu.vector_load %arg6[%get3A_364, %get3A_365] {strides = array<i32>} : memref<64x128xf32, #tpu.memory_space<vmem>>, vector<1x16xf32>,
      %get3A_367 = vector.shape_cast %get3A_366 : vector<1x16xf32> to vector<16xf32>
      %slice3A_368 = vector.extract_strided_slice %get3A_367 {offsets = [0], sizes = [1], strides = [1]} : vector<16xf32> to vector<1xf32>
      %squeeze3A_369 = vector.extract %slice3A_368[0] : f32 from vector<1xf32>
      %eq3A_370 = arith.constant 15 : i32
      %eq3A_371 = vector.broadcast %eq3A_370 : i32 to vector<16xi32>
      %eq3A_372 = arith.cmpi eq, %iota3A, %eq3A_371 : vector<16xi32>
      %broadcast_in_dim3A_373 = vector.broadcast %squeeze3A_369 : f32 to vector<16xf32>
      %select_n3A_374 = arith.select %eq3A_372, %broadcast_in_dim3A_373, %select_n3A_359 : vector<16xi1>, vector<16xf32>
      %mul3A_375 = arith.constant 16 : i32
      %mul3A_376 = arith.muli %add3A_135, %mul3A_375 : i32
      %add3A_377 = arith.constant 64 : i32
      %add3A_378 = arith.addi %add3A_377, %mul3A_376 : i32
      %swap3A = arith.index_cast %add3A_378 : i32 to index
      %swap3A_379 = tpu.vector_load %arg9[%swap3A] {strides = array<i32>} : memref<256xf32, #tpu.memory_space<vmem>>, vector<16xf32>,
      %swap3A_380 = vector.shape_cast %swap3A_379 : vector<16xf32> to vector<16xf32>
      %swap3A_381 = vector.shape_cast %select_n3A_374 : vector<16xf32> to vector<16xf32>
      tpu.vector_store %arg9[%swap3A], %swap3A_381 {strides = array<i32>} : memref<256xf32, #tpu.memory_space<vmem>>, vector<16xf32>,
    }
    %scan3A_104 = arith.constant 4 : i32
    %dma_wait3A_105 = arith.constant 2 : i32
    %dma_wait3A_106 = arith.constant 0 : i32
    %dma_wait3A_107 = tpu.memref_slice %arg4[%dma_wait3A_105, %dma_wait3A_106] : memref<4x64xi32, #tpu.memory_space<vmem>> -> memref<1x64xi32, #tpu.memory_space<vmem>>
    %dma_wait3A_108 = tpu.memref_squeeze %dma_wait3A_107 : memref<1x64xi32, #tpu.memory_space<vmem>> -> memref<64xi32, #tpu.memory_space<vmem>>
    %dma_wait3A_109 = arith.constant 0 : i32
    %dma_wait3A_110 = arith.constant 0 : i32
    %dma_wait3A_111 = tpu.memref_slice %arg2[%dma_wait3A_109, %dma_wait3A_110] : memref<16384x2048xf32, #tpu.memory_space<hbm>> -> memref<16384x128xf32, #tpu.memory_space<hbm>>
    tpu.wait_indirect_dma semaphore(%arg12 : memref<!tpu.dma_semaphore, #tpu.memory_space<semaphore_mem>>) src(%dma_wait3A_111 : memref<16384x128xf32, #tpu.memory_space<hbm>>) dst(%arg7 : memref<64x128xf32, #tpu.memory_space<vmem>>)
    %scan3A_112 = arith.constant 0 : i32
    %scan3A_113 = arith.constant 4 : i32
    %scan3A_114 = arith.addi %scan3A_112, %scan3A_113 : i32
    %scan3A_115 = arith.constant 1 : i32
    scf.for %scan3A_131 = %scan3A_112 to %scan3A_114 step %scan3A_115  : i32 {
      %mul3A_132 = arith.constant 1 : i32
      %mul3A_133 = arith.muli %scan3A_131, %mul3A_132 : i32
      %add3A_134 = arith.constant 0 : i32
      %add3A_135 = arith.addi %add3A_134, %mul3A_133 : i32
      %convert_element_type3A = arith.sitofp %iota3A : vector<16xi32> to vector<16xf32>
      %mul3A_136 = arith.constant 0.000000e+00 : f32
      %mul3A_137 = vector.broadcast %mul3A_136 : f32 to vector<16xf32>
      %mul3A_138 = arith.mulf %convert_element_type3A, %mul3A_137 : vector<16xf32>
      %mul3A_139 = arith.constant 16 : i32
      %mul3A_140 = arith.muli %add3A_135, %mul3A_139 : i32
      %add3A_141 = arith.constant 0 : i32
      %add3A_142 = arith.addi %mul3A_140, %add3A_141 : i32
      %get3A = arith.index_cast %add3A_142 : i32 to index
      %get3A_143 = arith.constant 0 : index
      %get3A_144 = tpu.vector_load %arg7[%get3A, %get3A_143] {strides = array<i32>} : memref<64x128xf32, #tpu.memory_space<vmem>>, vector<1x16xf32>,
      %get3A_145 = vector.shape_cast %get3A_144 : vector<1x16xf32> to vector<16xf32>
      %slice3A = vector.extract_strided_slice %get3A_145 {offsets = [0], sizes = [1], strides = [1]} : vector<16xf32> to vector<1xf32>
      %squeeze3A = vector.extract %slice3A[0] : f32 from vector<1xf32>
      %eq3A_146 = arith.constant 0 : i32
      %eq3A_147 = vector.broadcast %eq3A_146 : i32 to vector<16xi32>
      %eq3A_148 = arith.cmpi eq, %iota3A, %eq3A_147 : vector<16xi32>
      %broadcast_in_dim3A = vector.broadcast %squeeze3A : f32 to vector<16xf32>
      %select_n3A_149 = arith.select %eq3A_148, %broadcast_in_dim3A, %mul3A_138 : vector<16xi1>, vector<16xf32>
      %mul3A_150 = arith.constant 16 : i32
      %mul3A_151 = arith.muli %add3A_135, %mul3A_150 : i32
      %add3A_152 = arith.constant 1 : i32
      %add3A_153 = arith.addi %mul3A_151, %add3A_152 : i32
      %get3A_154 = arith.index_cast %add3A_153 : i32 to index
      %get3A_155 = arith.constant 0 : index
      %get3A_156 = tpu.vector_load %arg7[%get3A_154, %get3A_155] {strides = array<i32>} : memref<64x128xf32, #tpu.memory_space<vmem>>, vector<1x16xf32>,
      %get3A_157 = vector.shape_cast %get3A_156 : vector<1x16xf32> to vector<16xf32>
      %slice3A_158 = vector.extract_strided_slice %get3A_157 {offsets = [0], sizes = [1], strides = [1]} : vector<16xf32> to vector<1xf32>
      %squeeze3A_159 = vector.extract %slice3A_158[0] : f32 from vector<1xf32>
      %eq3A_160 = arith.constant 1 : i32
      %eq3A_161 = vector.broadcast %eq3A_160 : i32 to vector<16xi32>
      %eq3A_162 = arith.cmpi eq, %iota3A, %eq3A_161 : vector<16xi32>
      %broadcast_in_dim3A_163 = vector.broadcast %squeeze3A_159 : f32 to vector<16xf32>
      %select_n3A_164 = arith.select %eq3A_162, %broadcast_in_dim3A_163, %select_n3A_149 : vector<16xi1>, vector<16xf32>
      %mul3A_165 = arith.constant 16 : i32
      %mul3A_166 = arith.muli %add3A_135, %mul3A_165 : i32
      %add3A_167 = arith.constant 2 : i32
      %add3A_168 = arith.addi %mul3A_166, %add3A_167 : i32
      %get3A_169 = arith.index_cast %add3A_168 : i32 to index
      %get3A_170 = arith.constant 0 : index
      %get3A_171 = tpu.vector_load %arg7[%get3A_169, %get3A_170] {strides = array<i32>} : memref<64x128xf32, #tpu.memory_space<vmem>>, vector<1x16xf32>,
      %get3A_172 = vector.shape_cast %get3A_171 : vector<1x16xf32> to vector<16xf32>
      %slice3A_173 = vector.extract_strided_slice %get3A_172 {offsets = [0], sizes = [1], strides = [1]} : vector<16xf32> to vector<1xf32>
      %squeeze3A_174 = vector.extract %slice3A_173[0] : f32 from vector<1xf32>
      %eq3A_175 = arith.constant 2 : i32
      %eq3A_176 = vector.broadcast %eq3A_175 : i32 to vector<16xi32>
      %eq3A_177 = arith.cmpi eq, %iota3A, %eq3A_176 : vector<16xi32>
      %broadcast_in_dim3A_178 = vector.broadcast %squeeze3A_174 : f32 to vector<16xf32>
      %select_n3A_179 = arith.select %eq3A_177, %broadcast_in_dim3A_178, %select_n3A_164 : vector<16xi1>, vector<16xf32>
      %mul3A_180 = arith.constant 16 : i32
      %mul3A_181 = arith.muli %add3A_135, %mul3A_180 : i32
      %add3A_182 = arith.constant 3 : i32
      %add3A_183 = arith.addi %mul3A_181, %add3A_182 : i32
      %get3A_184 = arith.index_cast %add3A_183 : i32 to index
      %get3A_185 = arith.constant 0 : index
      %get3A_186 = tpu.vector_load %arg7[%get3A_184, %get3A_185] {strides = array<i32>} : memref<64x128xf32, #tpu.memory_space<vmem>>, vector<1x16xf32>,
      %get3A_187 = vector.shape_cast %get3A_186 : vector<1x16xf32> to vector<16xf32>
      %slice3A_188 = vector.extract_strided_slice %get3A_187 {offsets = [0], sizes = [1], strides = [1]} : vector<16xf32> to vector<1xf32>
      %squeeze3A_189 = vector.extract %slice3A_188[0] : f32 from vector<1xf32>
      %eq3A_190 = arith.constant 3 : i32
      %eq3A_191 = vector.broadcast %eq3A_190 : i32 to vector<16xi32>
      %eq3A_192 = arith.cmpi eq, %iota3A, %eq3A_191 : vector<16xi32>
      %broadcast_in_dim3A_193 = vector.broadcast %squeeze3A_189 : f32 to vector<16xf32>
      %select_n3A_194 = arith.select %eq3A_192, %broadcast_in_dim3A_193, %select_n3A_179 : vector<16xi1>, vector<16xf32>
      %mul3A_195 = arith.constant 16 : i32
      %mul3A_196 = arith.muli %add3A_135, %mul3A_195 : i32
      %add3A_197 = arith.constant 4 : i32
      %add3A_198 = arith.addi %mul3A_196, %add3A_197 : i32
      %get3A_199 = arith.index_cast %add3A_198 : i32 to index
      %get3A_200 = arith.constant 0 : index
      %get3A_201 = tpu.vector_load %arg7[%get3A_199, %get3A_200] {strides = array<i32>} : memref<64x128xf32, #tpu.memory_space<vmem>>, vector<1x16xf32>,
      %get3A_202 = vector.shape_cast %get3A_201 : vector<1x16xf32> to vector<16xf32>
      %slice3A_203 = vector.extract_strided_slice %get3A_202 {offsets = [0], sizes = [1], strides = [1]} : vector<16xf32> to vector<1xf32>
      %squeeze3A_204 = vector.extract %slice3A_203[0] : f32 from vector<1xf32>
      %eq3A_205 = arith.constant 4 : i32
      %eq3A_206 = vector.broadcast %eq3A_205 : i32 to vector<16xi32>
      %eq3A_207 = arith.cmpi eq, %iota3A, %eq3A_206 : vector<16xi32>
      %broadcast_in_dim3A_208 = vector.broadcast %squeeze3A_204 : f32 to vector<16xf32>
      %select_n3A_209 = arith.select %eq3A_207, %broadcast_in_dim3A_208, %select_n3A_194 : vector<16xi1>, vector<16xf32>
      %mul3A_210 = arith.constant 16 : i32
      %mul3A_211 = arith.muli %add3A_135, %mul3A_210 : i32
      %add3A_212 = arith.constant 5 : i32
      %add3A_213 = arith.addi %mul3A_211, %add3A_212 : i32
      %get3A_214 = arith.index_cast %add3A_213 : i32 to index
      %get3A_215 = arith.constant 0 : index
      %get3A_216 = tpu.vector_load %arg7[%get3A_214, %get3A_215] {strides = array<i32>} : memref<64x128xf32, #tpu.memory_space<vmem>>, vector<1x16xf32>,
      %get3A_217 = vector.shape_cast %get3A_216 : vector<1x16xf32> to vector<16xf32>
      %slice3A_218 = vector.extract_strided_slice %get3A_217 {offsets = [0], sizes = [1], strides = [1]} : vector<16xf32> to vector<1xf32>
      %squeeze3A_219 = vector.extract %slice3A_218[0] : f32 from vector<1xf32>
      %eq3A_220 = arith.constant 5 : i32
      %eq3A_221 = vector.broadcast %eq3A_220 : i32 to vector<16xi32>
      %eq3A_222 = arith.cmpi eq, %iota3A, %eq3A_221 : vector<16xi32>
      %broadcast_in_dim3A_223 = vector.broadcast %squeeze3A_219 : f32 to vector<16xf32>
      %select_n3A_224 = arith.select %eq3A_222, %broadcast_in_dim3A_223, %select_n3A_209 : vector<16xi1>, vector<16xf32>
      %mul3A_225 = arith.constant 16 : i32
      %mul3A_226 = arith.muli %add3A_135, %mul3A_225 : i32
      %add3A_227 = arith.constant 6 : i32
      %add3A_228 = arith.addi %mul3A_226, %add3A_227 : i32
      %get3A_229 = arith.index_cast %add3A_228 : i32 to index
      %get3A_230 = arith.constant 0 : index
      %get3A_231 = tpu.vector_load %arg7[%get3A_229, %get3A_230] {strides = array<i32>} : memref<64x128xf32, #tpu.memory_space<vmem>>, vector<1x16xf32>,
      %get3A_232 = vector.shape_cast %get3A_231 : vector<1x16xf32> to vector<16xf32>
      %slice3A_233 = vector.extract_strided_slice %get3A_232 {offsets = [0], sizes = [1], strides = [1]} : vector<16xf32> to vector<1xf32>
      %squeeze3A_234 = vector.extract %slice3A_233[0] : f32 from vector<1xf32>
      %eq3A_235 = arith.constant 6 : i32
      %eq3A_236 = vector.broadcast %eq3A_235 : i32 to vector<16xi32>
      %eq3A_237 = arith.cmpi eq, %iota3A, %eq3A_236 : vector<16xi32>
      %broadcast_in_dim3A_238 = vector.broadcast %squeeze3A_234 : f32 to vector<16xf32>
      %select_n3A_239 = arith.select %eq3A_237, %broadcast_in_dim3A_238, %select_n3A_224 : vector<16xi1>, vector<16xf32>
      %mul3A_240 = arith.constant 16 : i32
      %mul3A_241 = arith.muli %add3A_135, %mul3A_240 : i32
      %add3A_242 = arith.constant 7 : i32
      %add3A_243 = arith.addi %mul3A_241, %add3A_242 : i32
      %get3A_244 = arith.index_cast %add3A_243 : i32 to index
      %get3A_245 = arith.constant 0 : index
      %get3A_246 = tpu.vector_load %arg7[%get3A_244, %get3A_245] {strides = array<i32>} : memref<64x128xf32, #tpu.memory_space<vmem>>, vector<1x16xf32>,
      %get3A_247 = vector.shape_cast %get3A_246 : vector<1x16xf32> to vector<16xf32>
      %slice3A_248 = vector.extract_strided_slice %get3A_247 {offsets = [0], sizes = [1], strides = [1]} : vector<16xf32> to vector<1xf32>
      %squeeze3A_249 = vector.extract %slice3A_248[0] : f32 from vector<1xf32>
      %eq3A_250 = arith.constant 7 : i32
      %eq3A_251 = vector.broadcast %eq3A_250 : i32 to vector<16xi32>
      %eq3A_252 = arith.cmpi eq, %iota3A, %eq3A_251 : vector<16xi32>
      %broadcast_in_dim3A_253 = vector.broadcast %squeeze3A_249 : f32 to vector<16xf32>
      %select_n3A_254 = arith.select %eq3A_252, %broadcast_in_dim3A_253, %select_n3A_239 : vector<16xi1>, vector<16xf32>
      %mul3A_255 = arith.constant 16 : i32
      %mul3A_256 = arith.muli %add3A_135, %mul3A_255 : i32
      %add3A_257 = arith.constant 8 : i32
      %add3A_258 = arith.addi %mul3A_256, %add3A_257 : i32
      %get3A_259 = arith.index_cast %add3A_258 : i32 to index
      %get3A_260 = arith.constant 0 : index
      %get3A_261 = tpu.vector_load %arg7[%get3A_259, %get3A_260] {strides = array<i32>} : memref<64x128xf32, #tpu.memory_space<vmem>>, vector<1x16xf32>,
      %get3A_262 = vector.shape_cast %get3A_261 : vector<1x16xf32> to vector<16xf32>
      %slice3A_263 = vector.extract_strided_slice %get3A_262 {offsets = [0], sizes = [1], strides = [1]} : vector<16xf32> to vector<1xf32>
      %squeeze3A_264 = vector.extract %slice3A_263[0] : f32 from vector<1xf32>
      %eq3A_265 = arith.constant 8 : i32
      %eq3A_266 = vector.broadcast %eq3A_265 : i32 to vector<16xi32>
      %eq3A_267 = arith.cmpi eq, %iota3A, %eq3A_266 : vector<16xi32>
      %broadcast_in_dim3A_268 = vector.broadcast %squeeze3A_264 : f32 to vector<16xf32>
      %select_n3A_269 = arith.select %eq3A_267, %broadcast_in_dim3A_268, %select_n3A_254 : vector<16xi1>, vector<16xf32>
      %mul3A_270 = arith.constant 16 : i32
      %mul3A_271 = arith.muli %add3A_135, %mul3A_270 : i32
      %add3A_272 = arith.constant 9 : i32
      %add3A_273 = arith.addi %mul3A_271, %add3A_272 : i32
      %get3A_274 = arith.index_cast %add3A_273 : i32 to index
      %get3A_275 = arith.constant 0 : index
      %get3A_276 = tpu.vector_load %arg7[%get3A_274, %get3A_275] {strides = array<i32>} : memref<64x128xf32, #tpu.memory_space<vmem>>, vector<1x16xf32>,
      %get3A_277 = vector.shape_cast %get3A_276 : vector<1x16xf32> to vector<16xf32>
      %slice3A_278 = vector.extract_strided_slice %get3A_277 {offsets = [0], sizes = [1], strides = [1]} : vector<16xf32> to vector<1xf32>
      %squeeze3A_279 = vector.extract %slice3A_278[0] : f32 from vector<1xf32>
      %eq3A_280 = arith.constant 9 : i32
      %eq3A_281 = vector.broadcast %eq3A_280 : i32 to vector<16xi32>
      %eq3A_282 = arith.cmpi eq, %iota3A, %eq3A_281 : vector<16xi32>
      %broadcast_in_dim3A_283 = vector.broadcast %squeeze3A_279 : f32 to vector<16xf32>
      %select_n3A_284 = arith.select %eq3A_282, %broadcast_in_dim3A_283, %select_n3A_269 : vector<16xi1>, vector<16xf32>
      %mul3A_285 = arith.constant 16 : i32
      %mul3A_286 = arith.muli %add3A_135, %mul3A_285 : i32
      %add3A_287 = arith.constant 10 : i32
      %add3A_288 = arith.addi %mul3A_286, %add3A_287 : i32
      %get3A_289 = arith.index_cast %add3A_288 : i32 to index
      %get3A_290 = arith.constant 0 : index
      %get3A_291 = tpu.vector_load %arg7[%get3A_289, %get3A_290] {strides = array<i32>} : memref<64x128xf32, #tpu.memory_space<vmem>>, vector<1x16xf32>,
      %get3A_292 = vector.shape_cast %get3A_291 : vector<1x16xf32> to vector<16xf32>
      %slice3A_293 = vector.extract_strided_slice %get3A_292 {offsets = [0], sizes = [1], strides = [1]} : vector<16xf32> to vector<1xf32>
      %squeeze3A_294 = vector.extract %slice3A_293[0] : f32 from vector<1xf32>
      %eq3A_295 = arith.constant 10 : i32
      %eq3A_296 = vector.broadcast %eq3A_295 : i32 to vector<16xi32>
      %eq3A_297 = arith.cmpi eq, %iota3A, %eq3A_296 : vector<16xi32>
      %broadcast_in_dim3A_298 = vector.broadcast %squeeze3A_294 : f32 to vector<16xf32>
      %select_n3A_299 = arith.select %eq3A_297, %broadcast_in_dim3A_298, %select_n3A_284 : vector<16xi1>, vector<16xf32>
      %mul3A_300 = arith.constant 16 : i32
      %mul3A_301 = arith.muli %add3A_135, %mul3A_300 : i32
      %add3A_302 = arith.constant 11 : i32
      %add3A_303 = arith.addi %mul3A_301, %add3A_302 : i32
      %get3A_304 = arith.index_cast %add3A_303 : i32 to index
      %get3A_305 = arith.constant 0 : index
      %get3A_306 = tpu.vector_load %arg7[%get3A_304, %get3A_305] {strides = array<i32>} : memref<64x128xf32, #tpu.memory_space<vmem>>, vector<1x16xf32>,
      %get3A_307 = vector.shape_cast %get3A_306 : vector<1x16xf32> to vector<16xf32>
      %slice3A_308 = vector.extract_strided_slice %get3A_307 {offsets = [0], sizes = [1], strides = [1]} : vector<16xf32> to vector<1xf32>
      %squeeze3A_309 = vector.extract %slice3A_308[0] : f32 from vector<1xf32>
      %eq3A_310 = arith.constant 11 : i32
      %eq3A_311 = vector.broadcast %eq3A_310 : i32 to vector<16xi32>
      %eq3A_312 = arith.cmpi eq, %iota3A, %eq3A_311 : vector<16xi32>
      %broadcast_in_dim3A_313 = vector.broadcast %squeeze3A_309 : f32 to vector<16xf32>
      %select_n3A_314 = arith.select %eq3A_312, %broadcast_in_dim3A_313, %select_n3A_299 : vector<16xi1>, vector<16xf32>
      %mul3A_315 = arith.constant 16 : i32
      %mul3A_316 = arith.muli %add3A_135, %mul3A_315 : i32
      %add3A_317 = arith.constant 12 : i32
      %add3A_318 = arith.addi %mul3A_316, %add3A_317 : i32
      %get3A_319 = arith.index_cast %add3A_318 : i32 to index
      %get3A_320 = arith.constant 0 : index
      %get3A_321 = tpu.vector_load %arg7[%get3A_319, %get3A_320] {strides = array<i32>} : memref<64x128xf32, #tpu.memory_space<vmem>>, vector<1x16xf32>,
      %get3A_322 = vector.shape_cast %get3A_321 : vector<1x16xf32> to vector<16xf32>
      %slice3A_323 = vector.extract_strided_slice %get3A_322 {offsets = [0], sizes = [1], strides = [1]} : vector<16xf32> to vector<1xf32>
      %squeeze3A_324 = vector.extract %slice3A_323[0] : f32 from vector<1xf32>
      %eq3A_325 = arith.constant 12 : i32
      %eq3A_326 = vector.broadcast %eq3A_325 : i32 to vector<16xi32>
      %eq3A_327 = arith.cmpi eq, %iota3A, %eq3A_326 : vector<16xi32>
      %broadcast_in_dim3A_328 = vector.broadcast %squeeze3A_324 : f32 to vector<16xf32>
      %select_n3A_329 = arith.select %eq3A_327, %broadcast_in_dim3A_328, %select_n3A_314 : vector<16xi1>, vector<16xf32>
      %mul3A_330 = arith.constant 16 : i32
      %mul3A_331 = arith.muli %add3A_135, %mul3A_330 : i32
      %add3A_332 = arith.constant 13 : i32
      %add3A_333 = arith.addi %mul3A_331, %add3A_332 : i32
      %get3A_334 = arith.index_cast %add3A_333 : i32 to index
      %get3A_335 = arith.constant 0 : index
      %get3A_336 = tpu.vector_load %arg7[%get3A_334, %get3A_335] {strides = array<i32>} : memref<64x128xf32, #tpu.memory_space<vmem>>, vector<1x16xf32>,
      %get3A_337 = vector.shape_cast %get3A_336 : vector<1x16xf32> to vector<16xf32>
      %slice3A_338 = vector.extract_strided_slice %get3A_337 {offsets = [0], sizes = [1], strides = [1]} : vector<16xf32> to vector<1xf32>
      %squeeze3A_339 = vector.extract %slice3A_338[0] : f32 from vector<1xf32>
      %eq3A_340 = arith.constant 13 : i32
      %eq3A_341 = vector.broadcast %eq3A_340 : i32 to vector<16xi32>
      %eq3A_342 = arith.cmpi eq, %iota3A, %eq3A_341 : vector<16xi32>
      %broadcast_in_dim3A_343 = vector.broadcast %squeeze3A_339 : f32 to vector<16xf32>
      %select_n3A_344 = arith.select %eq3A_342, %broadcast_in_dim3A_343, %select_n3A_329 : vector<16xi1>, vector<16xf32>
      %mul3A_345 = arith.constant 16 : i32
      %mul3A_346 = arith.muli %add3A_135, %mul3A_345 : i32
      %add3A_347 = arith.constant 14 : i32
      %add3A_348 = arith.addi %mul3A_346, %add3A_347 : i32
      %get3A_349 = arith.index_cast %add3A_348 : i32 to index
      %get3A_350 = arith.constant 0 : index
      %get3A_351 = tpu.vector_load %arg7[%get3A_349, %get3A_350] {strides = array<i32>} : memref<64x128xf32, #tpu.memory_space<vmem>>, vector<1x16xf32>,
      %get3A_352 = vector.shape_cast %get3A_351 : vector<1x16xf32> to vector<16xf32>
      %slice3A_353 = vector.extract_strided_slice %get3A_352 {offsets = [0], sizes = [1], strides = [1]} : vector<16xf32> to vector<1xf32>
      %squeeze3A_354 = vector.extract %slice3A_353[0] : f32 from vector<1xf32>
      %eq3A_355 = arith.constant 14 : i32
      %eq3A_356 = vector.broadcast %eq3A_355 : i32 to vector<16xi32>
      %eq3A_357 = arith.cmpi eq, %iota3A, %eq3A_356 : vector<16xi32>
      %broadcast_in_dim3A_358 = vector.broadcast %squeeze3A_354 : f32 to vector<16xf32>
      %select_n3A_359 = arith.select %eq3A_357, %broadcast_in_dim3A_358, %select_n3A_344 : vector<16xi1>, vector<16xf32>
      %mul3A_360 = arith.constant 16 : i32
      %mul3A_361 = arith.muli %add3A_135, %mul3A_360 : i32
      %add3A_362 = arith.constant 15 : i32
      %add3A_363 = arith.addi %mul3A_361, %add3A_362 : i32
      %get3A_364 = arith.index_cast %add3A_363 : i32 to index
      %get3A_365 = arith.constant 0 : index
      %get3A_366 = tpu.vector_load %arg7[%get3A_364, %get3A_365] {strides = array<i32>} : memref<64x128xf32, #tpu.memory_space<vmem>>, vector<1x16xf32>,
      %get3A_367 = vector.shape_cast %get3A_366 : vector<1x16xf32> to vector<16xf32>
      %slice3A_368 = vector.extract_strided_slice %get3A_367 {offsets = [0], sizes = [1], strides = [1]} : vector<16xf32> to vector<1xf32>
      %squeeze3A_369 = vector.extract %slice3A_368[0] : f32 from vector<1xf32>
      %eq3A_370 = arith.constant 15 : i32
      %eq3A_371 = vector.broadcast %eq3A_370 : i32 to vector<16xi32>
      %eq3A_372 = arith.cmpi eq, %iota3A, %eq3A_371 : vector<16xi32>
      %broadcast_in_dim3A_373 = vector.broadcast %squeeze3A_369 : f32 to vector<16xf32>
      %select_n3A_374 = arith.select %eq3A_372, %broadcast_in_dim3A_373, %select_n3A_359 : vector<16xi1>, vector<16xf32>
      %mul3A_375 = arith.constant 16 : i32
      %mul3A_376 = arith.muli %add3A_135, %mul3A_375 : i32
      %add3A_377 = arith.constant 128 : i32
      %add3A_378 = arith.addi %add3A_377, %mul3A_376 : i32
      %swap3A = arith.index_cast %add3A_378 : i32 to index
      %swap3A_379 = tpu.vector_load %arg9[%swap3A] {strides = array<i32>} : memref<256xf32, #tpu.memory_space<vmem>>, vector<16xf32>,
      %swap3A_380 = vector.shape_cast %swap3A_379 : vector<16xf32> to vector<16xf32>
      %swap3A_381 = vector.shape_cast %select_n3A_374 : vector<16xf32> to vector<16xf32>
      tpu.vector_store %arg9[%swap3A], %swap3A_381 {strides = array<i32>} : memref<256xf32, #tpu.memory_space<vmem>>, vector<16xf32>,
    }
    %scan3A_116 = arith.constant 4 : i32
    %dma_wait3A_117 = arith.constant 3 : i32
    %dma_wait3A_118 = arith.constant 0 : i32
    %dma_wait3A_119 = tpu.memref_slice %arg4[%dma_wait3A_117, %dma_wait3A_118] : memref<4x64xi32, #tpu.memory_space<vmem>> -> memref<1x64xi32, #tpu.memory_space<vmem>>
    %dma_wait3A_120 = tpu.memref_squeeze %dma_wait3A_119 : memref<1x64xi32, #tpu.memory_space<vmem>> -> memref<64xi32, #tpu.memory_space<vmem>>
    %dma_wait3A_121 = arith.constant 0 : i32
    %dma_wait3A_122 = arith.constant 0 : i32
    %dma_wait3A_123 = tpu.memref_slice %arg2[%dma_wait3A_121, %dma_wait3A_122] : memref<16384x2048xf32, #tpu.memory_space<hbm>> -> memref<16384x128xf32, #tpu.memory_space<hbm>>
    tpu.wait_indirect_dma semaphore(%arg13 : memref<!tpu.dma_semaphore, #tpu.memory_space<semaphore_mem>>) src(%dma_wait3A_123 : memref<16384x128xf32, #tpu.memory_space<hbm>>) dst(%arg8 : memref<64x128xf32, #tpu.memory_space<vmem>>)
    %scan3A_124 = arith.constant 0 : i32
    %scan3A_125 = arith.constant 4 : i32
    %scan3A_126 = arith.addi %scan3A_124, %scan3A_125 : i32
    %scan3A_127 = arith.constant 1 : i32
    scf.for %scan3A_131 = %scan3A_124 to %scan3A_126 step %scan3A_127  : i32 {
      %mul3A_132 = arith.constant 1 : i32
      %mul3A_133 = arith.muli %scan3A_131, %mul3A_132 : i32
      %add3A_134 = arith.constant 0 : i32
      %add3A_135 = arith.addi %add3A_134, %mul3A_133 : i32
      %convert_element_type3A = arith.sitofp %iota3A : vector<16xi32> to vector<16xf32>
      %mul3A_136 = arith.constant 0.000000e+00 : f32
      %mul3A_137 = vector.broadcast %mul3A_136 : f32 to vector<16xf32>
      %mul3A_138 = arith.mulf %convert_element_type3A, %mul3A_137 : vector<16xf32>
      %mul3A_139 = arith.constant 16 : i32
      %mul3A_140 = arith.muli %add3A_135, %mul3A_139 : i32
      %add3A_141 = arith.constant 0 : i32
      %add3A_142 = arith.addi %mul3A_140, %add3A_141 : i32
      %get3A = arith.index_cast %add3A_142 : i32 to index
      %get3A_143 = arith.constant 0 : index
      %get3A_144 = tpu.vector_load %arg8[%get3A, %get3A_143] {strides = array<i32>} : memref<64x128xf32, #tpu.memory_space<vmem>>, vector<1x16xf32>,
      %get3A_145 = vector.shape_cast %get3A_144 : vector<1x16xf32> to vector<16xf32>
      %slice3A = vector.extract_strided_slice %get3A_145 {offsets = [0], sizes = [1], strides = [1]} : vector<16xf32> to vector<1xf32>
      %squeeze3A = vector.extract %slice3A[0] : f32 from vector<1xf32>
      %eq3A_146 = arith.constant 0 : i32
      %eq3A_147 = vector.broadcast %eq3A_146 : i32 to vector<16xi32>
      %eq3A_148 = arith.cmpi eq, %iota3A, %eq3A_147 : vector<16xi32>
      %broadcast_in_dim3A = vector.broadcast %squeeze3A : f32 to vector<16xf32>
      %select_n3A_149 = arith.select %eq3A_148, %broadcast_in_dim3A, %mul3A_138 : vector<16xi1>, vector<16xf32>
      %mul3A_150 = arith.constant 16 : i32
      %mul3A_151 = arith.muli %add3A_135, %mul3A_150 : i32
      %add3A_152 = arith.constant 1 : i32
      %add3A_153 = arith.addi %mul3A_151, %add3A_152 : i32
      %get3A_154 = arith.index_cast %add3A_153 : i32 to index
      %get3A_155 = arith.constant 0 : index
      %get3A_156 = tpu.vector_load %arg8[%get3A_154, %get3A_155] {strides = array<i32>} : memref<64x128xf32, #tpu.memory_space<vmem>>, vector<1x16xf32>,
      %get3A_157 = vector.shape_cast %get3A_156 : vector<1x16xf32> to vector<16xf32>
      %slice3A_158 = vector.extract_strided_slice %get3A_157 {offsets = [0], sizes = [1], strides = [1]} : vector<16xf32> to vector<1xf32>
      %squeeze3A_159 = vector.extract %slice3A_158[0] : f32 from vector<1xf32>
      %eq3A_160 = arith.constant 1 : i32
      %eq3A_161 = vector.broadcast %eq3A_160 : i32 to vector<16xi32>
      %eq3A_162 = arith.cmpi eq, %iota3A, %eq3A_161 : vector<16xi32>
      %broadcast_in_dim3A_163 = vector.broadcast %squeeze3A_159 : f32 to vector<16xf32>
      %select_n3A_164 = arith.select %eq3A_162, %broadcast_in_dim3A_163, %select_n3A_149 : vector<16xi1>, vector<16xf32>
      %mul3A_165 = arith.constant 16 : i32
      %mul3A_166 = arith.muli %add3A_135, %mul3A_165 : i32
      %add3A_167 = arith.constant 2 : i32
      %add3A_168 = arith.addi %mul3A_166, %add3A_167 : i32
      %get3A_169 = arith.index_cast %add3A_168 : i32 to index
      %get3A_170 = arith.constant 0 : index
      %get3A_171 = tpu.vector_load %arg8[%get3A_169, %get3A_170] {strides = array<i32>} : memref<64x128xf32, #tpu.memory_space<vmem>>, vector<1x16xf32>,
      %get3A_172 = vector.shape_cast %get3A_171 : vector<1x16xf32> to vector<16xf32>
      %slice3A_173 = vector.extract_strided_slice %get3A_172 {offsets = [0], sizes = [1], strides = [1]} : vector<16xf32> to vector<1xf32>
      %squeeze3A_174 = vector.extract %slice3A_173[0] : f32 from vector<1xf32>
      %eq3A_175 = arith.constant 2 : i32
      %eq3A_176 = vector.broadcast %eq3A_175 : i32 to vector<16xi32>
      %eq3A_177 = arith.cmpi eq, %iota3A, %eq3A_176 : vector<16xi32>
      %broadcast_in_dim3A_178 = vector.broadcast %squeeze3A_174 : f32 to vector<16xf32>
      %select_n3A_179 = arith.select %eq3A_177, %broadcast_in_dim3A_178, %select_n3A_164 : vector<16xi1>, vector<16xf32>
      %mul3A_180 = arith.constant 16 : i32
      %mul3A_181 = arith.muli %add3A_135, %mul3A_180 : i32
      %add3A_182 = arith.constant 3 : i32
      %add3A_183 = arith.addi %mul3A_181, %add3A_182 : i32
      %get3A_184 = arith.index_cast %add3A_183 : i32 to index
      %get3A_185 = arith.constant 0 : index
      %get3A_186 = tpu.vector_load %arg8[%get3A_184, %get3A_185] {strides = array<i32>} : memref<64x128xf32, #tpu.memory_space<vmem>>, vector<1x16xf32>,
      %get3A_187 = vector.shape_cast %get3A_186 : vector<1x16xf32> to vector<16xf32>
      %slice3A_188 = vector.extract_strided_slice %get3A_187 {offsets = [0], sizes = [1], strides = [1]} : vector<16xf32> to vector<1xf32>
      %squeeze3A_189 = vector.extract %slice3A_188[0] : f32 from vector<1xf32>
      %eq3A_190 = arith.constant 3 : i32
      %eq3A_191 = vector.broadcast %eq3A_190 : i32 to vector<16xi32>
      %eq3A_192 = arith.cmpi eq, %iota3A, %eq3A_191 : vector<16xi32>
      %broadcast_in_dim3A_193 = vector.broadcast %squeeze3A_189 : f32 to vector<16xf32>
      %select_n3A_194 = arith.select %eq3A_192, %broadcast_in_dim3A_193, %select_n3A_179 : vector<16xi1>, vector<16xf32>
      %mul3A_195 = arith.constant 16 : i32
      %mul3A_196 = arith.muli %add3A_135, %mul3A_195 : i32
      %add3A_197 = arith.constant 4 : i32
      %add3A_198 = arith.addi %mul3A_196, %add3A_197 : i32
      %get3A_199 = arith.index_cast %add3A_198 : i32 to index
      %get3A_200 = arith.constant 0 : index
      %get3A_201 = tpu.vector_load %arg8[%get3A_199, %get3A_200] {strides = array<i32>} : memref<64x128xf32, #tpu.memory_space<vmem>>, vector<1x16xf32>,
      %get3A_202 = vector.shape_cast %get3A_201 : vector<1x16xf32> to vector<16xf32>
      %slice3A_203 = vector.extract_strided_slice %get3A_202 {offsets = [0], sizes = [1], strides = [1]} : vector<16xf32> to vector<1xf32>
      %squeeze3A_204 = vector.extract %slice3A_203[0] : f32 from vector<1xf32>
      %eq3A_205 = arith.constant 4 : i32
      %eq3A_206 = vector.broadcast %eq3A_205 : i32 to vector<16xi32>
      %eq3A_207 = arith.cmpi eq, %iota3A, %eq3A_206 : vector<16xi32>
      %broadcast_in_dim3A_208 = vector.broadcast %squeeze3A_204 : f32 to vector<16xf32>
      %select_n3A_209 = arith.select %eq3A_207, %broadcast_in_dim3A_208, %select_n3A_194 : vector<16xi1>, vector<16xf32>
      %mul3A_210 = arith.constant 16 : i32
      %mul3A_211 = arith.muli %add3A_135, %mul3A_210 : i32
      %add3A_212 = arith.constant 5 : i32
      %add3A_213 = arith.addi %mul3A_211, %add3A_212 : i32
      %get3A_214 = arith.index_cast %add3A_213 : i32 to index
      %get3A_215 = arith.constant 0 : index
      %get3A_216 = tpu.vector_load %arg8[%get3A_214, %get3A_215] {strides = array<i32>} : memref<64x128xf32, #tpu.memory_space<vmem>>, vector<1x16xf32>,
      %get3A_217 = vector.shape_cast %get3A_216 : vector<1x16xf32> to vector<16xf32>
      %slice3A_218 = vector.extract_strided_slice %get3A_217 {offsets = [0], sizes = [1], strides = [1]} : vector<16xf32> to vector<1xf32>
      %squeeze3A_219 = vector.extract %slice3A_218[0] : f32 from vector<1xf32>
      %eq3A_220 = arith.constant 5 : i32
      %eq3A_221 = vector.broadcast %eq3A_220 : i32 to vector<16xi32>
      %eq3A_222 = arith.cmpi eq, %iota3A, %eq3A_221 : vector<16xi32>
      %broadcast_in_dim3A_223 = vector.broadcast %squeeze3A_219 : f32 to vector<16xf32>
      %select_n3A_224 = arith.select %eq3A_222, %broadcast_in_dim3A_223, %select_n3A_209 : vector<16xi1>, vector<16xf32>
      %mul3A_225 = arith.constant 16 : i32
      %mul3A_226 = arith.muli %add3A_135, %mul3A_225 : i32
      %add3A_227 = arith.constant 6 : i32
      %add3A_228 = arith.addi %mul3A_226, %add3A_227 : i32
      %get3A_229 = arith.index_cast %add3A_228 : i32 to index
      %get3A_230 = arith.constant 0 : index
      %get3A_231 = tpu.vector_load %arg8[%get3A_229, %get3A_230] {strides = array<i32>} : memref<64x128xf32, #tpu.memory_space<vmem>>, vector<1x16xf32>,
      %get3A_232 = vector.shape_cast %get3A_231 : vector<1x16xf32> to vector<16xf32>
      %slice3A_233 = vector.extract_strided_slice %get3A_232 {offsets = [0], sizes = [1], strides = [1]} : vector<16xf32> to vector<1xf32>
      %squeeze3A_234 = vector.extract %slice3A_233[0] : f32 from vector<1xf32>
      %eq3A_235 = arith.constant 6 : i32
      %eq3A_236 = vector.broadcast %eq3A_235 : i32 to vector<16xi32>
      %eq3A_237 = arith.cmpi eq, %iota3A, %eq3A_236 : vector<16xi32>
      %broadcast_in_dim3A_238 = vector.broadcast %squeeze3A_234 : f32 to vector<16xf32>
      %select_n3A_239 = arith.select %eq3A_237, %broadcast_in_dim3A_238, %select_n3A_224 : vector<16xi1>, vector<16xf32>
      %mul3A_240 = arith.constant 16 : i32
      %mul3A_241 = arith.muli %add3A_135, %mul3A_240 : i32
      %add3A_242 = arith.constant 7 : i32
      %add3A_243 = arith.addi %mul3A_241, %add3A_242 : i32
      %get3A_244 = arith.index_cast %add3A_243 : i32 to index
      %get3A_245 = arith.constant 0 : index
      %get3A_246 = tpu.vector_load %arg8[%get3A_244, %get3A_245] {strides = array<i32>} : memref<64x128xf32, #tpu.memory_space<vmem>>, vector<1x16xf32>,
      %get3A_247 = vector.shape_cast %get3A_246 : vector<1x16xf32> to vector<16xf32>
      %slice3A_248 = vector.extract_strided_slice %get3A_247 {offsets = [0], sizes = [1], strides = [1]} : vector<16xf32> to vector<1xf32>
      %squeeze3A_249 = vector.extract %slice3A_248[0] : f32 from vector<1xf32>
      %eq3A_250 = arith.constant 7 : i32
      %eq3A_251 = vector.broadcast %eq3A_250 : i32 to vector<16xi32>
      %eq3A_252 = arith.cmpi eq, %iota3A, %eq3A_251 : vector<16xi32>
      %broadcast_in_dim3A_253 = vector.broadcast %squeeze3A_249 : f32 to vector<16xf32>
      %select_n3A_254 = arith.select %eq3A_252, %broadcast_in_dim3A_253, %select_n3A_239 : vector<16xi1>, vector<16xf32>
      %mul3A_255 = arith.constant 16 : i32
      %mul3A_256 = arith.muli %add3A_135, %mul3A_255 : i32
      %add3A_257 = arith.constant 8 : i32
      %add3A_258 = arith.addi %mul3A_256, %add3A_257 : i32
      %get3A_259 = arith.index_cast %add3A_258 : i32 to index
      %get3A_260 = arith.constant 0 : index
      %get3A_261 = tpu.vector_load %arg8[%get3A_259, %get3A_260] {strides = array<i32>} : memref<64x128xf32, #tpu.memory_space<vmem>>, vector<1x16xf32>,
      %get3A_262 = vector.shape_cast %get3A_261 : vector<1x16xf32> to vector<16xf32>
      %slice3A_263 = vector.extract_strided_slice %get3A_262 {offsets = [0], sizes = [1], strides = [1]} : vector<16xf32> to vector<1xf32>
      %squeeze3A_264 = vector.extract %slice3A_263[0] : f32 from vector<1xf32>
      %eq3A_265 = arith.constant 8 : i32
      %eq3A_266 = vector.broadcast %eq3A_265 : i32 to vector<16xi32>
      %eq3A_267 = arith.cmpi eq, %iota3A, %eq3A_266 : vector<16xi32>
      %broadcast_in_dim3A_268 = vector.broadcast %squeeze3A_264 : f32 to vector<16xf32>
      %select_n3A_269 = arith.select %eq3A_267, %broadcast_in_dim3A_268, %select_n3A_254 : vector<16xi1>, vector<16xf32>
      %mul3A_270 = arith.constant 16 : i32
      %mul3A_271 = arith.muli %add3A_135, %mul3A_270 : i32
      %add3A_272 = arith.constant 9 : i32
      %add3A_273 = arith.addi %mul3A_271, %add3A_272 : i32
      %get3A_274 = arith.index_cast %add3A_273 : i32 to index
      %get3A_275 = arith.constant 0 : index
      %get3A_276 = tpu.vector_load %arg8[%get3A_274, %get3A_275] {strides = array<i32>} : memref<64x128xf32, #tpu.memory_space<vmem>>, vector<1x16xf32>,
      %get3A_277 = vector.shape_cast %get3A_276 : vector<1x16xf32> to vector<16xf32>
      %slice3A_278 = vector.extract_strided_slice %get3A_277 {offsets = [0], sizes = [1], strides = [1]} : vector<16xf32> to vector<1xf32>
      %squeeze3A_279 = vector.extract %slice3A_278[0] : f32 from vector<1xf32>
      %eq3A_280 = arith.constant 9 : i32
      %eq3A_281 = vector.broadcast %eq3A_280 : i32 to vector<16xi32>
      %eq3A_282 = arith.cmpi eq, %iota3A, %eq3A_281 : vector<16xi32>
      %broadcast_in_dim3A_283 = vector.broadcast %squeeze3A_279 : f32 to vector<16xf32>
      %select_n3A_284 = arith.select %eq3A_282, %broadcast_in_dim3A_283, %select_n3A_269 : vector<16xi1>, vector<16xf32>
      %mul3A_285 = arith.constant 16 : i32
      %mul3A_286 = arith.muli %add3A_135, %mul3A_285 : i32
      %add3A_287 = arith.constant 10 : i32
      %add3A_288 = arith.addi %mul3A_286, %add3A_287 : i32
      %get3A_289 = arith.index_cast %add3A_288 : i32 to index
      %get3A_290 = arith.constant 0 : index
      %get3A_291 = tpu.vector_load %arg8[%get3A_289, %get3A_290] {strides = array<i32>} : memref<64x128xf32, #tpu.memory_space<vmem>>, vector<1x16xf32>,
      %get3A_292 = vector.shape_cast %get3A_291 : vector<1x16xf32> to vector<16xf32>
      %slice3A_293 = vector.extract_strided_slice %get3A_292 {offsets = [0], sizes = [1], strides = [1]} : vector<16xf32> to vector<1xf32>
      %squeeze3A_294 = vector.extract %slice3A_293[0] : f32 from vector<1xf32>
      %eq3A_295 = arith.constant 10 : i32
      %eq3A_296 = vector.broadcast %eq3A_295 : i32 to vector<16xi32>
      %eq3A_297 = arith.cmpi eq, %iota3A, %eq3A_296 : vector<16xi32>
      %broadcast_in_dim3A_298 = vector.broadcast %squeeze3A_294 : f32 to vector<16xf32>
      %select_n3A_299 = arith.select %eq3A_297, %broadcast_in_dim3A_298, %select_n3A_284 : vector<16xi1>, vector<16xf32>
      %mul3A_300 = arith.constant 16 : i32
      %mul3A_301 = arith.muli %add3A_135, %mul3A_300 : i32
      %add3A_302 = arith.constant 11 : i32
      %add3A_303 = arith.addi %mul3A_301, %add3A_302 : i32
      %get3A_304 = arith.index_cast %add3A_303 : i32 to index
      %get3A_305 = arith.constant 0 : index
      %get3A_306 = tpu.vector_load %arg8[%get3A_304, %get3A_305] {strides = array<i32>} : memref<64x128xf32, #tpu.memory_space<vmem>>, vector<1x16xf32>,
      %get3A_307 = vector.shape_cast %get3A_306 : vector<1x16xf32> to vector<16xf32>
      %slice3A_308 = vector.extract_strided_slice %get3A_307 {offsets = [0], sizes = [1], strides = [1]} : vector<16xf32> to vector<1xf32>
      %squeeze3A_309 = vector.extract %slice3A_308[0] : f32 from vector<1xf32>
      %eq3A_310 = arith.constant 11 : i32
      %eq3A_311 = vector.broadcast %eq3A_310 : i32 to vector<16xi32>
      %eq3A_312 = arith.cmpi eq, %iota3A, %eq3A_311 : vector<16xi32>
      %broadcast_in_dim3A_313 = vector.broadcast %squeeze3A_309 : f32 to vector<16xf32>
      %select_n3A_314 = arith.select %eq3A_312, %broadcast_in_dim3A_313, %select_n3A_299 : vector<16xi1>, vector<16xf32>
      %mul3A_315 = arith.constant 16 : i32
      %mul3A_316 = arith.muli %add3A_135, %mul3A_315 : i32
      %add3A_317 = arith.constant 12 : i32
      %add3A_318 = arith.addi %mul3A_316, %add3A_317 : i32
      %get3A_319 = arith.index_cast %add3A_318 : i32 to index
      %get3A_320 = arith.constant 0 : index
      %get3A_321 = tpu.vector_load %arg8[%get3A_319, %get3A_320] {strides = array<i32>} : memref<64x128xf32, #tpu.memory_space<vmem>>, vector<1x16xf32>,
      %get3A_322 = vector.shape_cast %get3A_321 : vector<1x16xf32> to vector<16xf32>
      %slice3A_323 = vector.extract_strided_slice %get3A_322 {offsets = [0], sizes = [1], strides = [1]} : vector<16xf32> to vector<1xf32>
      %squeeze3A_324 = vector.extract %slice3A_323[0] : f32 from vector<1xf32>
      %eq3A_325 = arith.constant 12 : i32
      %eq3A_326 = vector.broadcast %eq3A_325 : i32 to vector<16xi32>
      %eq3A_327 = arith.cmpi eq, %iota3A, %eq3A_326 : vector<16xi32>
      %broadcast_in_dim3A_328 = vector.broadcast %squeeze3A_324 : f32 to vector<16xf32>
      %select_n3A_329 = arith.select %eq3A_327, %broadcast_in_dim3A_328, %select_n3A_314 : vector<16xi1>, vector<16xf32>
      %mul3A_330 = arith.constant 16 : i32
      %mul3A_331 = arith.muli %add3A_135, %mul3A_330 : i32
      %add3A_332 = arith.constant 13 : i32
      %add3A_333 = arith.addi %mul3A_331, %add3A_332 : i32
      %get3A_334 = arith.index_cast %add3A_333 : i32 to index
      %get3A_335 = arith.constant 0 : index
      %get3A_336 = tpu.vector_load %arg8[%get3A_334, %get3A_335] {strides = array<i32>} : memref<64x128xf32, #tpu.memory_space<vmem>>, vector<1x16xf32>,
      %get3A_337 = vector.shape_cast %get3A_336 : vector<1x16xf32> to vector<16xf32>
      %slice3A_338 = vector.extract_strided_slice %get3A_337 {offsets = [0], sizes = [1], strides = [1]} : vector<16xf32> to vector<1xf32>
      %squeeze3A_339 = vector.extract %slice3A_338[0] : f32 from vector<1xf32>
      %eq3A_340 = arith.constant 13 : i32
      %eq3A_341 = vector.broadcast %eq3A_340 : i32 to vector<16xi32>
      %eq3A_342 = arith.cmpi eq, %iota3A, %eq3A_341 : vector<16xi32>
      %broadcast_in_dim3A_343 = vector.broadcast %squeeze3A_339 : f32 to vector<16xf32>
      %select_n3A_344 = arith.select %eq3A_342, %broadcast_in_dim3A_343, %select_n3A_329 : vector<16xi1>, vector<16xf32>
      %mul3A_345 = arith.constant 16 : i32
      %mul3A_346 = arith.muli %add3A_135, %mul3A_345 : i32
      %add3A_347 = arith.constant 14 : i32
      %add3A_348 = arith.addi %mul3A_346, %add3A_347 : i32
      %get3A_349 = arith.index_cast %add3A_348 : i32 to index
      %get3A_350 = arith.constant 0 : index
      %get3A_351 = tpu.vector_load %arg8[%get3A_349, %get3A_350] {strides = array<i32>} : memref<64x128xf32, #tpu.memory_space<vmem>>, vector<1x16xf32>,
      %get3A_352 = vector.shape_cast %get3A_351 : vector<1x16xf32> to vector<16xf32>
      %slice3A_353 = vector.extract_strided_slice %get3A_352 {offsets = [0], sizes = [1], strides = [1]} : vector<16xf32> to vector<1xf32>
      %squeeze3A_354 = vector.extract %slice3A_353[0] : f32 from vector<1xf32>
      %eq3A_355 = arith.constant 14 : i32
      %eq3A_356 = vector.broadcast %eq3A_355 : i32 to vector<16xi32>
      %eq3A_357 = arith.cmpi eq, %iota3A, %eq3A_356 : vector<16xi32>
      %broadcast_in_dim3A_358 = vector.broadcast %squeeze3A_354 : f32 to vector<16xf32>
      %select_n3A_359 = arith.select %eq3A_357, %broadcast_in_dim3A_358, %select_n3A_344 : vector<16xi1>, vector<16xf32>
      %mul3A_360 = arith.constant 16 : i32
      %mul3A_361 = arith.muli %add3A_135, %mul3A_360 : i32
      %add3A_362 = arith.constant 15 : i32
      %add3A_363 = arith.addi %mul3A_361, %add3A_362 : i32
      %get3A_364 = arith.index_cast %add3A_363 : i32 to index
      %get3A_365 = arith.constant 0 : index
      %get3A_366 = tpu.vector_load %arg8[%get3A_364, %get3A_365] {strides = array<i32>} : memref<64x128xf32, #tpu.memory_space<vmem>>, vector<1x16xf32>,
      %get3A_367 = vector.shape_cast %get3A_366 : vector<1x16xf32> to vector<16xf32>
      %slice3A_368 = vector.extract_strided_slice %get3A_367 {offsets = [0], sizes = [1], strides = [1]} : vector<16xf32> to vector<1xf32>
      %squeeze3A_369 = vector.extract %slice3A_368[0] : f32 from vector<1xf32>
      %eq3A_370 = arith.constant 15 : i32
      %eq3A_371 = vector.broadcast %eq3A_370 : i32 to vector<16xi32>
      %eq3A_372 = arith.cmpi eq, %iota3A, %eq3A_371 : vector<16xi32>
      %broadcast_in_dim3A_373 = vector.broadcast %squeeze3A_369 : f32 to vector<16xf32>
      %select_n3A_374 = arith.select %eq3A_372, %broadcast_in_dim3A_373, %select_n3A_359 : vector<16xi1>, vector<16xf32>
      %mul3A_375 = arith.constant 16 : i32
      %mul3A_376 = arith.muli %add3A_135, %mul3A_375 : i32
      %add3A_377 = arith.constant 192 : i32
      %add3A_378 = arith.addi %add3A_377, %mul3A_376 : i32
      %swap3A = arith.index_cast %add3A_378 : i32 to index
      %swap3A_379 = tpu.vector_load %arg9[%swap3A] {strides = array<i32>} : memref<256xf32, #tpu.memory_space<vmem>>, vector<16xf32>,
      %swap3A_380 = vector.shape_cast %swap3A_379 : vector<16xf32> to vector<16xf32>
      %swap3A_381 = vector.shape_cast %select_n3A_374 : vector<16xf32> to vector<16xf32>
      tpu.vector_store %arg9[%swap3A], %swap3A_381 {strides = array<i32>} : memref<256xf32, #tpu.memory_space<vmem>>, vector<16xf32>,
    }
    %scan3A_128 = arith.constant 4 : i32
    %mul3A_129 = arith.constant 256 : i32
    %mul3A_130 = arith.muli %add3A, %mul3A_129 : i32
    "tpu.region"() ({
      %run_scoped3A = tpu.sem_alloc : memref<!tpu.dma_semaphore, #tpu.memory_space<semaphore_mem>>
      %dma_start3A_131 = tpu.memref_slice %arg3[%mul3A_130] : memref<8192xf32, #tpu.memory_space<hbm>> -> memref<256xf32, #tpu.memory_space<hbm>>
      %dma_start3A_132 = tpu.memref_slice %arg3[%mul3A_130] : memref<8192xf32, #tpu.memory_space<hbm>> -> memref<256xf32, #tpu.memory_space<hbm>>
      tpu.enqueue_dma source(%arg9 : memref<256xf32, #tpu.memory_space<vmem>>) target(%dma_start3A_132 : memref<256xf32, #tpu.memory_space<hbm>>) target_semaphore(%run_scoped3A : memref<!tpu.dma_semaphore, #tpu.memory_space<semaphore_mem>>)
      %dma_wait3A_133 = tpu.memref_slice %arg3[%mul3A_130] : memref<8192xf32, #tpu.memory_space<hbm>> -> memref<256xf32, #tpu.memory_space<hbm>>
      %dma_wait3A_134 = tpu.memref_slice %arg3[%mul3A_130] : memref<8192xf32, #tpu.memory_space<hbm>> -> memref<256xf32, #tpu.memory_space<hbm>>
      tpu.wait_dma2 semaphore(%run_scoped3A : memref<!tpu.dma_semaphore, #tpu.memory_space<semaphore_mem>>) src(%arg9 : memref<256xf32, #tpu.memory_space<vmem>>) dst(%dma_wait3A_134 : memref<256xf32, #tpu.memory_space<hbm>>)
      tpu.yield
    }) : () -> ()
    return
  }
}

</mosaic_0001>

<sc_bundles>
// kernel: kernel.3.cloned.1.call-start
scs
__scs_entry_jumppad:
0x0: {  	(pc) =	sbr.rel $0x88, $3  }
0x1: {  	(tag) =	ssettag $0x0;
	lr =	simm.s32 $0x1  }
0x2: {  	[smem:$0x3FA0] =	sst lr;
	_ =	strace $0xD0000000  }
0x3: {  	_ = 	snop  }
0x4: {  	_ = 	snop  }
0x5: {  	_ = 	snop  }
0x6: {  	_ = 	snop  }
0x7: {  	_ = 	snop  }
__scs_overlays_trampoline_lowered:
0x8: {  	[smem:$0x3FAF] =	sst s0  }
0x9: {  	[smem:$0x3FB0] =	sst s1  }
0xa: {  	[smem:$0x3FB1] =	sst s2  }
0xb: {  	[smem:$0x3FB2] =	sst s3  }
0xc: {  	[smem:$0x3FB3] =	sst s4  }
0xd: {  	[smem:$0x3FB4] =	sst s5  }
0xe: {  	[smem:$0x3FB5] =	sst s6  }
0xf: {  	[smem:$0x3FB6] =	sst s7  }
0x10: {  	[smem:$0x3FB7] =	sst s8  }
0x11: {  	[smem:$0x3FB8] =	sst s9;
	s0 =	simm.s32 @!p0 $0x0  }
0x12: {  	s1 =	sld [smem:$0x3F9E];
	s0 =	simm.s32 @p0 $0x1  }
0x13: {  	[smem:$0x3FB9] =	sst s0;
	s0 =	simm.s32 @!p1 $0x0  }
0x14: {  	s2 =	sld [smem:$0x3F9D];
	s0 =	simm.s32 @p1 $0x1  }
0x15: {  	[smem:$0x3FBA] =	sst s0;
	s0 =	simm.s32 @!p2 $0x0  }
0x16: {  	s3 =	sld [smem:$0x3FDB];
	s0 =	simm.s32 @p2 $0x1  }
0x17: {  	s4 =	simm.s32 $0x1BF5;
	[smem:$0x3FBC] =	sst s0  }
0x18: {  	s0 =	sld [smem:$0x3F9F];
	_ =	swait.ge [sflag:s4], $0x0  }
0x19: {  	s7 =	sld [smem:$0x3FA0]  }
0x1a: {  	s8 =	sadd.s32 $0xFFFFE003, lr  }
0x1b: {  	s9 =	sadd.s32 $0xFFFFFEF7, lr;
	s5 =	simm.s32 $0xFFFFFFFF;
	p2 =	slt.u32 s8, $0xFFFFF086  }
0x1c: {  	p1 =	slt.u32 s9, $0xF7A;
	s5 =	simm.s32 @!p2 $0x0  }
0x1d: {  	s5 =	simm.s32 @p1 $0x1;
	p0 =	seq.s32 s7, s2  }
0x1e: {  	s7 =	smul.u32 @!p0 $0xF7A, s2;
	p2 =	seq.s32 @!p0 s5, $0x0  }
0x1f: {  	s9 =	smul.u32 $0xF7A, s1;
	s8 =	simm.s32 @!p0 $0x1BF5;
	p2 =	por !p2, p0  }
0x20: {  	[sflag:s8] =	ssyncset.s32 @!p0 $0xFFFFF086;
	s6 =	sadd.s32 @!p0 s3, s7;
	s7 =	simm.s32 @!p0 $0x108  }
0x21: {  	s3 =	sadd.s32 s3, s9;
	s6 =	sadd.s32 @!p0 $0x88, s6;
	s7 =	simm.s32 @p2 $0x1082  }
0x22: {  	[simem:s7], [sflag:s8] =	dma.local @!p0 [hbm:s6], $0xF7A  }
0x23: {  	s9 =	sor.u32 $0xD0000000, s2;
	s6 =	simm.s32 $0x108;
	_ =	swait.ge @!p0 [sflag:s8], $0x0  }
0x24: {  	s3 =	sadd.s32 $0x88, s3;
	s6 =	simm.s32 @!p1 $0x1082;
	[sflag:s4] =	ssyncset.s32 $0xFFFFF086  }
0x25: {  	[simem:s6], [sflag:s4] =	dma.local [hbm:s3], $0xF7A  }
0x26: {  	[smem:$0x3FA0] =	sst s1;
	(tag) =	ssettag s2;
	_ =	strace s9  }
0x27: {  	s1 =	sld [smem:$0x3FB0]  }
0x28: {  	s2 =	sld [smem:$0x3FB1]  }
0x29: {  	s4 =	sld [smem:$0x3FB3]  }
0x2a: {  	p0 =	seq.s32 s5, $0x0;
	s5 =	sld [smem:$0x3FB4]  }
0x2b: {  	s6 =	sld [smem:$0x3FB5]  }
0x2c: {  	s7 =	sld [smem:$0x3FB6]  }
0x2d: {  	s3 =	simm.s32 $0x108;
	s8 =	sld [smem:$0x3FB7]  }
0x2e: {  	s3 =	simm.s32 @!p0 $0x1082;
	s9 =	sld [smem:$0x3FB8]  }
0x2f: {  	lr =	sadd.s32 s0, s3;
	s0 =	sld [smem:$0x3FAF]  }
0x30: {  	s3 =	sld [smem:$0x3FB2]  }
0x31: {  	[smem:$0x3FBB] =	sst s10  }
0x32: {  	s10 =	sld [smem:$0x3FB9];
	_ =	sdelay $0x3  }
0x33: {  	p0 =	seq.s32 s10, $0x1;
	s10 =	sld [smem:$0x3FBB];
	_ =	sdelay $0x3  }
0x34: {  	[smem:$0x3FBB] =	sst s10  }
0x35: {  	s10 =	sld [smem:$0x3FBA];
	_ =	sdelay $0x3  }
0x36: {  	p1 =	seq.s32 s10, $0x1;
	s10 =	sld [smem:$0x3FBB];
	_ =	sdelay $0x3  }
0x37: {  	[smem:$0x3FBB] =	sst s10  }
0x38: {  	s10 =	sld [smem:$0x3FBC]  }
0x39: {  	_ = 	snop;
	(pc) =	sbr.ind lr, $3  }
0x3a: {  	_ = 	snop  }
0x3b: {  	_ = 	snop  }
0x3c: {  	p2 =	seq.s32 s10, $0x1;
	s10 =	sld [smem:$0x3FBB]  }
0x3d: {  	_ =	shalt  }
0x3e: {  	_ =	shalt  }
0x3f: {  	_ =	shalt  }
0x40: {  	_ =	shalt  }
0x41: {  	_ =	shalt  }
0x42: {  	_ =	shalt  }
0x43: {  	_ =	shalt  }
0x44: {  	_ =	shalt  }
0x45: {  	_ =	shalt  }
0x46: {  	_ =	shalt  }
0x47: {  	_ =	shalt  }
0x48: {  	_ =	shalt  }
0x49: {  	_ =	shalt  }
0x4a: {  	_ =	shalt  }
0x4b: {  	_ =	shalt  }
0x4c: {  	_ =	shalt  }
0x4d: {  	_ =	shalt  }
0x4e: {  	_ =	shalt  }
0x4f: {  	_ =	shalt  }
0x50: {  	_ =	shalt  }
0x51: {  	_ =	shalt  }
0x52: {  	_ =	shalt  }
0x53: {  	_ =	shalt  }
0x54: {  	_ =	shalt  }
0x55: {  	_ =	shalt  }
0x56: {  	_ =	shalt  }
0x57: {  	_ =	shalt  }
0x58: {  	_ =	shalt  }
0x59: {  	_ =	shalt  }
0x5a: {  	_ =	shalt  }
0x5b: {  	_ =	shalt  }
0x5c: {  	_ =	shalt  }
0x5d: {  	_ =	shalt  }
0x5e: {  	_ =	shalt  }
0x5f: {  	_ =	shalt  }
0x60: {  	_ =	shalt  }
0x61: {  	_ =	shalt  }
0x62: {  	_ =	shalt  }
0x63: {  	_ =	shalt  }
0x64: {  	_ =	shalt  }
0x65: {  	_ =	shalt  }
0x66: {  	_ =	shalt  }
0x67: {  	_ =	shalt  }
0x68: {  	_ =	shalt  }
0x69: {  	_ =	shalt  }
0x6a: {  	_ =	shalt  }
0x6b: {  	_ =	shalt  }
0x6c: {  	_ =	shalt  }
0x6d: {  	_ =	shalt  }
0x6e: {  	_ =	shalt  }
0x6f: {  	_ =	shalt  }
0x70: {  	_ =	shalt  }
0x71: {  	_ =	shalt  }
0x72: {  	_ =	shalt  }
0x73: {  	_ =	shalt  }
0x74: {  	_ =	shalt  }
0x75: {  	_ =	shalt  }
0x76: {  	_ =	shalt  }
0x77: {  	_ =	shalt  }
0x78: {  	_ =	shalt  }
0x79: {  	_ =	shalt  }
0x7a: {  	_ =	shalt  }
0x7b: {  	_ =	shalt  }
0x7c: {  	_ =	shalt  }
0x7d: {  	_ =	shalt  }
0x7e: {  	_ =	shalt  }
0x7f: {  	_ =	shalt  }
0x80: {  	_ =	shalt  }
0x81: {  	_ =	shalt  }
0x82: {  	_ =	shalt  }
0x83: {  	_ =	shalt  }
0x84: {  	_ =	shalt  }
0x85: {  	_ =	shalt  }
0x86: {  	_ =	shalt  }
0x87: {  	_ =	shalt  }
.Lfunc_end0:
.L_simem_size_0:
called_computation_lowered:
.L_overlay_start_0:
0x88: {  	s2 =	sld [smem:$0x3FD9]  }
0x89: {  	s3 =	sld [smem:$0x3FFE];
	_ =	sdelay $0x1  }
0x8a: {  	s1 =	srdreg.scid  }
0x8b: {  	s0 =	sand.u32 $0x1, s1  }
0x8c: {  	s18 =	sshll.u32 s0, $0xA;
	s2 =	sadd.s32 s3, s2  }
0x8d: {  	s2 =	sadd.s32 s2, s18  }
0x8e: {  	[smem:$0x3FC7] =	sst s2  }
0x8f: {  	_ = 	snop  }
0x90: {  	s2 =	sld [smem:$0x3FC9]  }
0x91: {  	s19 =	sld [smem:$0x3FD0];
	(tm) =	ssettm $0x1  }
0x92: {  	s4 =	sld [smem:$0x3FFB];
	_ =	sdelay $0x3  }
0x93: {  	_ =	strace s4  }
0x94: {  	s4 =	sld [smem:$0x3FFC];
	_ =	sdelay $0x3  }
0x95: {  	_ =	strace s4  }
0x96: {  	s4 =	sld [smem:$0x3FFD];
	_ =	sdelay $0x3  }
0x97: {  	_ =	strace s4  }
0x98: {  	_ =	strace $0x8FFFFFFF  }
0x99: {  	s20 =	sld [smem:$0x3FDB];
	_ =	sdelay $0x1  }
0x9a: {  	s5 =	simm.s32 $_scs_section_size  }
0x9b: {  	s6 =	simm.s32 $_size__tile_overlayer_lowered;
	s7 =	simm.s32 $_tile_overlayer_lowered  }
0x9c: {  	s23 =	simm.s32 $0x1BFF;
	s22 =	sshll.u32 s7, $0x1;
	s4 =	sadd.s32 s5, s20  }
0x9d: {  	s8 =	simm.s32 $0x0;
	s21 =	sshll.u32 s6, $0x1;
	s6 =	sadd.s32 s22, s4  }
0x9e: {  	[timem:s8], [sflag:s23] =	dma.local [hbm:s6], s21  }
0x9f: {  	_ =	swait.ge [sflag:s23], s21  }
0xa0: {  	s5 =	ssub.s32 $0x0, s21;
	[sflag:s23] =	ssyncset.done $0x0  }
0xa1: {  	[sflag:s23] =	ssyncadd.s32 s5;
	_ =	sdelay $0x1  }
0xa2: {  	s24 =	simm.s32 $0x1B8B  }
0xa3: {  	_ =	swait.ge [sflag:s24], $0x1  }
0xa4: {  	[sflag:s24] =	ssyncset.done $0x0  }
0xa5: {  	s25 =	simm.s32 $0x1B8E;
	[sflag:s24] =	ssyncadd.s32 $0xFFFFFFFF  }
0xa6: {  	s26 =	simm.s32 $execute0_lowered;
	[smem:$0x3FD2] =	sst s25  }
0xa7: {  	s5 =	sshll.u32 s26, $0x1;
	_ =	strace $0x80000046;
	[dreg:$0x1] =	wrdreg $0xFFFFFFFF  }
0xa8: {  	s28 =	simm.s32 $_size_execute0_lowered;
	s4 =	sadd.s32 s4, s5;
	[dreg:$0x0] =	wrdreg $0x0  }
0xa9: {  	s5 =	sshll.u32 s28, $0x1;
	[dreg:$0x2] =	wrdreg s4  }
0xaa: {  	[dreg:$0x3] =	wrdreg s5  }
0xab: {  	[dreg:$0x4] =	wrdreg $0xC0  }
0xac: {  	_ =	task [dreg:s8], $0x5FFFF  }
0xad: {  	[dreg:$0x1] =	wrdreg $0xFFFFFFFF  }
0xae: {  	[dreg:$0x0] =	wrdreg $0x60  }
0xaf: {  	[dreg:$0x2] =	wrdreg s2  }
0xb0: {  	[dreg:$0x3] =	wrdreg s19  }
0xb1: {  	[dreg:$0x4] =	wrdreg $0x9  }
0xb2: {  	_ =	task.clear_ibuf [dreg:s8], $0x5FFFF;
	_ =	strace $0x90000046  }
0xb3: {  	s29 =	simm.s32 $0x9;
	_ =	strace $0x80000048  }
0xb4: {  	_ =	swait.ge [sflag:s29], $0x1  }
0xb5: {  	[sflag:s29] =	ssyncadd.s32 $0xFFFFFFFF  }
0xb6: {  	_ =	strace $0x90000048  }
0xb7: {  	_ =	sfence  }
0xb8: {  	s30 =	sld [smem:$0x0];
	_ =	sdelay $0x2  }
0xb9: {  	s31 =	sshll.u32 s1, $0xD;
	s1 =	sshrl.u32 s1, $0x2  }
0xba: {  	s3 =	sand.u32 $0x4000, s31;
	s1 =	sadd.s32 s1, s30  }
0xbb: {  	s0 =	sor.u32 s3, s0;
	s1 =	sshll.u32 s1, $0x11  }
0xbc: {  	s0 =	sor.u32 s1, s0  }
0xbd: {  	s0 =	sadd.s32 $0x8F2B, s0  }
0xbe: {  	[sflag:s0] =	ssyncadd.remote.s32 $0x1  }
0xbf: {  	_ =	sfence.sel $0xFFFF  }
0xc0: {  	[dreg:$0x0] =	wrdreg $0xFFFFFFFF;
	(pc) =	sbr.abs _section_cstart, $3  }
0xc1: {  	[dreg:$0x1] =	wrdreg $0xFFFFFFFF  }
0xc2: {  	_ =	task.clear_ibuf [dreg:s8], $0x2FFFF;
	_ =	strace $0x9FFFFFFF  }
0xc3: {  	(tm) =	ssettm $0x7FFFFFFF  }
tec
execute0_lowered:
.L_overlay_start_1:
0x0: {  	(tag) =	ssettag $0x1  }
0x1: {  	s2 =	srdreg.scid;
	s6 =	stileid.u32  }
0x2: {  	s2 =	sand.u32 $0x1, s2;
	s4 =	sshll.u32 s6, $0x1  }
0x3: {  	s4 =	sor.u32 s2, s4  }
0x4: {  	s6 =	sshll.u32 s6, $0xA;
	s5 =	sshll.u32 s4, $0x8  }
0x5: {  	s6 =	sand.u32 $0x3000, s6;
	s5 =	sand.u32 $0x700, s5  }
0x6: {  	s1 =	rddreg [dreg:$0x0];
	s3 =	simm.s32 $0x0;
	v0 =	vlaneseq.u32;
	s14 =	sor.u32 s6, s5  }
0x7: {  	[smem:$0x7FF] =	sst s3;
	s18 =	sor.u32 $0x10, s14;
	v1 =	vor.u32 s14, v0  }
0x8: {  	s0 =	rddreg [dreg:$0x1];
	_ =	strace $0x80000047;
	s19 =	sor.u32 $0x20, s14;
	v2 =	vor.u32 s18, v0;
	[tilespmem:$0x1FF50] =	vst v1  }
0x9: {  	s15 =	sor.u32 $0x30, s14;
	[tilespmem:$0x1FED0] =	vst v2;
	v2 =	vor.u32 s19, v0  }
0xa: {  	s17 =	sor.u32 $0x50, s14;
	[tilespmem:$0x1FEE0] =	vst v2;
	v2 =	vor.u32 s15, v0  }
0xb: {  	v13 =	vimm.s32 $0x0;
	s11 =	sor.u32 $0x60, s14;
	[tilespmem:$0x1FEF0] =	vst v2;
	v2 =	vor.u32 s17, v0  }
0xc: {  	v18 =	vimm.s32 $0x4;
	v20 =	vimm.s32 $0x1;
	s12 =	sor.u32 $0x70, s14;
	[tilespmem:$0x1FF00] =	vst v2;
	v2 =	vor.u32 s11, v0  }
0xd: {  	v21 =	vimm.s32 $0x2;
	v22 =	vimm.s32 $0x3;
	s9 =	sor.u32 $0x90, s14;
	[tilespmem:$0x1FF10] =	vst v2;
	v2 =	vor.u32 s12, v0  }
0xe: {  	v23 =	vimm.s32 $0x5;
	v28 =	vimm.s32 $0x6;
	s10 =	sor.u32 $0xA0, s14;
	[tilespmem:$0x1FF20] =	vst v2;
	v2 =	vor.u32 s9, v0  }
0xf: {  	v30 =	vimm.s32 $0x7;
	v31 =	vimm.s32 $0x8;
	s8 =	sor.u32 $0xB0, s14;
	[tilespmem:$0x1FF30] =	vst v2;
	v2 =	vor.u32 s10, v0  }
0x10: {  	v32 =	vimm.s32 $0x9;
	v1 =	vshll.u32 v1, $0x4;
	[tilespmem:$0x1FF40] =	vst v2;
	v2 =	vor.u32 s8, v0  }
0x11: {  	v33 =	vimm.s32 $0xA;
	s6 =	sor.u32 $0xD0, s14;
	[tilespmem:$0x1FF60] =	vst v2;
	v2 =	vand.u32 $0x37080, v1;
	v1 =	vand.u32 $0x7, v0  }
0x12: {  	v15 =	vmul.u32 $0x8, v0;
	s16 =	sor.u32 $0x40, s14;
	s13 =	sor.u32 $0x80, s14;
	v3 =	vor.u32 s6, v0;
	v2 =	vor.u32 v1, v2  }
0x13: {  	s26 =	sor.u32 $0xC0, s14;
	s28 =	sor.u32 $0xE0, s14;
	s29 =	sor.u32 $0xF0, s14;
	v4 =	vor.u32 s16, v0;
	v7 =	vor.u32 s13, v0;
	[tilespmem:$0x1FF70] =	vst v3;
	v3 =	vperm.xlane v2, v13  }
0x14: {  	v8 =	vor.u32 s26, v0;
	v5 =	vor.u32 s28, v0;
	v0 =	vor.u32 s29, v0  }
0x15: {  	v38 =	vimm.s32 $0xB;
	v40 =	vimm.s32 $0xC;
	[tilespmem:$0x1FF90] =	vst v0;
	v0 =	vadd.s32 v15, v3  }
0x16: {  	v41 =	vimm.s32 $0xD;
	v42 =	vimm.s32 $0xE;
	[tilespmem:$0x1FFA0] =	vst v0;
	v0 =	vperm.xlane v2, v20  }
0x17: {  	v43 =	vimm.s32 $0xF;
	vm0 =	vmmov $0x1;
	v3 =	vperm.xlane v2, v21  }
0x18: {  	vm1 =	vcmask $0x704;
	vm2 =	vmmov $0x3;
	v0 =	vadd.s32 v15, v0  }
0x19: {  	vm3 =	vmmov $0x7;
	vm4 =	vmmov $0xf;
	[tilespmem:$0x1FFB0] =	vst v0;
	v0 =	vadd.s32 v15, v3  }
0x1a: {  	vm5 =	vmmov $0x1f;
	vm6 =	vmmov $0x3f;
	[tilespmem:$0x1FFC0] =	vst v0;
	v0 =	vperm.xlane v2, v23  }
0x1b: {  	vm7 =	vmmov $0x7f;
	vm8 =	vmmov $0xff;
	vm9 =	vmmov $0x1ff  }
0x1c: {  	vm10 =	vmmov $0x3ff;
	vm11 =	vmmov $0x7ff;
	[tilespmem:$0x1FF80] =	vst v5;
	v0 =	vadd.s32 v15, v0  }
0x1d: {  	vm12 =	vmmov $0xfff;
	v5 =	vperm.xlane v2, v22;
	[tilespmem:$0x1FFF0] =	vst v0;
	v0 =	vperm.xlane v2, v28  }
0x1e: {  	vm13 =	vmmov $0x1fff;
	vm14 =	vmmov $0x3fff;
	v6 =	vperm.xlane v2, v18  }
0x1f: {  	v3 =	vadd.s32 v15, v5;
	v34 =	vadd.s32 v15, v0;
	v0 =	vperm.xlane v2, v33  }
0x20: {  	v5 =	vperm.xlane v2, v31;
	[tilespmem:$0x1FFD0] =	vst v3;
	v3 =	vadd.s32 v15, v6;
	v6 =	vperm.xlane v2, v32  }
0x21: {  	[tilespmem:$0x1FFE0] =	vst v3;
	v3 =	vperm.xlane v2, v30;
	v39 =	vadd.s32 v15, v0;
	v0 =	vperm.xlane v2, v38  }
0x22: {  	v36 =	vadd.s32 v15, v5;
	v5 =	vperm.xlane v2, v41;
	v37 =	vadd.s32 v15, v6  }
0x23: {  	v6 =	vperm.xlane v2, v42;
	v44 =	vadd.s32 v15, v0;
	v0 =	vperm.xlane v2, v43  }
0x24: {  	v35 =	vadd.s32 v15, v3;
	v3 =	vperm.xlane v2, v40;
	v2 =	vshll.u32 v4, $0x4  }
0x25: {  	v48 =	vadd.s32 v15, v0;
	v0 =	vand.u32 $0x7FFFFF80, v2;
	v2 =	vshll.u32 v7, $0x4  }
0x26: {  	v46 =	vadd.s32 v15, v5;
	v45 =	vadd.s32 v15, v3;
	v2 =	vand.u32 $0x7FFFFF80, v2  }
0x27: {  	v3 =	vshll.u32 v8, $0x4;
	v0 =	vor.u32 v1, v0;
	v49 =	vor.u32 v1, v2  }
0x28: {  	v2 =	vand.u32 $0x7FFFFF80, v3;
	v3 =	vperm.xlane v0, v13;
	v5 =	vperm.xlane v0, v31  }
0x29: {  	v50 =	vor.u32 v1, v2;
	v1 =	vperm.xlane v0, v20;
	v2 =	vperm.xlane v0, v21  }
0x2a: {  	vm15 =	vmmov $0x7fff;
	v12 =	vmovc v7;
	v7 =	vperm.xlane v49, v21;
	v9 =	vperm.xlane v49, v22  }
0x2b: {  	v47 =	vadd.s32 v15, v6;
	v10 =	vperm.xlane v49, v18;
	v14 =	vperm.xlane v49, v28  }
0x2c: {  	v16 =	vperm.xlane v49, v30;
	v51 =	vadd.s32 v15, v3;
	v3 =	vperm.xlane v0, v22  }
0x2d: {  	v59 =	vadd.s32 v15, v5;
	v52 =	vadd.s32 v15, v1;
	v1 =	vperm.xlane v0, v18  }
0x2e: {  	v53 =	vadd.s32 v15, v2;
	v2 =	vperm.xlane v0, v23;
	v54 =	vadd.s32 v15, v3  }
0x2f: {  	v3 =	vperm.xlane v0, v28;
	v55 =	vadd.s32 v15, v1;
	v1 =	vperm.xlane v0, v30  }
0x30: {  	s30 =	simm.s32 $0x7A00;
	s31 =	simm.s32 $0x7A80;
	v5 =	vperm.xlane v0, v42;
	v56 =	vadd.s32 v15, v2;
	v2 =	vperm.xlane v0, v32  }
0x31: {  	s20 =	simm.s32 $0x3;
	s21 =	simm.s32 $0x4;
	s2 =	ssub.s32 $0x2, s2;
	v57 =	vadd.s32 v15, v3;
	v58 =	vadd.s32 v15, v1;
	v1 =	vperm.xlane v0, v33  }
0x32: {  	s22 =	simm.s32 $0x8200;
	s23 =	simm.s32 $0x5;
	s7 =	sshrl.u32 s2, $0x1;
	v3 =	vperm.xlane v0, v40;
	v60 =	vadd.s32 v15, v2;
	v2 =	vperm.xlane v0, v38  }
0x33: {  	s24 =	simm.s32 $0x0;
	s4 =	sshll.u32 s4, $0x5;
	s2 =	ssub.s32 s2, s7;
	v61 =	vadd.s32 v15, v1;
	v1 =	vperm.xlane v0, v41;
	v0 =	vperm.xlane v0, v43  }
0x34: {  	s4 =	sadd.s32 s0, s4;
	s0 =	simm.s32 $0x7B00;
	s7 =	simm.s32 $0x7C80;
	v17 =	vperm.xlane v49, v31;
	v7 =	vadd.s32 v15, v7;
	v9 =	vadd.s32 v15, v9  }
0x35: {  	s5 =	smax.u32 s2, $0x1;
	s2 =	simm.s32 $0x7B80;
	s14 =	simm.s32 $0x8000;
	v63 =	vadd.s32 v15, v3;
	v3 =	vadd.s32 v15, v0;
	v0 =	vperm.xlane v49, v20  }
0x36: {  	s6 =	simm.s32 $0x7C00;
	s13 =	simm.s32 $0x7F80;
	s16 =	simm.s32 $0x8100;
	v10 =	vadd.s32 v15, v10;
	v62 =	vadd.s32 v15, v2;
	v2 =	vadd.s32 v15, v5  }
0x37: {  	s18 =	simm.s32 $0x1;
	s19 =	simm.s32 $0x2;
	s15 =	simm.s32 $0x8080;
	v5 =	vperm.xlane v49, v13;
	v6 =	vadd.s32 v15, v0;
	v0 =	vperm.xlane v49, v23  }
0x38: {  	v27 =	vmovc v4;
	s17 =	simm.s32 $0x8180;
	s11 =	simm.s32 $0x7E80;
	s12 =	simm.s32 $0x7F00;
	v14 =	vadd.s32 v15, v14;
	v16 =	vadd.s32 v15, v16;
	v17 =	vadd.s32 v15, v17  }
0x39: {  	v29 =	vmovc v8;
	s9 =	simm.s32 $0x7D80;
	s10 =	simm.s32 $0x7E00;
	s8 =	simm.s32 $0x7D00;
	v1 =	vadd.s32 v15, v1;
	v5 =	vadd.s32 v15, v5;
	v11 =	vadd.s32 v15, v0  }
.LBB2_1:
0x3a: {  	v0 =	vld [tilespmem:$0x1FF50];
	_ =	sdelay $0x4  }
0x3b: {  	[tilespmem:$0x0] =	vst v0;
	v0 =	vld [tilespmem:$0x1FED0];
	_ =	sdelay $0x4  }
0x3c: {  	[tilespmem:$0x10] =	vst v0;
	v0 =	vld [tilespmem:$0x1FEE0];
	_ =	sdelay $0x4  }
0x3d: {  	[tilespmem:$0x20] =	vst v0;
	v0 =	vld [tilespmem:$0x1FEF0];
	_ =	sdelay $0x4  }
0x3e: {  	[tilespmem:$0x30] =	vst v0;
	v0 =	vld [tilespmem:$0x1FFA0];
	_ =	sdelay $0x6  }
0x3f: {  	s25 =	simm.s32 $0x200  }
0x40: {  	[tilespmem:s25], [sflag:$0x1] =	stream.indirect_vreg.gather [hbm4b:s1+s3], $0x80, v0, vm0, $0xb8;
	v0 =	vld [tilespmem:$0x1FFB0]  }
0x41: {  	_ =	sdelay $0x5  }
0x42: {  	s26 =	simm.s32 $0x280  }
0x43: {  	[tilespmem:s26], [sflag:$0x1] =	stream.indirect_vreg.gather [hbm4b:s1+s3], $0x80, v0, vm0, $0xb8;
	v0 =	vld [tilespmem:$0x1FFC0]  }
0x44: {  	_ =	sdelay $0x5  }
0x45: {  	s29 =	simm.s32 $0x300  }
0x46: {  	[tilespmem:s29], [sflag:$0x1] =	stream.indirect_vreg.gather [hbm4b:s1+s3], $0x80, v0, vm0, $0xb8;
	v0 =	vld [tilespmem:$0x1FFD0]  }
0x47: {  	_ =	sdelay $0x5  }
0x48: {  	s26 =	simm.s32 $0x380  }
0x49: {  	[tilespmem:s26], [sflag:$0x1] =	stream.indirect_vreg.gather [hbm4b:s1+s3], $0x80, v0, vm0, $0xb8;
	v0 =	vld [tilespmem:$0x1FFE0]  }
0x4a: {  	_ =	sdelay $0x5  }
0x4b: {  	s29 =	simm.s32 $0x400  }
0x4c: {  	[tilespmem:s29], [sflag:$0x1] =	stream.indirect_vreg.gather [hbm4b:s1+s3], $0x80, v0, vm0, $0xb8;
	v0 =	vld [tilespmem:$0x1FFF0]  }
0x4d: {  	_ =	sdelay $0x5  }
0x4e: {  	s26 =	simm.s32 $0x480  }
0x4f: {  	[tilespmem:s26], [sflag:$0x1] =	stream.indirect_vreg.gather [hbm4b:s1+s3], $0x80, v0, vm0, $0xb8;
	[tilespmem:$0x8300] =	vst v63  }
0x50: {  	s29 =	simm.s32 $0x500  }
0x51: {  	[tilespmem:s29], [sflag:$0x1] =	stream.indirect_vreg.gather [hbm4b:s1+s3], $0x80, v34, vm0, $0xb8;
	[tilespmem:$0x8300] =	vst v63  }
0x52: {  	s26 =	simm.s32 $0x580  }
0x53: {  	[tilespmem:s26], [sflag:$0x1] =	stream.indirect_vreg.gather [hbm4b:s1+s3], $0x80, v35, vm0, $0xb8;
	[tilespmem:$0x8300] =	vst v63  }
0x54: {  	s25 =	simm.s32 $0x600  }
0x55: {  	[tilespmem:s25], [sflag:$0x1] =	stream.indirect_vreg.gather [hbm4b:s1+s3], $0x80, v36, vm0, $0xb8;
	[tilespmem:$0x8300] =	vst v63  }
0x56: {  	s26 =	simm.s32 $0x680  }
0x57: {  	[tilespmem:s26], [sflag:$0x1] =	stream.indirect_vreg.gather [hbm4b:s1+s3], $0x80, v37, vm0, $0xb8;
	[tilespmem:$0x8300] =	vst v63  }
0x58: {  	s29 =	simm.s32 $0x700  }
0x59: {  	[tilespmem:s29], [sflag:$0x1] =	stream.indirect_vreg.gather [hbm4b:s1+s3], $0x80, v39, vm0, $0xb8;
	[tilespmem:$0x8300] =	vst v63  }
0x5a: {  	s29 =	simm.s32 $0x780  }
0x5b: {  	[tilespmem:s29], [sflag:$0x1] =	stream.indirect_vreg.gather [hbm4b:s1+s3], $0x80, v44, vm0, $0xb8;
	[tilespmem:$0x8300] =	vst v63  }
0x5c: {  	s29 =	simm.s32 $0x800  }
0x5d: {  	[tilespmem:s29], [sflag:$0x1] =	stream.indirect_vreg.gather [hbm4b:s1+s3], $0x80, v45, vm0, $0xb8;
	[tilespmem:$0x8300] =	vst v63  }
0x5e: {  	s29 =	simm.s32 $0x880  }
0x5f: {  	[tilespmem:s29], [sflag:$0x1] =	stream.indirect_vreg.gather [hbm4b:s1+s3], $0x80, v46, vm0, $0xb8;
	[tilespmem:$0x8300] =	vst v63  }
0x60: {  	s29 =	simm.s32 $0x900  }
0x61: {  	[tilespmem:s29], [sflag:$0x1] =	stream.indirect_vreg.gather [hbm4b:s1+s3], $0x80, v47, vm0, $0xb8;
	[tilespmem:$0x8300] =	vst v63  }
0x62: {  	s29 =	simm.s32 $0x980  }
0x63: {  	[tilespmem:s29], [sflag:$0x1] =	stream.indirect_vreg.gather [hbm4b:s1+s3], $0x80, v48, vm0, $0xb8;
	[tilespmem:$0x8300] =	vst v63  }
0x64: {  	v0 =	vld [tilespmem:$0x10];
	_ =	sdelay $0x4  }
0x65: {  	v19 =	vshll.u32 v0, $0x4  }
0x66: {  	v0 =	vand.u32 $0x7, v0;
	v19 =	vand.u32 $0xFFFFFF80, v19  }
0x67: {  	v0 =	vor.u32 v0, v19  }
0x68: {  	v19 =	vperm.xlane v0, v13;
	_ =	sdelay $0x1  }
0x69: {  	v4 =	vperm.xlane v0, v20;
	v19 =	vadd.s32 v15, v19;
	_ =	sdelay $0x1  }
0x6a: {  	v8 =	vperm.xlane v0, v21;
	v4 =	vadd.s32 v15, v4;
	_ =	sdelay $0x1  }
0x6b: {  	s29 =	simm.s32 $0xA00;
	v24 =	vperm.xlane v0, v22;
	v8 =	vadd.s32 v15, v8  }
0x6c: {  	[tilespmem:s29], [sflag:$0x1] =	stream.indirect_vreg.gather [hbm4b:s1+s3], $0x80, v19, vm0, $0xb8;
	[tilespmem:$0x8300] =	vst v63  }
0x6d: {  	v19 =	vadd.s32 v15, v24;
	v24 =	vperm.xlane v0, v18;
	s29 =	simm.s32 $0xA80  }
0x6e: {  	[tilespmem:s29], [sflag:$0x1] =	stream.indirect_vreg.gather [hbm4b:s1+s3], $0x80, v4, vm0, $0xb8;
	[tilespmem:$0x8300] =	vst v63  }
0x6f: {  	v4 =	vadd.s32 v15, v24;
	v24 =	vperm.xlane v0, v23;
	s29 =	simm.s32 $0xB00  }
0x70: {  	[tilespmem:s29], [sflag:$0x1] =	stream.indirect_vreg.gather [hbm4b:s1+s3], $0x80, v8, vm0, $0xb8;
	[tilespmem:$0x8300] =	vst v63  }
0x71: {  	v8 =	vadd.s32 v15, v24;
	v24 =	vperm.xlane v0, v28;
	s29 =	simm.s32 $0xB80  }
0x72: {  	[tilespmem:s29], [sflag:$0x1] =	stream.indirect_vreg.gather [hbm4b:s1+s3], $0x80, v19, vm0, $0xb8;
	[tilespmem:$0x8300] =	vst v63  }
0x73: {  	v19 =	vadd.s32 v15, v24;
	v24 =	vperm.xlane v0, v30;
	s29 =	simm.s32 $0xC00  }
0x74: {  	[tilespmem:s29], [sflag:$0x1] =	stream.indirect_vreg.gather [hbm4b:s1+s3], $0x80, v4, vm0, $0xb8;
	[tilespmem:$0x8300] =	vst v63  }
0x75: {  	v4 =	vadd.s32 v15, v24;
	v24 =	vperm.xlane v0, v31;
	s29 =	simm.s32 $0xC80  }
0x76: {  	[tilespmem:s29], [sflag:$0x1] =	stream.indirect_vreg.gather [hbm4b:s1+s3], $0x80, v8, vm0, $0xb8;
	[tilespmem:$0x8300] =	vst v63  }
0x77: {  	v8 =	vadd.s32 v15, v24;
	v24 =	vperm.xlane v0, v32;
	s29 =	simm.s32 $0xD00  }
0x78: {  	[tilespmem:s29], [sflag:$0x1] =	stream.indirect_vreg.gather [hbm4b:s1+s3], $0x80, v19, vm0, $0xb8;
	[tilespmem:$0x8300] =	vst v63  }
0x79: {  	v19 =	vadd.s32 v15, v24;
	v24 =	vperm.xlane v0, v33;
	s29 =	simm.s32 $0xD80  }
0x7a: {  	[tilespmem:s29], [sflag:$0x1] =	stream.indirect_vreg.gather [hbm4b:s1+s3], $0x80, v4, vm0, $0xb8;
	[tilespmem:$0x8300] =	vst v63  }
0x7b: {  	v4 =	vadd.s32 v15, v24;
	v24 =	vperm.xlane v0, v38;
	s29 =	simm.s32 $0xE00  }
0x7c: {  	[tilespmem:s29], [sflag:$0x1] =	stream.indirect_vreg.gather [hbm4b:s1+s3], $0x80, v8, vm0, $0xb8;
	[tilespmem:$0x8300] =	vst v63  }
0x7d: {  	v8 =	vadd.s32 v15, v24;
	v24 =	vperm.xlane v0, v40;
	s29 =	simm.s32 $0xE80  }
0x7e: {  	[tilespmem:s29], [sflag:$0x1] =	stream.indirect_vreg.gather [hbm4b:s1+s3], $0x80, v19, vm0, $0xb8;
	[tilespmem:$0x8300] =	vst v63  }
0x7f: {  	v19 =	vadd.s32 v15, v24;
	v24 =	vperm.xlane v0, v41;
	s29 =	simm.s32 $0xF00  }
0x80: {  	[tilespmem:s29], [sflag:$0x1] =	stream.indirect_vreg.gather [hbm4b:s1+s3], $0x80, v4, vm0, $0xb8;
	[tilespmem:$0x8300] =	vst v63  }
0x81: {  	v4 =	vadd.s32 v15, v24;
	v24 =	vperm.xlane v0, v42;
	s29 =	simm.s32 $0xF80  }
0x82: {  	[tilespmem:s29], [sflag:$0x1] =	stream.indirect_vreg.gather [hbm4b:s1+s3], $0x80, v8, vm0, $0xb8;
	[tilespmem:$0x8300] =	vst v63  }
0x83: {  	v0 =	vperm.xlane v0, v43;
	v8 =	vadd.s32 v15, v24;
	s29 =	simm.s32 $0x1000  }
0x84: {  	[tilespmem:s29], [sflag:$0x1] =	stream.indirect_vreg.gather [hbm4b:s1+s3], $0x80, v19, vm0, $0xb8;
	[tilespmem:$0x8300] =	vst v63  }
0x85: {  	v0 =	vadd.s32 v15, v0;
	s29 =	simm.s32 $0x1080  }
0x86: {  	[tilespmem:s29], [sflag:$0x1] =	stream.indirect_vreg.gather [hbm4b:s1+s3], $0x80, v4, vm0, $0xb8;
	[tilespmem:$0x8300] =	vst v63  }
0x87: {  	s29 =	simm.s32 $0x1100  }
0x88: {  	[tilespmem:s29], [sflag:$0x1] =	stream.indirect_vreg.gather [hbm4b:s1+s3], $0x80, v8, vm0, $0xb8;
	[tilespmem:$0x8300] =	vst v63  }
0x89: {  	s29 =	simm.s32 $0x1180  }
0x8a: {  	[tilespmem:s29], [sflag:$0x1] =	stream.indirect_vreg.gather [hbm4b:s1+s3], $0x80, v0, vm0, $0xb8;
	[tilespmem:$0x8300] =	vst v63  }
0x8b: {  	v0 =	vld [tilespmem:$0x20];
	_ =	sdelay $0x4  }
0x8c: {  	v4 =	vshll.u32 v0, $0x4  }
0x8d: {  	v0 =	vand.u32 $0x7, v0;
	v4 =	vand.u32 $0xFFFFFF80, v4  }
0x8e: {  	v0 =	vor.u32 v0, v4  }
0x8f: {  	v4 =	vperm.xlane v0, v13;
	_ =	sdelay $0x1  }
0x90: {  	v8 =	vperm.xlane v0, v20;
	v4 =	vadd.s32 v15, v4;
	_ =	sdelay $0x1  }
0x91: {  	v19 =	vperm.xlane v0, v21;
	v8 =	vadd.s32 v15, v8;
	_ =	sdelay $0x1  }
0x92: {  	s29 =	simm.s32 $0x1200;
	v24 =	vperm.xlane v0, v22;
	v19 =	vadd.s32 v15, v19  }
0x93: {  	[tilespmem:s29], [sflag:$0x1] =	stream.indirect_vreg.gather [hbm4b:s1+s3], $0x80, v4, vm0, $0xb8;
	[tilespmem:$0x8300] =	vst v63  }
0x94: {  	v4 =	vadd.s32 v15, v24;
	v24 =	vperm.xlane v0, v18;
	s29 =	simm.s32 $0x1280  }
0x95: {  	[tilespmem:s29], [sflag:$0x1] =	stream.indirect_vreg.gather [hbm4b:s1+s3], $0x80, v8, vm0, $0xb8;
	[tilespmem:$0x8300] =	vst v63  }
0x96: {  	v8 =	vadd.s32 v15, v24;
	v24 =	vperm.xlane v0, v23;
	s29 =	simm.s32 $0x1300  }
0x97: {  	[tilespmem:s29], [sflag:$0x1] =	stream.indirect_vreg.gather [hbm4b:s1+s3], $0x80, v19, vm0, $0xb8;
	[tilespmem:$0x8300] =	vst v63  }
0x98: {  	v19 =	vadd.s32 v15, v24;
	v24 =	vperm.xlane v0, v28;
	s29 =	simm.s32 $0x1380  }
0x99: {  	[tilespmem:s29], [sflag:$0x1] =	stream.indirect_vreg.gather [hbm4b:s1+s3], $0x80, v4, vm0, $0xb8;
	[tilespmem:$0x8300] =	vst v63  }
0x9a: {  	v4 =	vadd.s32 v15, v24;
	v24 =	vperm.xlane v0, v30;
	s29 =	simm.s32 $0x1400  }
0x9b: {  	[tilespmem:s29], [sflag:$0x1] =	stream.indirect_vreg.gather [hbm4b:s1+s3], $0x80, v8, vm0, $0xb8;
	[tilespmem:$0x8300] =	vst v63  }
0x9c: {  	v8 =	vadd.s32 v15, v24;
	v24 =	vperm.xlane v0, v31;
	s29 =	simm.s32 $0x1480  }
0x9d: {  	[tilespmem:s29], [sflag:$0x1] =	stream.indirect_vreg.gather [hbm4b:s1+s3], $0x80, v19, vm0, $0xb8;
	[tilespmem:$0x8300] =	vst v63  }
0x9e: {  	v19 =	vadd.s32 v15, v24;
	v24 =	vperm.xlane v0, v32;
	s29 =	simm.s32 $0x1500  }
0x9f: {  	[tilespmem:s29], [sflag:$0x1] =	stream.indirect_vreg.gather [hbm4b:s1+s3], $0x80, v4, vm0, $0xb8;
	[tilespmem:$0x8300] =	vst v63  }
0xa0: {  	v4 =	vadd.s32 v15, v24;
	v24 =	vperm.xlane v0, v33;
	s29 =	simm.s32 $0x1580  }
0xa1: {  	[tilespmem:s29], [sflag:$0x1] =	stream.indirect_vreg.gather [hbm4b:s1+s3], $0x80, v8, vm0, $0xb8;
	[tilespmem:$0x8300] =	vst v63  }
0xa2: {  	v8 =	vadd.s32 v15, v24;
	v24 =	vperm.xlane v0, v38;
	s29 =	simm.s32 $0x1600  }
0xa3: {  	[tilespmem:s29], [sflag:$0x1] =	stream.indirect_vreg.gather [hbm4b:s1+s3], $0x80, v19, vm0, $0xb8;
	[tilespmem:$0x8300] =	vst v63  }
0xa4: {  	v19 =	vadd.s32 v15, v24;
	v24 =	vperm.xlane v0, v40;
	s29 =	simm.s32 $0x1680  }
0xa5: {  	[tilespmem:s29], [sflag:$0x1] =	stream.indirect_vreg.gather [hbm4b:s1+s3], $0x80, v4, vm0, $0xb8;
	[tilespmem:$0x8300] =	vst v63  }
0xa6: {  	v4 =	vadd.s32 v15, v24;
	v24 =	vperm.xlane v0, v41;
	s29 =	simm.s32 $0x1700  }
0xa7: {  	[tilespmem:s29], [sflag:$0x1] =	stream.indirect_vreg.gather [hbm4b:s1+s3], $0x80, v8, vm0, $0xb8;
	[tilespmem:$0x8300] =	vst v63  }
0xa8: {  	v8 =	vadd.s32 v15, v24;
	v24 =	vperm.xlane v0, v42;
	s29 =	simm.s32 $0x1780  }
0xa9: {  	[tilespmem:s29], [sflag:$0x1] =	stream.indirect_vreg.gather [hbm4b:s1+s3], $0x80, v19, vm0, $0xb8;
	[tilespmem:$0x8300] =	vst v63  }
0xaa: {  	v0 =	vperm.xlane v0, v43;
	v19 =	vadd.s32 v15, v24;
	s29 =	simm.s32 $0x1800  }
0xab: {  	[tilespmem:s29], [sflag:$0x1] =	stream.indirect_vreg.gather [hbm4b:s1+s3], $0x80, v4, vm0, $0xb8;
	[tilespmem:$0x8300] =	vst v63  }
0xac: {  	v0 =	vadd.s32 v15, v0;
	s29 =	simm.s32 $0x1880  }
0xad: {  	[tilespmem:s29], [sflag:$0x1] =	stream.indirect_vreg.gather [hbm4b:s1+s3], $0x80, v8, vm0, $0xb8;
	[tilespmem:$0x8300] =	vst v63  }
0xae: {  	s29 =	simm.s32 $0x1900  }
0xaf: {  	[tilespmem:s29], [sflag:$0x1] =	stream.indirect_vreg.gather [hbm4b:s1+s3], $0x80, v19, vm0, $0xb8;
	[tilespmem:$0x8300] =	vst v63  }
0xb0: {  	s29 =	simm.s32 $0x1980  }
0xb1: {  	[tilespmem:s29], [sflag:$0x1] =	stream.indirect_vreg.gather [hbm4b:s1+s3], $0x80, v0, vm0, $0xb8;
	[tilespmem:$0x8300] =	vst v63  }
0xb2: {  	v0 =	vld [tilespmem:$0x30];
	_ =	sdelay $0x4  }
0xb3: {  	v4 =	vshll.u32 v0, $0x4  }
0xb4: {  	v0 =	vand.u32 $0x7, v0;
	v4 =	vand.u32 $0xFFFFFF80, v4  }
0xb5: {  	v0 =	vor.u32 v0, v4  }
0xb6: {  	v4 =	vperm.xlane v0, v13;
	_ =	sdelay $0x1  }
0xb7: {  	v8 =	vperm.xlane v0, v20;
	v4 =	vadd.s32 v15, v4;
	_ =	sdelay $0x1  }
0xb8: {  	v19 =	vperm.xlane v0, v21;
	v8 =	vadd.s32 v15, v8;
	_ =	sdelay $0x1  }
0xb9: {  	s29 =	simm.s32 $0x1A00;
	v24 =	vperm.xlane v0, v22;
	v19 =	vadd.s32 v15, v19  }
0xba: {  	[tilespmem:s29], [sflag:$0x1] =	stream.indirect_vreg.gather [hbm4b:s1+s3], $0x80, v4, vm0, $0xb8;
	[tilespmem:$0x8300] =	vst v63  }
0xbb: {  	v4 =	vadd.s32 v15, v24;
	v24 =	vperm.xlane v0, v18;
	s29 =	simm.s32 $0x1A80  }
0xbc: {  	[tilespmem:s29], [sflag:$0x1] =	stream.indirect_vreg.gather [hbm4b:s1+s3], $0x80, v8, vm0, $0xb8;
	[tilespmem:$0x8300] =	vst v63  }
0xbd: {  	v8 =	vadd.s32 v15, v24;
	v24 =	vperm.xlane v0, v23;
	s29 =	simm.s32 $0x1B00  }
0xbe: {  	[tilespmem:s29], [sflag:$0x1] =	stream.indirect_vreg.gather [hbm4b:s1+s3], $0x80, v19, vm0, $0xb8;
	[tilespmem:$0x8300] =	vst v63  }
0xbf: {  	v19 =	vadd.s32 v15, v24;
	v24 =	vperm.xlane v0, v28;
	s29 =	simm.s32 $0x1B80  }
0xc0: {  	[tilespmem:s29], [sflag:$0x1] =	stream.indirect_vreg.gather [hbm4b:s1+s3], $0x80, v4, vm0, $0xb8;
	[tilespmem:$0x8300] =	vst v63  }
0xc1: {  	v4 =	vadd.s32 v15, v24;
	v24 =	vperm.xlane v0, v30;
	s29 =	simm.s32 $0x1C00  }
0xc2: {  	[tilespmem:s29], [sflag:$0x1] =	stream.indirect_vreg.gather [hbm4b:s1+s3], $0x80, v8, vm0, $0xb8;
	[tilespmem:$0x8300] =	vst v63  }
0xc3: {  	v8 =	vadd.s32 v15, v24;
	v24 =	vperm.xlane v0, v31;
	s29 =	simm.s32 $0x1C80  }
0xc4: {  	[tilespmem:s29], [sflag:$0x1] =	stream.indirect_vreg.gather [hbm4b:s1+s3], $0x80, v19, vm0, $0xb8;
	[tilespmem:$0x8300] =	vst v63  }
0xc5: {  	v19 =	vadd.s32 v15, v24;
	v24 =	vperm.xlane v0, v32;
	s29 =	simm.s32 $0x1D00  }
0xc6: {  	[tilespmem:s29], [sflag:$0x1] =	stream.indirect_vreg.gather [hbm4b:s1+s3], $0x80, v4, vm0, $0xb8;
	[tilespmem:$0x8300] =	vst v63  }
0xc7: {  	v4 =	vadd.s32 v15, v24;
	v24 =	vperm.xlane v0, v33;
	s29 =	simm.s32 $0x1D80  }
0xc8: {  	[tilespmem:s29], [sflag:$0x1] =	stream.indirect_vreg.gather [hbm4b:s1+s3], $0x80, v8, vm0, $0xb8;
	[tilespmem:$0x8300] =	vst v63  }
0xc9: {  	v8 =	vadd.s32 v15, v24;
	v24 =	vperm.xlane v0, v38;
	s29 =	simm.s32 $0x1E00  }
0xca: {  	[tilespmem:s29], [sflag:$0x1] =	stream.indirect_vreg.gather [hbm4b:s1+s3], $0x80, v19, vm0, $0xb8;
	[tilespmem:$0x8300] =	vst v63  }
0xcb: {  	v19 =	vadd.s32 v15, v24;
	v24 =	vperm.xlane v0, v40;
	s29 =	simm.s32 $0x1E80  }
0xcc: {  	[tilespmem:s29], [sflag:$0x1] =	stream.indirect_vreg.gather [hbm4b:s1+s3], $0x80, v4, vm0, $0xb8;
	[tilespmem:$0x8300] =	vst v63  }
0xcd: {  	v4 =	vadd.s32 v15, v24;
	v24 =	vperm.xlane v0, v41;
	s29 =	simm.s32 $0x1F00  }
0xce: {  	[tilespmem:s29], [sflag:$0x1] =	stream.indirect_vreg.gather [hbm4b:s1+s3], $0x80, v8, vm0, $0xb8;
	[tilespmem:$0x8300] =	vst v63  }
0xcf: {  	v8 =	vadd.s32 v15, v24;
	v24 =	vperm.xlane v0, v42;
	s29 =	simm.s32 $0x1F80  }
0xd0: {  	[tilespmem:s29], [sflag:$0x1] =	stream.indirect_vreg.gather [hbm4b:s1+s3], $0x80, v19, vm0, $0xb8;
	[tilespmem:$0x8300] =	vst v63  }
0xd1: {  	v0 =	vperm.xlane v0, v43;
	v19 =	vadd.s32 v15, v24;
	s29 =	simm.s32 $0x2000  }
0xd2: {  	[tilespmem:s29], [sflag:$0x1] =	stream.indirect_vreg.gather [hbm4b:s1+s3], $0x80, v4, vm0, $0xb8;
	[tilespmem:$0x8300] =	vst v63  }
0xd3: {  	v0 =	vadd.s32 v15, v0;
	s29 =	simm.s32 $0x2080  }
0xd4: {  	[tilespmem:s29], [sflag:$0x1] =	stream.indirect_vreg.gather [hbm4b:s1+s3], $0x80, v8, vm0, $0xb8;
	[tilespmem:$0x8300] =	vst v63  }
0xd5: {  	s29 =	simm.s32 $0x2100  }
0xd6: {  	[tilespmem:s29], [sflag:$0x1] =	stream.indirect_vreg.gather [hbm4b:s1+s3], $0x80, v19, vm0, $0xb8;
	[tilespmem:$0x8300] =	vst v63  }
0xd7: {  	s29 =	simm.s32 $0x2180  }
0xd8: {  	[tilespmem:s29], [sflag:$0x1] =	stream.indirect_vreg.gather [hbm4b:s1+s3], $0x80, v0, vm0, $0xb8;
	v0 =	vld [tilespmem:$0x1FF00]  }
0xd9: {  	_ =	sdelay $0x3  }
0xda: {  	[tilespmem:$0x90] =	vst v0;
	v0 =	vld [tilespmem:$0x1FF10];
	_ =	sdelay $0x4  }
0xdb: {  	[tilespmem:$0xA0] =	vst v0;
	v0 =	vld [tilespmem:$0x1FF20];
	_ =	sdelay $0x3  }
0xdc: {  	[tilespmem:$0x80] =	vst v27  }
0xdd: {  	s29 =	simm.s32 $0x2200;
	[tilespmem:$0xB0] =	vst v0  }
0xde: {  	[tilespmem:s29], [sflag:$0x2] =	stream.indirect_vreg.gather [hbm4b:s1+s3], $0x80, v51, vm0, $0xb8;
	[tilespmem:$0x8300] =	vst v63  }
0xdf: {  	s29 =	simm.s32 $0x2280  }
0xe0: {  	[tilespmem:s29], [sflag:$0x2] =	stream.indirect_vreg.gather [hbm4b:s1+s3], $0x80, v52, vm0, $0xb8;
	[tilespmem:$0x8300] =	vst v63  }
0xe1: {  	s29 =	simm.s32 $0x2300  }
0xe2: {  	[tilespmem:s29], [sflag:$0x2] =	stream.indirect_vreg.gather [hbm4b:s1+s3], $0x80, v53, vm0, $0xb8;
	[tilespmem:$0x8300] =	vst v63  }
0xe3: {  	s29 =	simm.s32 $0x2380  }
0xe4: {  	[tilespmem:s29], [sflag:$0x2] =	stream.indirect_vreg.gather [hbm4b:s1+s3], $0x80, v54, vm0, $0xb8;
	[tilespmem:$0x8300] =	vst v63  }
0xe5: {  	s29 =	simm.s32 $0x2400  }
0xe6: {  	[tilespmem:s29], [sflag:$0x2] =	stream.indirect_vreg.gather [hbm4b:s1+s3], $0x80, v55, vm0, $0xb8;
	[tilespmem:$0x8300] =	vst v63  }
0xe7: {  	s29 =	simm.s32 $0x2480  }
0xe8: {  	[tilespmem:s29], [sflag:$0x2] =	stream.indirect_vreg.gather [hbm4b:s1+s3], $0x80, v56, vm0, $0xb8;
	[tilespmem:$0x8300] =	vst v63  }
0xe9: {  	s29 =	simm.s32 $0x2500  }
0xea: {  	[tilespmem:s29], [sflag:$0x2] =	stream.indirect_vreg.gather [hbm4b:s1+s3], $0x80, v57, vm0, $0xb8;
	[tilespmem:$0x8300] =	vst v63  }
0xeb: {  	s29 =	simm.s32 $0x2580  }
0xec: {  	[tilespmem:s29], [sflag:$0x2] =	stream.indirect_vreg.gather [hbm4b:s1+s3], $0x80, v58, vm0, $0xb8;
	[tilespmem:$0x8300] =	vst v63  }
0xed: {  	s29 =	simm.s32 $0x2600  }
0xee: {  	[tilespmem:s29], [sflag:$0x2] =	stream.indirect_vreg.gather [hbm4b:s1+s3], $0x80, v59, vm0, $0xb8;
	[tilespmem:$0x8300] =	vst v63  }
0xef: {  	s29 =	simm.s32 $0x2680  }
0xf0: {  	[tilespmem:s29], [sflag:$0x2] =	stream.indirect_vreg.gather [hbm4b:s1+s3], $0x80, v60, vm0, $0xb8;
	[tilespmem:$0x8300] =	vst v63  }
0xf1: {  	s29 =	simm.s32 $0x2700  }
0xf2: {  	[tilespmem:s29], [sflag:$0x2] =	stream.indirect_vreg.gather [hbm4b:s1+s3], $0x80, v61, vm0, $0xb8;
	[tilespmem:$0x8300] =	vst v63  }
0xf3: {  	s29 =	simm.s32 $0x2780  }
0xf4: {  	[tilespmem:s29], [sflag:$0x2] =	stream.indirect_vreg.gather [hbm4b:s1+s3], $0x80, v62, vm0, $0xb8;
	[tilespmem:$0x8300] =	vst v63  }
0xf5: {  	s29 =	simm.s32 $0x2800  }
0xf6: {  	[tilespmem:s29], [sflag:$0x2] =	stream.indirect_vreg.gather [hbm4b:s1+s3], $0x80, v63, vm0, $0xb8;
	[tilespmem:$0x8300] =	vst v63  }
0xf7: {  	s29 =	simm.s32 $0x2880  }
0xf8: {  	[tilespmem:s29], [sflag:$0x2] =	stream.indirect_vreg.gather [hbm4b:s1+s3], $0x80, v1, vm0, $0xb8;
	[tilespmem:$0x8300] =	vst v63  }
0xf9: {  	s29 =	simm.s32 $0x2900  }
0xfa: {  	[tilespmem:s29], [sflag:$0x2] =	stream.indirect_vreg.gather [hbm4b:s1+s3], $0x80, v2, vm0, $0xb8;
	[tilespmem:$0x8300] =	vst v63  }
0xfb: {  	s29 =	simm.s32 $0x2980  }
0xfc: {  	[tilespmem:s29], [sflag:$0x2] =	stream.indirect_vreg.gather [hbm4b:s1+s3], $0x80, v3, vm0, $0xb8;
	[tilespmem:$0x8300] =	vst v63  }
0xfd: {  	v0 =	vld [tilespmem:$0x90];
	_ =	sdelay $0x4  }
0xfe: {  	v4 =	vshll.u32 v0, $0x4  }
0xff: {  	v0 =	vand.u32 $0x7, v0;
	v4 =	vand.u32 $0xFFFFFF80, v4  }
0x100: {  	v0 =	vor.u32 v0, v4  }
0x101: {  	v4 =	vperm.xlane v0, v13;
	_ =	sdelay $0x1  }
0x102: {  	v8 =	vperm.xlane v0, v20;
	v4 =	vadd.s32 v15, v4;
	_ =	sdelay $0x1  }
0x103: {  	v19 =	vperm.xlane v0, v21;
	v8 =	vadd.s32 v15, v8;
	_ =	sdelay $0x1  }
0x104: {  	s29 =	simm.s32 $0x2A00;
	v24 =	vperm.xlane v0, v22;
	v19 =	vadd.s32 v15, v19  }
0x105: {  	[tilespmem:s29], [sflag:$0x2] =	stream.indirect_vreg.gather [hbm4b:s1+s3], $0x80, v4, vm0, $0xb8;
	[tilespmem:$0x8300] =	vst v63  }
0x106: {  	v4 =	vadd.s32 v15, v24;
	v24 =	vperm.xlane v0, v18;
	s29 =	simm.s32 $0x2A80  }
0x107: {  	[tilespmem:s29], [sflag:$0x2] =	stream.indirect_vreg.gather [hbm4b:s1+s3], $0x80, v8, vm0, $0xb8;
	[tilespmem:$0x8300] =	vst v63  }
0x108: {  	v8 =	vadd.s32 v15, v24;
	v24 =	vperm.xlane v0, v23;
	s29 =	simm.s32 $0x2B00  }
0x109: {  	[tilespmem:s29], [sflag:$0x2] =	stream.indirect_vreg.gather [hbm4b:s1+s3], $0x80, v19, vm0, $0xb8;
	[tilespmem:$0x8300] =	vst v63  }
0x10a: {  	v19 =	vadd.s32 v15, v24;
	v24 =	vperm.xlane v0, v28;
	s29 =	simm.s32 $0x2B80  }
0x10b: {  	[tilespmem:s29], [sflag:$0x2] =	stream.indirect_vreg.gather [hbm4b:s1+s3], $0x80, v4, vm0, $0xb8;
	[tilespmem:$0x8300] =	vst v63  }
0x10c: {  	v4 =	vadd.s32 v15, v24;
	v24 =	vperm.xlane v0, v30;
	s29 =	simm.s32 $0x2C00  }
0x10d: {  	[tilespmem:s29], [sflag:$0x2] =	stream.indirect_vreg.gather [hbm4b:s1+s3], $0x80, v8, vm0, $0xb8;
	[tilespmem:$0x8300] =	vst v63  }
0x10e: {  	v8 =	vadd.s32 v15, v24;
	v24 =	vperm.xlane v0, v31;
	s29 =	simm.s32 $0x2C80  }
0x10f: {  	[tilespmem:s29], [sflag:$0x2] =	stream.indirect_vreg.gather [hbm4b:s1+s3], $0x80, v19, vm0, $0xb8;
	[tilespmem:$0x8300] =	vst v63  }
0x110: {  	v19 =	vadd.s32 v15, v24;
	v24 =	vperm.xlane v0, v32;
	s29 =	simm.s32 $0x2D00  }
0x111: {  	[tilespmem:s29], [sflag:$0x2] =	stream.indirect_vreg.gather [hbm4b:s1+s3], $0x80, v4, vm0, $0xb8;
	[tilespmem:$0x8300] =	vst v63  }
0x112: {  	v4 =	vadd.s32 v15, v24;
	v24 =	vperm.xlane v0, v33;
	s29 =	simm.s32 $0x2D80  }
0x113: {  	[tilespmem:s29], [sflag:$0x2] =	stream.indirect_vreg.gather [hbm4b:s1+s3], $0x80, v8, vm0, $0xb8;
	[tilespmem:$0x8300] =	vst v63  }
0x114: {  	v8 =	vadd.s32 v15, v24;
	v24 =	vperm.xlane v0, v38;
	s29 =	simm.s32 $0x2E00  }
0x115: {  	[tilespmem:s29], [sflag:$0x2] =	stream.indirect_vreg.gather [hbm4b:s1+s3], $0x80, v19, vm0, $0xb8;
	[tilespmem:$0x8300] =	vst v63  }
0x116: {  	v19 =	vadd.s32 v15, v24;
	v24 =	vperm.xlane v0, v40;
	s29 =	simm.s32 $0x2E80  }
0x117: {  	[tilespmem:s29], [sflag:$0x2] =	stream.indirect_vreg.gather [hbm4b:s1+s3], $0x80, v4, vm0, $0xb8;
	[tilespmem:$0x8300] =	vst v63  }
0x118: {  	v4 =	vadd.s32 v15, v24;
	v24 =	vperm.xlane v0, v41;
	s29 =	simm.s32 $0x2F00  }
0x119: {  	[tilespmem:s29], [sflag:$0x2] =	stream.indirect_vreg.gather [hbm4b:s1+s3], $0x80, v8, vm0, $0xb8;
	[tilespmem:$0x8300] =	vst v63  }
0x11a: {  	v8 =	vadd.s32 v15, v24;
	v24 =	vperm.xlane v0, v42;
	s29 =	simm.s32 $0x2F80  }
0x11b: {  	[tilespmem:s29], [sflag:$0x2] =	stream.indirect_vreg.gather [hbm4b:s1+s3], $0x80, v19, vm0, $0xb8;
	[tilespmem:$0x8300] =	vst v63  }
0x11c: {  	v0 =	vperm.xlane v0, v43;
	v19 =	vadd.s32 v15, v24;
	s29 =	simm.s32 $0x3000  }
0x11d: {  	[tilespmem:s29], [sflag:$0x2] =	stream.indirect_vreg.gather [hbm4b:s1+s3], $0x80, v4, vm0, $0xb8;
	[tilespmem:$0x8300] =	vst v63  }
0x11e: {  	v0 =	vadd.s32 v15, v0;
	s29 =	simm.s32 $0x3080  }
0x11f: {  	[tilespmem:s29], [sflag:$0x2] =	stream.indirect_vreg.gather [hbm4b:s1+s3], $0x80, v8, vm0, $0xb8;
	[tilespmem:$0x8300] =	vst v63  }
0x120: {  	s29 =	simm.s32 $0x3100  }
0x121: {  	[tilespmem:s29], [sflag:$0x2] =	stream.indirect_vreg.gather [hbm4b:s1+s3], $0x80, v19, vm0, $0xb8;
	[tilespmem:$0x8300] =	vst v63  }
0x122: {  	s29 =	simm.s32 $0x3180  }
0x123: {  	[tilespmem:s29], [sflag:$0x2] =	stream.indirect_vreg.gather [hbm4b:s1+s3], $0x80, v0, vm0, $0xb8;
	[tilespmem:$0x8300] =	vst v63  }
0x124: {  	v0 =	vld [tilespmem:$0xA0];
	_ =	sdelay $0x4  }
0x125: {  	v4 =	vshll.u32 v0, $0x4  }
0x126: {  	v0 =	vand.u32 $0x7, v0;
	v4 =	vand.u32 $0xFFFFFF80, v4  }
0x127: {  	v0 =	vor.u32 v0, v4  }
0x128: {  	v4 =	vperm.xlane v0, v13;
	_ =	sdelay $0x1  }
0x129: {  	v8 =	vperm.xlane v0, v20;
	v4 =	vadd.s32 v15, v4;
	_ =	sdelay $0x1  }
0x12a: {  	v19 =	vperm.xlane v0, v21;
	v8 =	vadd.s32 v15, v8;
	_ =	sdelay $0x1  }
0x12b: {  	s29 =	simm.s32 $0x3200;
	v24 =	vperm.xlane v0, v22;
	v19 =	vadd.s32 v15, v19  }
0x12c: {  	[tilespmem:s29], [sflag:$0x2] =	stream.indirect_vreg.gather [hbm4b:s1+s3], $0x80, v4, vm0, $0xb8;
	[tilespmem:$0x8300] =	vst v63  }
0x12d: {  	v4 =	vadd.s32 v15, v24;
	v24 =	vperm.xlane v0, v18;
	s29 =	simm.s32 $0x3280  }
0x12e: {  	[tilespmem:s29], [sflag:$0x2] =	stream.indirect_vreg.gather [hbm4b:s1+s3], $0x80, v8, vm0, $0xb8;
	[tilespmem:$0x8300] =	vst v63  }
0x12f: {  	v8 =	vadd.s32 v15, v24;
	v24 =	vperm.xlane v0, v23;
	s29 =	simm.s32 $0x3300  }
0x130: {  	[tilespmem:s29], [sflag:$0x2] =	stream.indirect_vreg.gather [hbm4b:s1+s3], $0x80, v19, vm0, $0xb8;
	[tilespmem:$0x8300] =	vst v63  }
0x131: {  	v19 =	vadd.s32 v15, v24;
	v24 =	vperm.xlane v0, v28;
	s29 =	simm.s32 $0x3380  }
0x132: {  	[tilespmem:s29], [sflag:$0x2] =	stream.indirect_vreg.gather [hbm4b:s1+s3], $0x80, v4, vm0, $0xb8;
	[tilespmem:$0x8300] =	vst v63  }
0x133: {  	v4 =	vadd.s32 v15, v24;
	v24 =	vperm.xlane v0, v30;
	s29 =	simm.s32 $0x3400  }
0x134: {  	[tilespmem:s29], [sflag:$0x2] =	stream.indirect_vreg.gather [hbm4b:s1+s3], $0x80, v8, vm0, $0xb8;
	[tilespmem:$0x8300] =	vst v63  }
0x135: {  	v8 =	vadd.s32 v15, v24;
	v24 =	vperm.xlane v0, v31;
	s29 =	simm.s32 $0x3480  }
0x136: {  	[tilespmem:s29], [sflag:$0x2] =	stream.indirect_vreg.gather [hbm4b:s1+s3], $0x80, v19, vm0, $0xb8;
	[tilespmem:$0x8300] =	vst v63  }
0x137: {  	v19 =	vadd.s32 v15, v24;
	v24 =	vperm.xlane v0, v32;
	s29 =	simm.s32 $0x3500  }
0x138: {  	[tilespmem:s29], [sflag:$0x2] =	stream.indirect_vreg.gather [hbm4b:s1+s3], $0x80, v4, vm0, $0xb8;
	[tilespmem:$0x8300] =	vst v63  }
0x139: {  	v4 =	vadd.s32 v15, v24;
	v24 =	vperm.xlane v0, v33;
	s29 =	simm.s32 $0x3580  }
0x13a: {  	[tilespmem:s29], [sflag:$0x2] =	stream.indirect_vreg.gather [hbm4b:s1+s3], $0x80, v8, vm0, $0xb8;
	[tilespmem:$0x8300] =	vst v63  }
0x13b: {  	v8 =	vadd.s32 v15, v24;
	v24 =	vperm.xlane v0, v38;
	s29 =	simm.s32 $0x3600  }
0x13c: {  	[tilespmem:s29], [sflag:$0x2] =	stream.indirect_vreg.gather [hbm4b:s1+s3], $0x80, v19, vm0, $0xb8;
	[tilespmem:$0x8300] =	vst v63  }
0x13d: {  	v19 =	vadd.s32 v15, v24;
	v24 =	vperm.xlane v0, v40;
	s29 =	simm.s32 $0x3680  }
0x13e: {  	[tilespmem:s29], [sflag:$0x2] =	stream.indirect_vreg.gather [hbm4b:s1+s3], $0x80, v4, vm0, $0xb8;
	[tilespmem:$0x8300] =	vst v63  }
0x13f: {  	v4 =	vadd.s32 v15, v24;
	v24 =	vperm.xlane v0, v41;
	s29 =	simm.s32 $0x3700  }
0x140: {  	[tilespmem:s29], [sflag:$0x2] =	stream.indirect_vreg.gather [hbm4b:s1+s3], $0x80, v8, vm0, $0xb8;
	[tilespmem:$0x8300] =	vst v63  }
0x141: {  	v8 =	vadd.s32 v15, v24;
	v24 =	vperm.xlane v0, v42;
	s29 =	simm.s32 $0x3780  }
0x142: {  	[tilespmem:s29], [sflag:$0x2] =	stream.indirect_vreg.gather [hbm4b:s1+s3], $0x80, v19, vm0, $0xb8;
	[tilespmem:$0x8300] =	vst v63  }
0x143: {  	v0 =	vperm.xlane v0, v43;
	v19 =	vadd.s32 v15, v24;
	s29 =	simm.s32 $0x3800  }
0x144: {  	[tilespmem:s29], [sflag:$0x2] =	stream.indirect_vreg.gather [hbm4b:s1+s3], $0x80, v4, vm0, $0xb8;
	[tilespmem:$0x8300] =	vst v63  }
0x145: {  	v0 =	vadd.s32 v15, v0;
	s29 =	simm.s32 $0x3880  }
0x146: {  	[tilespmem:s29], [sflag:$0x2] =	stream.indirect_vreg.gather [hbm4b:s1+s3], $0x80, v8, vm0, $0xb8;
	[tilespmem:$0x8300] =	vst v63  }
0x147: {  	s29 =	simm.s32 $0x3900  }
0x148: {  	[tilespmem:s29], [sflag:$0x2] =	stream.indirect_vreg.gather [hbm4b:s1+s3], $0x80, v19, vm0, $0xb8;
	[tilespmem:$0x8300] =	vst v63  }
0x149: {  	s29 =	simm.s32 $0x3980  }
0x14a: {  	[tilespmem:s29], [sflag:$0x2] =	stream.indirect_vreg.gather [hbm4b:s1+s3], $0x80, v0, vm0, $0xb8;
	[tilespmem:$0x8300] =	vst v63  }
0x14b: {  	v0 =	vld [tilespmem:$0xB0];
	_ =	sdelay $0x4  }
0x14c: {  	v4 =	vshll.u32 v0, $0x4  }
0x14d: {  	v0 =	vand.u32 $0x7, v0;
	v4 =	vand.u32 $0xFFFFFF80, v4  }
0x14e: {  	v0 =	vor.u32 v0, v4  }
0x14f: {  	v4 =	vperm.xlane v0, v13;
	_ =	sdelay $0x1  }
0x150: {  	v8 =	vperm.xlane v0, v20;
	v4 =	vadd.s32 v15, v4;
	_ =	sdelay $0x1  }
0x151: {  	v19 =	vperm.xlane v0, v21;
	v8 =	vadd.s32 v15, v8;
	_ =	sdelay $0x1  }
0x152: {  	s29 =	simm.s32 $0x3A00;
	v24 =	vperm.xlane v0, v22;
	v19 =	vadd.s32 v15, v19  }
0x153: {  	[tilespmem:s29], [sflag:$0x2] =	stream.indirect_vreg.gather [hbm4b:s1+s3], $0x80, v4, vm0, $0xb8;
	[tilespmem:$0x8300] =	vst v63  }
0x154: {  	v4 =	vadd.s32 v15, v24;
	v24 =	vperm.xlane v0, v18;
	s29 =	simm.s32 $0x3A80  }
0x155: {  	[tilespmem:s29], [sflag:$0x2] =	stream.indirect_vreg.gather [hbm4b:s1+s3], $0x80, v8, vm0, $0xb8;
	[tilespmem:$0x8300] =	vst v63  }
0x156: {  	v8 =	vadd.s32 v15, v24;
	v24 =	vperm.xlane v0, v23;
	s29 =	simm.s32 $0x3B00  }
0x157: {  	[tilespmem:s29], [sflag:$0x2] =	stream.indirect_vreg.gather [hbm4b:s1+s3], $0x80, v19, vm0, $0xb8;
	[tilespmem:$0x8300] =	vst v63  }
0x158: {  	v19 =	vadd.s32 v15, v24;
	v24 =	vperm.xlane v0, v28;
	s29 =	simm.s32 $0x3B80  }
0x159: {  	[tilespmem:s29], [sflag:$0x2] =	stream.indirect_vreg.gather [hbm4b:s1+s3], $0x80, v4, vm0, $0xb8;
	[tilespmem:$0x8300] =	vst v63  }
0x15a: {  	v4 =	vadd.s32 v15, v24;
	v24 =	vperm.xlane v0, v30;
	s29 =	simm.s32 $0x3C00  }
0x15b: {  	[tilespmem:s29], [sflag:$0x2] =	stream.indirect_vreg.gather [hbm4b:s1+s3], $0x80, v8, vm0, $0xb8;
	[tilespmem:$0x8300] =	vst v63  }
0x15c: {  	v8 =	vadd.s32 v15, v24;
	v24 =	vperm.xlane v0, v31;
	s29 =	simm.s32 $0x3C80  }
0x15d: {  	[tilespmem:s29], [sflag:$0x2] =	stream.indirect_vreg.gather [hbm4b:s1+s3], $0x80, v19, vm0, $0xb8;
	[tilespmem:$0x8300] =	vst v63  }
0x15e: {  	v19 =	vadd.s32 v15, v24;
	v24 =	vperm.xlane v0, v32;
	s29 =	simm.s32 $0x3D00  }
0x15f: {  	[tilespmem:s29], [sflag:$0x2] =	stream.indirect_vreg.gather [hbm4b:s1+s3], $0x80, v4, vm0, $0xb8;
	[tilespmem:$0x8300] =	vst v63  }
0x160: {  	v4 =	vadd.s32 v15, v24;
	v24 =	vperm.xlane v0, v33;
	s29 =	simm.s32 $0x3D80  }
0x161: {  	[tilespmem:s29], [sflag:$0x2] =	stream.indirect_vreg.gather [hbm4b:s1+s3], $0x80, v8, vm0, $0xb8;
	[tilespmem:$0x8300] =	vst v63  }
0x162: {  	v8 =	vadd.s32 v15, v24;
	v24 =	vperm.xlane v0, v38;
	s29 =	simm.s32 $0x3E00  }
0x163: {  	[tilespmem:s29], [sflag:$0x2] =	stream.indirect_vreg.gather [hbm4b:s1+s3], $0x80, v19, vm0, $0xb8;
	[tilespmem:$0x8300] =	vst v63  }
0x164: {  	v19 =	vadd.s32 v15, v24;
	v24 =	vperm.xlane v0, v40;
	s29 =	simm.s32 $0x3E80  }
0x165: {  	[tilespmem:s29], [sflag:$0x2] =	stream.indirect_vreg.gather [hbm4b:s1+s3], $0x80, v4, vm0, $0xb8;
	[tilespmem:$0x8300] =	vst v63  }
0x166: {  	v4 =	vadd.s32 v15, v24;
	v24 =	vperm.xlane v0, v41;
	s29 =	simm.s32 $0x3F00  }
0x167: {  	[tilespmem:s29], [sflag:$0x2] =	stream.indirect_vreg.gather [hbm4b:s1+s3], $0x80, v8, vm0, $0xb8;
	[tilespmem:$0x8300] =	vst v63  }
0x168: {  	v8 =	vadd.s32 v15, v24;
	v24 =	vperm.xlane v0, v42;
	s29 =	simm.s32 $0x3F80  }
0x169: {  	[tilespmem:s29], [sflag:$0x2] =	stream.indirect_vreg.gather [hbm4b:s1+s3], $0x80, v19, vm0, $0xb8;
	[tilespmem:$0x8300] =	vst v63  }
0x16a: {  	v0 =	vperm.xlane v0, v43;
	v19 =	vadd.s32 v15, v24;
	s29 =	simm.s32 $0x4000  }
0x16b: {  	[tilespmem:s29], [sflag:$0x2] =	stream.indirect_vreg.gather [hbm4b:s1+s3], $0x80, v4, vm0, $0xb8;
	[tilespmem:$0x8300] =	vst v63  }
0x16c: {  	v0 =	vadd.s32 v15, v0;
	s29 =	simm.s32 $0x4080  }
0x16d: {  	[tilespmem:s29], [sflag:$0x2] =	stream.indirect_vreg.gather [hbm4b:s1+s3], $0x80, v8, vm0, $0xb8;
	[tilespmem:$0x8300] =	vst v63  }
0x16e: {  	s29 =	simm.s32 $0x4100  }
0x16f: {  	[tilespmem:s29], [sflag:$0x2] =	stream.indirect_vreg.gather [hbm4b:s1+s3], $0x80, v19, vm0, $0xb8;
	[tilespmem:$0x8300] =	vst v63  }
0x170: {  	s29 =	simm.s32 $0x4180  }
0x171: {  	[tilespmem:s29], [sflag:$0x2] =	stream.indirect_vreg.gather [hbm4b:s1+s3], $0x80, v0, vm0, $0xb8;
	v0 =	vld [tilespmem:$0x1FF30]  }
0x172: {  	_ =	sdelay $0x3  }
0x173: {  	[tilespmem:$0x110] =	vst v0;
	v0 =	vld [tilespmem:$0x1FF40];
	_ =	sdelay $0x4  }
0x174: {  	[tilespmem:$0x120] =	vst v0;
	v0 =	vld [tilespmem:$0x1FF60];
	_ =	sdelay $0x3  }
0x175: {  	[tilespmem:$0x100] =	vst v12  }
0x176: {  	s29 =	simm.s32 $0x4200;
	[tilespmem:$0x130] =	vst v0  }
0x177: {  	[tilespmem:s29], [sflag:$0x3] =	stream.indirect_vreg.gather [hbm4b:s1+s3], $0x80, v5, vm0, $0xb8;
	[tilespmem:$0x8300] =	vst v63  }
0x178: {  	s29 =	simm.s32 $0x4280  }
0x179: {  	[tilespmem:s29], [sflag:$0x3] =	stream.indirect_vreg.gather [hbm4b:s1+s3], $0x80, v6, vm0, $0xb8;
	[tilespmem:$0x8300] =	vst v63  }
0x17a: {  	s29 =	simm.s32 $0x4300  }
0x17b: {  	[tilespmem:s29], [sflag:$0x3] =	stream.indirect_vreg.gather [hbm4b:s1+s3], $0x80, v7, vm0, $0xb8;
	[tilespmem:$0x8300] =	vst v63  }
0x17c: {  	s29 =	simm.s32 $0x4380  }
0x17d: {  	[tilespmem:s29], [sflag:$0x3] =	stream.indirect_vreg.gather [hbm4b:s1+s3], $0x80, v9, vm0, $0xb8;
	[tilespmem:$0x8300] =	vst v63  }
0x17e: {  	s29 =	simm.s32 $0x4400  }
0x17f: {  	[tilespmem:s29], [sflag:$0x3] =	stream.indirect_vreg.gather [hbm4b:s1+s3], $0x80, v10, vm0, $0xb8;
	[tilespmem:$0x8300] =	vst v63  }
0x180: {  	s29 =	simm.s32 $0x4480  }
0x181: {  	[tilespmem:s29], [sflag:$0x3] =	stream.indirect_vreg.gather [hbm4b:s1+s3], $0x80, v11, vm0, $0xb8;
	[tilespmem:$0x8300] =	vst v63  }
0x182: {  	v0 =	vperm.xlane v49, v32;
	s29 =	simm.s32 $0x4500  }
0x183: {  	[tilespmem:s29], [sflag:$0x3] =	stream.indirect_vreg.gather [hbm4b:s1+s3], $0x80, v14, vm0, $0xb8;
	[tilespmem:$0x8300] =	vst v63  }
0x184: {  	v4 =	vperm.xlane v49, v33;
	v0 =	vadd.s32 v15, v0;
	s29 =	simm.s32 $0x4580  }
0x185: {  	[tilespmem:s29], [sflag:$0x3] =	stream.indirect_vreg.gather [hbm4b:s1+s3], $0x80, v16, vm0, $0xb8;
	[tilespmem:$0x8300] =	vst v63  }
0x186: {  	v4 =	vadd.s32 v15, v4;
	v8 =	vperm.xlane v49, v38;
	s29 =	simm.s32 $0x4600  }
0x187: {  	[tilespmem:s29], [sflag:$0x3] =	stream.indirect_vreg.gather [hbm4b:s1+s3], $0x80, v17, vm0, $0xb8;
	[tilespmem:$0x8300] =	vst v63  }
0x188: {  	v8 =	vadd.s32 v15, v8;
	v19 =	vperm.xlane v49, v40;
	s29 =	simm.s32 $0x4680  }
0x189: {  	[tilespmem:s29], [sflag:$0x3] =	stream.indirect_vreg.gather [hbm4b:s1+s3], $0x80, v0, vm0, $0xb8;
	[tilespmem:$0x8300] =	vst v63  }
0x18a: {  	v0 =	vadd.s32 v15, v19;
	v19 =	vperm.xlane v49, v41;
	s29 =	simm.s32 $0x4700  }
0x18b: {  	[tilespmem:s29], [sflag:$0x3] =	stream.indirect_vreg.gather [hbm4b:s1+s3], $0x80, v4, vm0, $0xb8;
	[tilespmem:$0x8300] =	vst v63  }
0x18c: {  	v4 =	vadd.s32 v15, v19;
	v19 =	vperm.xlane v49, v42;
	s29 =	simm.s32 $0x4780  }
0x18d: {  	[tilespmem:s29], [sflag:$0x3] =	stream.indirect_vreg.gather [hbm4b:s1+s3], $0x80, v8, vm0, $0xb8;
	[tilespmem:$0x8300] =	vst v63  }
0x18e: {  	v8 =	vadd.s32 v15, v19;
	v19 =	vperm.xlane v49, v43;
	s29 =	simm.s32 $0x4800  }
0x18f: {  	[tilespmem:s29], [sflag:$0x3] =	stream.indirect_vreg.gather [hbm4b:s1+s3], $0x80, v0, vm0, $0xb8;
	[tilespmem:$0x8300] =	vst v63  }
0x190: {  	v0 =	vadd.s32 v15, v19;
	s29 =	simm.s32 $0x4880  }
0x191: {  	[tilespmem:s29], [sflag:$0x3] =	stream.indirect_vreg.gather [hbm4b:s1+s3], $0x80, v4, vm0, $0xb8;
	[tilespmem:$0x8300] =	vst v63  }
0x192: {  	s29 =	simm.s32 $0x4900  }
0x193: {  	[tilespmem:s29], [sflag:$0x3] =	stream.indirect_vreg.gather [hbm4b:s1+s3], $0x80, v8, vm0, $0xb8;
	[tilespmem:$0x8300] =	vst v63  }
0x194: {  	s29 =	simm.s32 $0x4980  }
0x195: {  	[tilespmem:s29], [sflag:$0x3] =	stream.indirect_vreg.gather [hbm4b:s1+s3], $0x80, v0, vm0, $0xb8;
	[tilespmem:$0x8300] =	vst v63  }
0x196: {  	v0 =	vld [tilespmem:$0x110];
	_ =	sdelay $0x4  }
0x197: {  	v4 =	vshll.u32 v0, $0x4  }
0x198: {  	v0 =	vand.u32 $0x7, v0;
	v4 =	vand.u32 $0xFFFFFF80, v4  }
0x199: {  	v0 =	vor.u32 v0, v4  }
0x19a: {  	v4 =	vperm.xlane v0, v13;
	_ =	sdelay $0x1  }
0x19b: {  	v8 =	vperm.xlane v0, v20;
	v4 =	vadd.s32 v15, v4;
	_ =	sdelay $0x1  }
0x19c: {  	v19 =	vperm.xlane v0, v21;
	v8 =	vadd.s32 v15, v8;
	_ =	sdelay $0x1  }
0x19d: {  	s29 =	simm.s32 $0x4A00;
	v24 =	vperm.xlane v0, v22;
	v19 =	vadd.s32 v15, v19  }
0x19e: {  	[tilespmem:s29], [sflag:$0x3] =	stream.indirect_vreg.gather [hbm4b:s1+s3], $0x80, v4, vm0, $0xb8;
	[tilespmem:$0x8300] =	vst v63  }
0x19f: {  	v4 =	vadd.s32 v15, v24;
	v24 =	vperm.xlane v0, v18;
	s29 =	simm.s32 $0x4A80  }
0x1a0: {  	[tilespmem:s29], [sflag:$0x3] =	stream.indirect_vreg.gather [hbm4b:s1+s3], $0x80, v8, vm0, $0xb8;
	[tilespmem:$0x8300] =	vst v63  }
0x1a1: {  	v8 =	vadd.s32 v15, v24;
	v24 =	vperm.xlane v0, v23;
	s29 =	simm.s32 $0x4B00  }
0x1a2: {  	[tilespmem:s29], [sflag:$0x3] =	stream.indirect_vreg.gather [hbm4b:s1+s3], $0x80, v19, vm0, $0xb8;
	[tilespmem:$0x8300] =	vst v63  }
0x1a3: {  	v19 =	vadd.s32 v15, v24;
	v24 =	vperm.xlane v0, v28;
	s29 =	simm.s32 $0x4B80  }
0x1a4: {  	[tilespmem:s29], [sflag:$0x3] =	stream.indirect_vreg.gather [hbm4b:s1+s3], $0x80, v4, vm0, $0xb8;
	[tilespmem:$0x8300] =	vst v63  }
0x1a5: {  	v4 =	vadd.s32 v15, v24;
	v24 =	vperm.xlane v0, v30;
	s29 =	simm.s32 $0x4C00  }
0x1a6: {  	[tilespmem:s29], [sflag:$0x3] =	stream.indirect_vreg.gather [hbm4b:s1+s3], $0x80, v8, vm0, $0xb8;
	[tilespmem:$0x8300] =	vst v63  }
0x1a7: {  	v8 =	vadd.s32 v15, v24;
	v24 =	vperm.xlane v0, v31;
	s29 =	simm.s32 $0x4C80  }
0x1a8: {  	[tilespmem:s29], [sflag:$0x3] =	stream.indirect_vreg.gather [hbm4b:s1+s3], $0x80, v19, vm0, $0xb8;
	[tilespmem:$0x8300] =	vst v63  }
0x1a9: {  	v19 =	vadd.s32 v15, v24;
	v24 =	vperm.xlane v0, v32;
	s29 =	simm.s32 $0x4D00  }
0x1aa: {  	[tilespmem:s29], [sflag:$0x3] =	stream.indirect_vreg.gather [hbm4b:s1+s3], $0x80, v4, vm0, $0xb8;
	[tilespmem:$0x8300] =	vst v63  }
0x1ab: {  	v4 =	vadd.s32 v15, v24;
	v24 =	vperm.xlane v0, v33;
	s29 =	simm.s32 $0x4D80  }
0x1ac: {  	[tilespmem:s29], [sflag:$0x3] =	stream.indirect_vreg.gather [hbm4b:s1+s3], $0x80, v8, vm0, $0xb8;
	[tilespmem:$0x8300] =	vst v63  }
0x1ad: {  	v8 =	vadd.s32 v15, v24;
	v24 =	vperm.xlane v0, v38;
	s29 =	simm.s32 $0x4E00  }
0x1ae: {  	[tilespmem:s29], [sflag:$0x3] =	stream.indirect_vreg.gather [hbm4b:s1+s3], $0x80, v19, vm0, $0xb8;
	[tilespmem:$0x8300] =	vst v63  }
0x1af: {  	v19 =	vadd.s32 v15, v24;
	v24 =	vperm.xlane v0, v40;
	s29 =	simm.s32 $0x4E80  }
0x1b0: {  	[tilespmem:s29], [sflag:$0x3] =	stream.indirect_vreg.gather [hbm4b:s1+s3], $0x80, v4, vm0, $0xb8;
	[tilespmem:$0x8300] =	vst v63  }
0x1b1: {  	v4 =	vadd.s32 v15, v24;
	v24 =	vperm.xlane v0, v41;
	s29 =	simm.s32 $0x4F00  }
0x1b2: {  	[tilespmem:s29], [sflag:$0x3] =	stream.indirect_vreg.gather [hbm4b:s1+s3], $0x80, v8, vm0, $0xb8;
	[tilespmem:$0x8300] =	vst v63  }
0x1b3: {  	v8 =	vadd.s32 v15, v24;
	v24 =	vperm.xlane v0, v42;
	s29 =	simm.s32 $0x4F80  }
0x1b4: {  	[tilespmem:s29], [sflag:$0x3] =	stream.indirect_vreg.gather [hbm4b:s1+s3], $0x80, v19, vm0, $0xb8;
	[tilespmem:$0x8300] =	vst v63  }
0x1b5: {  	v0 =	vperm.xlane v0, v43;
	v19 =	vadd.s32 v15, v24;
	s29 =	simm.s32 $0x5000  }
0x1b6: {  	[tilespmem:s29], [sflag:$0x3] =	stream.indirect_vreg.gather [hbm4b:s1+s3], $0x80, v4, vm0, $0xb8;
	[tilespmem:$0x8300] =	vst v63  }
0x1b7: {  	v0 =	vadd.s32 v15, v0;
	s29 =	simm.s32 $0x5080  }
0x1b8: {  	[tilespmem:s29], [sflag:$0x3] =	stream.indirect_vreg.gather [hbm4b:s1+s3], $0x80, v8, vm0, $0xb8;
	[tilespmem:$0x8300] =	vst v63  }
0x1b9: {  	s29 =	simm.s32 $0x5100  }
0x1ba: {  	[tilespmem:s29], [sflag:$0x3] =	stream.indirect_vreg.gather [hbm4b:s1+s3], $0x80, v19, vm0, $0xb8;
	[tilespmem:$0x8300] =	vst v63  }
0x1bb: {  	s29 =	simm.s32 $0x5180  }
0x1bc: {  	[tilespmem:s29], [sflag:$0x3] =	stream.indirect_vreg.gather [hbm4b:s1+s3], $0x80, v0, vm0, $0xb8;
	[tilespmem:$0x8300] =	vst v63  }
0x1bd: {  	v0 =	vld [tilespmem:$0x120];
	_ =	sdelay $0x4  }
0x1be: {  	v4 =	vshll.u32 v0, $0x4  }
0x1bf: {  	v0 =	vand.u32 $0x7, v0;
	v4 =	vand.u32 $0xFFFFFF80, v4  }
0x1c0: {  	v0 =	vor.u32 v0, v4  }
0x1c1: {  	v4 =	vperm.xlane v0, v13;
	_ =	sdelay $0x1  }
0x1c2: {  	v8 =	vperm.xlane v0, v20;
	v4 =	vadd.s32 v15, v4;
	_ =	sdelay $0x1  }
0x1c3: {  	v19 =	vperm.xlane v0, v21;
	v8 =	vadd.s32 v15, v8;
	_ =	sdelay $0x1  }
0x1c4: {  	s29 =	simm.s32 $0x5200;
	v24 =	vperm.xlane v0, v22;
	v19 =	vadd.s32 v15, v19  }
0x1c5: {  	[tilespmem:s29], [sflag:$0x3] =	stream.indirect_vreg.gather [hbm4b:s1+s3], $0x80, v4, vm0, $0xb8;
	[tilespmem:$0x8300] =	vst v63  }
0x1c6: {  	v4 =	vadd.s32 v15, v24;
	v24 =	vperm.xlane v0, v18;
	s29 =	simm.s32 $0x5280  }
0x1c7: {  	[tilespmem:s29], [sflag:$0x3] =	stream.indirect_vreg.gather [hbm4b:s1+s3], $0x80, v8, vm0, $0xb8;
	[tilespmem:$0x8300] =	vst v63  }
0x1c8: {  	v8 =	vadd.s32 v15, v24;
	v24 =	vperm.xlane v0, v23;
	s29 =	simm.s32 $0x5300  }
0x1c9: {  	[tilespmem:s29], [sflag:$0x3] =	stream.indirect_vreg.gather [hbm4b:s1+s3], $0x80, v19, vm0, $0xb8;
	[tilespmem:$0x8300] =	vst v63  }
0x1ca: {  	v19 =	vadd.s32 v15, v24;
	v24 =	vperm.xlane v0, v28;
	s29 =	simm.s32 $0x5380  }
0x1cb: {  	[tilespmem:s29], [sflag:$0x3] =	stream.indirect_vreg.gather [hbm4b:s1+s3], $0x80, v4, vm0, $0xb8;
	[tilespmem:$0x8300] =	vst v63  }
0x1cc: {  	v4 =	vadd.s32 v15, v24;
	v24 =	vperm.xlane v0, v30;
	s29 =	simm.s32 $0x5400  }
0x1cd: {  	[tilespmem:s29], [sflag:$0x3] =	stream.indirect_vreg.gather [hbm4b:s1+s3], $0x80, v8, vm0, $0xb8;
	[tilespmem:$0x8300] =	vst v63  }
0x1ce: {  	v8 =	vadd.s32 v15, v24;
	v24 =	vperm.xlane v0, v31;
	s29 =	simm.s32 $0x5480  }
0x1cf: {  	[tilespmem:s29], [sflag:$0x3] =	stream.indirect_vreg.gather [hbm4b:s1+s3], $0x80, v19, vm0, $0xb8;
	[tilespmem:$0x8300] =	vst v63  }
0x1d0: {  	v19 =	vadd.s32 v15, v24;
	v24 =	vperm.xlane v0, v32;
	s29 =	simm.s32 $0x5500  }
0x1d1: {  	[tilespmem:s29], [sflag:$0x3] =	stream.indirect_vreg.gather [hbm4b:s1+s3], $0x80, v4, vm0, $0xb8;
	[tilespmem:$0x8300] =	vst v63  }
0x1d2: {  	v4 =	vadd.s32 v15, v24;
	v24 =	vperm.xlane v0, v33;
	s29 =	simm.s32 $0x5580  }
0x1d3: {  	[tilespmem:s29], [sflag:$0x3] =	stream.indirect_vreg.gather [hbm4b:s1+s3], $0x80, v8, vm0, $0xb8;
	[tilespmem:$0x8300] =	vst v63  }
0x1d4: {  	v8 =	vadd.s32 v15, v24;
	v24 =	vperm.xlane v0, v38;
	s29 =	simm.s32 $0x5600  }
0x1d5: {  	[tilespmem:s29], [sflag:$0x3] =	stream.indirect_vreg.gather [hbm4b:s1+s3], $0x80, v19, vm0, $0xb8;
	[tilespmem:$0x8300] =	vst v63  }
0x1d6: {  	v19 =	vadd.s32 v15, v24;
	v24 =	vperm.xlane v0, v40;
	s29 =	simm.s32 $0x5680  }
0x1d7: {  	[tilespmem:s29], [sflag:$0x3] =	stream.indirect_vreg.gather [hbm4b:s1+s3], $0x80, v4, vm0, $0xb8;
	[tilespmem:$0x8300] =	vst v63  }
0x1d8: {  	v4 =	vadd.s32 v15, v24;
	v24 =	vperm.xlane v0, v41;
	s29 =	simm.s32 $0x5700  }
0x1d9: {  	[tilespmem:s29], [sflag:$0x3] =	stream.indirect_vreg.gather [hbm4b:s1+s3], $0x80, v8, vm0, $0xb8;
	[tilespmem:$0x8300] =	vst v63  }
0x1da: {  	v8 =	vadd.s32 v15, v24;
	v24 =	vperm.xlane v0, v42;
	s29 =	simm.s32 $0x5780  }
0x1db: {  	[tilespmem:s29], [sflag:$0x3] =	stream.indirect_vreg.gather [hbm4b:s1+s3], $0x80, v19, vm0, $0xb8;
	[tilespmem:$0x8300] =	vst v63  }
0x1dc: {  	v0 =	vperm.xlane v0, v43;
	v19 =	vadd.s32 v15, v24;
	s29 =	simm.s32 $0x5800  }
0x1dd: {  	[tilespmem:s29], [sflag:$0x3] =	stream.indirect_vreg.gather [hbm4b:s1+s3], $0x80, v4, vm0, $0xb8;
	[tilespmem:$0x8300] =	vst v63  }
0x1de: {  	v0 =	vadd.s32 v15, v0;
	s29 =	simm.s32 $0x5880  }
0x1df: {  	[tilespmem:s29], [sflag:$0x3] =	stream.indirect_vreg.gather [hbm4b:s1+s3], $0x80, v8, vm0, $0xb8;
	[tilespmem:$0x8300] =	vst v63  }
0x1e0: {  	s29 =	simm.s32 $0x5900  }
0x1e1: {  	[tilespmem:s29], [sflag:$0x3] =	stream.indirect_vreg.gather [hbm4b:s1+s3], $0x80, v19, vm0, $0xb8;
	[tilespmem:$0x8300] =	vst v63  }
0x1e2: {  	s29 =	simm.s32 $0x5980  }
0x1e3: {  	[tilespmem:s29], [sflag:$0x3] =	stream.indirect_vreg.gather [hbm4b:s1+s3], $0x80, v0, vm0, $0xb8;
	[tilespmem:$0x8300] =	vst v63  }
0x1e4: {  	v0 =	vld [tilespmem:$0x130];
	_ =	sdelay $0x4  }
0x1e5: {  	v4 =	vshll.u32 v0, $0x4  }
0x1e6: {  	v0 =	vand.u32 $0x7, v0;
	v4 =	vand.u32 $0xFFFFFF80, v4  }
0x1e7: {  	v0 =	vor.u32 v0, v4  }
0x1e8: {  	v4 =	vperm.xlane v0, v13;
	_ =	sdelay $0x1  }
0x1e9: {  	v8 =	vperm.xlane v0, v20;
	v4 =	vadd.s32 v15, v4;
	_ =	sdelay $0x1  }
0x1ea: {  	v19 =	vperm.xlane v0, v21;
	v8 =	vadd.s32 v15, v8;
	_ =	sdelay $0x1  }
0x1eb: {  	s29 =	simm.s32 $0x5A00;
	v24 =	vperm.xlane v0, v22;
	v19 =	vadd.s32 v15, v19  }
0x1ec: {  	[tilespmem:s29], [sflag:$0x3] =	stream.indirect_vreg.gather [hbm4b:s1+s3], $0x80, v4, vm0, $0xb8;
	[tilespmem:$0x8300] =	vst v63  }
0x1ed: {  	v4 =	vadd.s32 v15, v24;
	v24 =	vperm.xlane v0, v18;
	s29 =	simm.s32 $0x5A80  }
0x1ee: {  	[tilespmem:s29], [sflag:$0x3] =	stream.indirect_vreg.gather [hbm4b:s1+s3], $0x80, v8, vm0, $0xb8;
	[tilespmem:$0x8300] =	vst v63  }
0x1ef: {  	v8 =	vadd.s32 v15, v24;
	v24 =	vperm.xlane v0, v23;
	s29 =	simm.s32 $0x5B00  }
0x1f0: {  	[tilespmem:s29], [sflag:$0x3] =	stream.indirect_vreg.gather [hbm4b:s1+s3], $0x80, v19, vm0, $0xb8;
	[tilespmem:$0x8300] =	vst v63  }
0x1f1: {  	v19 =	vadd.s32 v15, v24;
	v24 =	vperm.xlane v0, v28;
	s29 =	simm.s32 $0x5B80  }
0x1f2: {  	[tilespmem:s29], [sflag:$0x3] =	stream.indirect_vreg.gather [hbm4b:s1+s3], $0x80, v4, vm0, $0xb8;
	[tilespmem:$0x8300] =	vst v63  }
0x1f3: {  	v4 =	vadd.s32 v15, v24;
	v24 =	vperm.xlane v0, v30;
	s29 =	simm.s32 $0x5C00  }
0x1f4: {  	[tilespmem:s29], [sflag:$0x3] =	stream.indirect_vreg.gather [hbm4b:s1+s3], $0x80, v8, vm0, $0xb8;
	[tilespmem:$0x8300] =	vst v63  }
0x1f5: {  	v8 =	vadd.s32 v15, v24;
	v24 =	vperm.xlane v0, v31;
	s29 =	simm.s32 $0x5C80  }
0x1f6: {  	[tilespmem:s29], [sflag:$0x3] =	stream.indirect_vreg.gather [hbm4b:s1+s3], $0x80, v19, vm0, $0xb8;
	[tilespmem:$0x8300] =	vst v63  }
0x1f7: {  	v19 =	vadd.s32 v15, v24;
	v24 =	vperm.xlane v0, v32;
	s29 =	simm.s32 $0x5D00  }
0x1f8: {  	[tilespmem:s29], [sflag:$0x3] =	stream.indirect_vreg.gather [hbm4b:s1+s3], $0x80, v4, vm0, $0xb8;
	[tilespmem:$0x8300] =	vst v63  }
0x1f9: {  	v4 =	vadd.s32 v15, v24;
	v24 =	vperm.xlane v0, v33;
	s29 =	simm.s32 $0x5D80  }
0x1fa: {  	[tilespmem:s29], [sflag:$0x3] =	stream.indirect_vreg.gather [hbm4b:s1+s3], $0x80, v8, vm0, $0xb8;
	[tilespmem:$0x8300] =	vst v63  }
0x1fb: {  	v8 =	vadd.s32 v15, v24;
	v24 =	vperm.xlane v0, v38;
	s29 =	simm.s32 $0x5E00  }
0x1fc: {  	[tilespmem:s29], [sflag:$0x3] =	stream.indirect_vreg.gather [hbm4b:s1+s3], $0x80, v19, vm0, $0xb8;
	[tilespmem:$0x8300] =	vst v63  }
0x1fd: {  	v19 =	vadd.s32 v15, v24;
	v24 =	vperm.xlane v0, v40;
	s29 =	simm.s32 $0x5E80  }
0x1fe: {  	[tilespmem:s29], [sflag:$0x3] =	stream.indirect_vreg.gather [hbm4b:s1+s3], $0x80, v4, vm0, $0xb8;
	[tilespmem:$0x8300] =	vst v63  }
0x1ff: {  	v4 =	vadd.s32 v15, v24;
	v24 =	vperm.xlane v0, v41;
	s29 =	simm.s32 $0x5F00  }
0x200: {  	[tilespmem:s29], [sflag:$0x3] =	stream.indirect_vreg.gather [hbm4b:s1+s3], $0x80, v8, vm0, $0xb8;
	[tilespmem:$0x8300] =	vst v63  }
0x201: {  	v8 =	vadd.s32 v15, v24;
	v24 =	vperm.xlane v0, v42;
	s29 =	simm.s32 $0x5F80  }
0x202: {  	[tilespmem:s29], [sflag:$0x3] =	stream.indirect_vreg.gather [hbm4b:s1+s3], $0x80, v19, vm0, $0xb8;
	[tilespmem:$0x8300] =	vst v63  }
0x203: {  	v19 =	vadd.s32 v15, v24;
	s29 =	simm.s32 $0x6000  }
0x204: {  	[tilespmem:s29], [sflag:$0x3] =	stream.indirect_vreg.gather [hbm4b:s1+s3], $0x80, v4, vm0, $0xb8;
	[tilespmem:$0x8300] =	vst v63  }
0x205: {  	v0 =	vperm.xlane v0, v43;
	s29 =	simm.s32 $0x6080  }
0x206: {  	[tilespmem:s29], [sflag:$0x3] =	stream.indirect_vreg.gather [hbm4b:s1+s3], $0x80, v8, vm0, $0xb8;
	[tilespmem:$0x8300] =	vst v63  }
0x207: {  	v0 =	vadd.s32 v15, v0;
	s29 =	simm.s32 $0x6100  }
0x208: {  	[tilespmem:s29], [sflag:$0x3] =	stream.indirect_vreg.gather [hbm4b:s1+s3], $0x80, v19, vm0, $0xb8;
	v19 =	vld [tilespmem:$0x1FF80]  }
0x209: {  	_ =	sdelay $0x1  }
0x20a: {  	v8 =	vld [tilespmem:$0x1FF70];
	s29 =	simm.s32 $0x6180  }
0x20b: {  	v4 =	vperm.xlane v50, v13;
	[tilespmem:s29], [sflag:$0x3] =	stream.indirect_vreg.gather [hbm4b:s1+s3], $0x80, v0, vm0, $0xb8;
	[tilespmem:$0x8300] =	vst v63  }
0x20c: {  	[tilespmem:$0x1A0] =	vst v19;
	v19 =	vld [tilespmem:$0x1FF90]  }
0x20d: {  	v0 =	vadd.s32 v15, v4;
	v4 =	vperm.xlane v50, v20;
	_ =	sdelay $0x1  }
0x20e: {  	[tilespmem:$0x190] =	vst v8;
	v8 =	vperm.xlane v50, v21;
	v4 =	vadd.s32 v15, v4  }
0x20f: {  	[tilespmem:$0x180] =	vst v29  }
0x210: {  	s29 =	simm.s32 $0x6200;
	v8 =	vadd.s32 v15, v8;
	[tilespmem:$0x1B0] =	vst v19;
	v19 =	vperm.xlane v50, v22  }
0x211: {  	[tilespmem:s29], [sflag:$0x4] =	stream.indirect_vreg.gather [hbm4b:s1+s3], $0x80, v0, vm0, $0xb8;
	[tilespmem:$0x8300] =	vst v63  }
0x212: {  	s29 =	simm.s32 $0x6280;
	v0 =	vadd.s32 v15, v19;
	v19 =	vperm.xlane v50, v18  }
0x213: {  	[tilespmem:s29], [sflag:$0x4] =	stream.indirect_vreg.gather [hbm4b:s1+s3], $0x80, v4, vm0, $0xb8;
	[tilespmem:$0x8300] =	vst v63  }
0x214: {  	s29 =	simm.s32 $0x6300;
	v4 =	vadd.s32 v15, v19;
	v19 =	vperm.xlane v50, v23  }
0x215: {  	[tilespmem:s29], [sflag:$0x4] =	stream.indirect_vreg.gather [hbm4b:s1+s3], $0x80, v8, vm0, $0xb8;
	[tilespmem:$0x8300] =	vst v63  }
0x216: {  	s29 =	simm.s32 $0x6380;
	v8 =	vadd.s32 v15, v19;
	v19 =	vperm.xlane v50, v28  }
0x217: {  	[tilespmem:s29], [sflag:$0x4] =	stream.indirect_vreg.gather [hbm4b:s1+s3], $0x80, v0, vm0, $0xb8;
	[tilespmem:$0x8300] =	vst v63  }
0x218: {  	s29 =	simm.s32 $0x6400;
	v0 =	vadd.s32 v15, v19;
	v19 =	vperm.xlane v50, v30  }
0x219: {  	[tilespmem:s29], [sflag:$0x4] =	stream.indirect_vreg.gather [hbm4b:s1+s3], $0x80, v4, vm0, $0xb8;
	[tilespmem:$0x8300] =	vst v63  }
0x21a: {  	s29 =	simm.s32 $0x6480;
	v4 =	vadd.s32 v15, v19;
	v19 =	vperm.xlane v50, v31  }
0x21b: {  	[tilespmem:s29], [sflag:$0x4] =	stream.indirect_vreg.gather [hbm4b:s1+s3], $0x80, v8, vm0, $0xb8;
	[tilespmem:$0x8300] =	vst v63  }
0x21c: {  	s29 =	simm.s32 $0x6500;
	v8 =	vadd.s32 v15, v19;
	v19 =	vperm.xlane v50, v32  }
0x21d: {  	[tilespmem:s29], [sflag:$0x4] =	stream.indirect_vreg.gather [hbm4b:s1+s3], $0x80, v0, vm0, $0xb8;
	[tilespmem:$0x8300] =	vst v63  }
0x21e: {  	s29 =	simm.s32 $0x6580;
	v0 =	vadd.s32 v15, v19;
	v19 =	vperm.xlane v50, v33  }
0x21f: {  	[tilespmem:s29], [sflag:$0x4] =	stream.indirect_vreg.gather [hbm4b:s1+s3], $0x80, v4, vm0, $0xb8;
	[tilespmem:$0x8300] =	vst v63  }
0x220: {  	s29 =	simm.s32 $0x6600;
	v4 =	vadd.s32 v15, v19;
	v19 =	vperm.xlane v50, v38  }
0x221: {  	[tilespmem:s29], [sflag:$0x4] =	stream.indirect_vreg.gather [hbm4b:s1+s3], $0x80, v8, vm0, $0xb8;
	[tilespmem:$0x8300] =	vst v63  }
0x222: {  	s29 =	simm.s32 $0x6680;
	v8 =	vadd.s32 v15, v19;
	v19 =	vperm.xlane v50, v40  }
0x223: {  	[tilespmem:s29], [sflag:$0x4] =	stream.indirect_vreg.gather [hbm4b:s1+s3], $0x80, v0, vm0, $0xb8;
	[tilespmem:$0x8300] =	vst v63  }
0x224: {  	s29 =	simm.s32 $0x6700;
	v0 =	vadd.s32 v15, v19;
	v19 =	vperm.xlane v50, v41  }
0x225: {  	[tilespmem:s29], [sflag:$0x4] =	stream.indirect_vreg.gather [hbm4b:s1+s3], $0x80, v4, vm0, $0xb8;
	[tilespmem:$0x8300] =	vst v63  }
0x226: {  	s29 =	simm.s32 $0x6780;
	v4 =	vadd.s32 v15, v19;
	v19 =	vperm.xlane v50, v42  }
0x227: {  	[tilespmem:s29], [sflag:$0x4] =	stream.indirect_vreg.gather [hbm4b:s1+s3], $0x80, v8, vm0, $0xb8;
	[tilespmem:$0x8300] =	vst v63  }
0x228: {  	s29 =	simm.s32 $0x6800;
	v8 =	vadd.s32 v15, v19;
	v19 =	vperm.xlane v50, v43  }
0x229: {  	[tilespmem:s29], [sflag:$0x4] =	stream.indirect_vreg.gather [hbm4b:s1+s3], $0x80, v0, vm0, $0xb8;
	[tilespmem:$0x8300] =	vst v63  }
0x22a: {  	s29 =	simm.s32 $0x6880;
	v0 =	vadd.s32 v15, v19  }
0x22b: {  	[tilespmem:s29], [sflag:$0x4] =	stream.indirect_vreg.gather [hbm4b:s1+s3], $0x80, v4, vm0, $0xb8;
	[tilespmem:$0x8300] =	vst v63  }
0x22c: {  	s29 =	simm.s32 $0x6900  }
0x22d: {  	[tilespmem:s29], [sflag:$0x4] =	stream.indirect_vreg.gather [hbm4b:s1+s3], $0x80, v8, vm0, $0xb8;
	[tilespmem:$0x8300] =	vst v63  }
0x22e: {  	s29 =	simm.s32 $0x6980  }
0x22f: {  	[tilespmem:s29], [sflag:$0x4] =	stream.indirect_vreg.gather [hbm4b:s1+s3], $0x80, v0, vm0, $0xb8;
	[tilespmem:$0x8300] =	vst v63  }
0x230: {  	v0 =	vld [tilespmem:$0x190];
	_ =	sdelay $0x4  }
0x231: {  	v4 =	vshll.u32 v0, $0x4  }
0x232: {  	v0 =	vand.u32 $0x7, v0;
	v4 =	vand.u32 $0xFFFFFF80, v4  }
0x233: {  	v0 =	vor.u32 v0, v4  }
0x234: {  	v4 =	vperm.xlane v0, v13;
	_ =	sdelay $0x1  }
0x235: {  	v8 =	vperm.xlane v0, v20;
	v4 =	vadd.s32 v15, v4;
	_ =	sdelay $0x1  }
0x236: {  	v19 =	vperm.xlane v0, v21;
	v8 =	vadd.s32 v15, v8;
	_ =	sdelay $0x1  }
0x237: {  	s29 =	simm.s32 $0x6A00;
	v24 =	vperm.xlane v0, v22;
	v19 =	vadd.s32 v15, v19  }
0x238: {  	[tilespmem:s29], [sflag:$0x4] =	stream.indirect_vreg.gather [hbm4b:s1+s3], $0x80, v4, vm0, $0xb8;
	[tilespmem:$0x8300] =	vst v63  }
0x239: {  	v4 =	vadd.s32 v15, v24;
	v24 =	vperm.xlane v0, v18;
	s29 =	simm.s32 $0x6A80  }
0x23a: {  	[tilespmem:s29], [sflag:$0x4] =	stream.indirect_vreg.gather [hbm4b:s1+s3], $0x80, v8, vm0, $0xb8;
	[tilespmem:$0x8300] =	vst v63  }
0x23b: {  	v8 =	vadd.s32 v15, v24;
	v24 =	vperm.xlane v0, v23;
	s29 =	simm.s32 $0x6B00  }
0x23c: {  	[tilespmem:s29], [sflag:$0x4] =	stream.indirect_vreg.gather [hbm4b:s1+s3], $0x80, v19, vm0, $0xb8;
	[tilespmem:$0x8300] =	vst v63  }
0x23d: {  	v19 =	vadd.s32 v15, v24;
	v24 =	vperm.xlane v0, v28;
	s29 =	simm.s32 $0x6B80  }
0x23e: {  	[tilespmem:s29], [sflag:$0x4] =	stream.indirect_vreg.gather [hbm4b:s1+s3], $0x80, v4, vm0, $0xb8;
	[tilespmem:$0x8300] =	vst v63  }
0x23f: {  	v4 =	vadd.s32 v15, v24;
	v24 =	vperm.xlane v0, v30;
	s29 =	simm.s32 $0x6C00  }
0x240: {  	[tilespmem:s29], [sflag:$0x4] =	stream.indirect_vreg.gather [hbm4b:s1+s3], $0x80, v8, vm0, $0xb8;
	[tilespmem:$0x8300] =	vst v63  }
0x241: {  	v8 =	vadd.s32 v15, v24;
	v24 =	vperm.xlane v0, v31;
	s29 =	simm.s32 $0x6C80  }
0x242: {  	[tilespmem:s29], [sflag:$0x4] =	stream.indirect_vreg.gather [hbm4b:s1+s3], $0x80, v19, vm0, $0xb8;
	[tilespmem:$0x8300] =	vst v63  }
0x243: {  	v19 =	vadd.s32 v15, v24;
	v24 =	vperm.xlane v0, v32;
	s29 =	simm.s32 $0x6D00  }
0x244: {  	[tilespmem:s29], [sflag:$0x4] =	stream.indirect_vreg.gather [hbm4b:s1+s3], $0x80, v4, vm0, $0xb8;
	[tilespmem:$0x8300] =	vst v63  }
0x245: {  	v4 =	vadd.s32 v15, v24;
	v24 =	vperm.xlane v0, v33;
	s29 =	simm.s32 $0x6D80  }
0x246: {  	[tilespmem:s29], [sflag:$0x4] =	stream.indirect_vreg.gather [hbm4b:s1+s3], $0x80, v8, vm0, $0xb8;
	[tilespmem:$0x8300] =	vst v63  }
0x247: {  	v8 =	vadd.s32 v15, v24;
	v24 =	vperm.xlane v0, v38;
	s29 =	simm.s32 $0x6E00  }
0x248: {  	[tilespmem:s29], [sflag:$0x4] =	stream.indirect_vreg.gather [hbm4b:s1+s3], $0x80, v19, vm0, $0xb8;
	[tilespmem:$0x8300] =	vst v63  }
0x249: {  	v19 =	vadd.s32 v15, v24;
	v24 =	vperm.xlane v0, v40;
	s29 =	simm.s32 $0x6E80  }
0x24a: {  	[tilespmem:s29], [sflag:$0x4] =	stream.indirect_vreg.gather [hbm4b:s1+s3], $0x80, v4, vm0, $0xb8;
	[tilespmem:$0x8300] =	vst v63  }
0x24b: {  	v4 =	vadd.s32 v15, v24;
	v24 =	vperm.xlane v0, v41;
	s29 =	simm.s32 $0x6F00  }
0x24c: {  	[tilespmem:s29], [sflag:$0x4] =	stream.indirect_vreg.gather [hbm4b:s1+s3], $0x80, v8, vm0, $0xb8;
	[tilespmem:$0x8300] =	vst v63  }
0x24d: {  	v8 =	vadd.s32 v15, v24;
	v24 =	vperm.xlane v0, v42;
	s29 =	simm.s32 $0x6F80  }
0x24e: {  	[tilespmem:s29], [sflag:$0x4] =	stream.indirect_vreg.gather [hbm4b:s1+s3], $0x80, v19, vm0, $0xb8;
	[tilespmem:$0x8300] =	vst v63  }
0x24f: {  	v0 =	vperm.xlane v0, v43;
	v19 =	vadd.s32 v15, v24;
	s29 =	simm.s32 $0x7000  }
0x250: {  	[tilespmem:s29], [sflag:$0x4] =	stream.indirect_vreg.gather [hbm4b:s1+s3], $0x80, v4, vm0, $0xb8;
	[tilespmem:$0x8300] =	vst v63  }
0x251: {  	v0 =	vadd.s32 v15, v0;
	s29 =	simm.s32 $0x7080  }
0x252: {  	[tilespmem:s29], [sflag:$0x4] =	stream.indirect_vreg.gather [hbm4b:s1+s3], $0x80, v8, vm0, $0xb8;
	[tilespmem:$0x8300] =	vst v63  }
0x253: {  	s29 =	simm.s32 $0x7100  }
0x254: {  	[tilespmem:s29], [sflag:$0x4] =	stream.indirect_vreg.gather [hbm4b:s1+s3], $0x80, v19, vm0, $0xb8;
	[tilespmem:$0x8300] =	vst v63  }
0x255: {  	s29 =	simm.s32 $0x7180  }
0x256: {  	[tilespmem:s29], [sflag:$0x4] =	stream.indirect_vreg.gather [hbm4b:s1+s3], $0x80, v0, vm0, $0xb8;
	[tilespmem:$0x8300] =	vst v63  }
0x257: {  	v0 =	vld [tilespmem:$0x1A0];
	_ =	sdelay $0x4  }
0x258: {  	v4 =	vshll.u32 v0, $0x4  }
0x259: {  	v0 =	vand.u32 $0x7, v0;
	v4 =	vand.u32 $0xFFFFFF80, v4  }
0x25a: {  	v0 =	vor.u32 v0, v4  }
0x25b: {  	v4 =	vperm.xlane v0, v13;
	_ =	sdelay $0x1  }
0x25c: {  	v8 =	vperm.xlane v0, v20;
	v4 =	vadd.s32 v15, v4;
	_ =	sdelay $0x1  }
0x25d: {  	v19 =	vperm.xlane v0, v21;
	v8 =	vadd.s32 v15, v8;
	_ =	sdelay $0x1  }
0x25e: {  	s29 =	simm.s32 $0x7200;
	v24 =	vperm.xlane v0, v22;
	v19 =	vadd.s32 v15, v19  }
0x25f: {  	[tilespmem:s29], [sflag:$0x4] =	stream.indirect_vreg.gather [hbm4b:s1+s3], $0x80, v4, vm0, $0xb8;
	[tilespmem:$0x8300] =	vst v63  }
0x260: {  	v4 =	vadd.s32 v15, v24;
	v24 =	vperm.xlane v0, v18;
	s29 =	simm.s32 $0x7280  }
0x261: {  	[tilespmem:s29], [sflag:$0x4] =	stream.indirect_vreg.gather [hbm4b:s1+s3], $0x80, v8, vm0, $0xb8;
	[tilespmem:$0x8300] =	vst v63  }
0x262: {  	v8 =	vadd.s32 v15, v24;
	v24 =	vperm.xlane v0, v23;
	s29 =	simm.s32 $0x7300  }
0x263: {  	[tilespmem:s29], [sflag:$0x4] =	stream.indirect_vreg.gather [hbm4b:s1+s3], $0x80, v19, vm0, $0xb8;
	[tilespmem:$0x8300] =	vst v63  }
0x264: {  	v19 =	vadd.s32 v15, v24;
	v24 =	vperm.xlane v0, v28;
	s29 =	simm.s32 $0x7380  }
0x265: {  	[tilespmem:s29], [sflag:$0x4] =	stream.indirect_vreg.gather [hbm4b:s1+s3], $0x80, v4, vm0, $0xb8;
	[tilespmem:$0x8300] =	vst v63  }
0x266: {  	v4 =	vadd.s32 v15, v24;
	v24 =	vperm.xlane v0, v30;
	s29 =	simm.s32 $0x7400  }
0x267: {  	[tilespmem:s29], [sflag:$0x4] =	stream.indirect_vreg.gather [hbm4b:s1+s3], $0x80, v8, vm0, $0xb8;
	[tilespmem:$0x8300] =	vst v63  }
0x268: {  	v8 =	vadd.s32 v15, v24;
	v24 =	vperm.xlane v0, v31;
	s29 =	simm.s32 $0x7480  }
0x269: {  	[tilespmem:s29], [sflag:$0x4] =	stream.indirect_vreg.gather [hbm4b:s1+s3], $0x80, v19, vm0, $0xb8;
	[tilespmem:$0x8300] =	vst v63  }
0x26a: {  	v19 =	vadd.s32 v15, v24;
	v24 =	vperm.xlane v0, v32;
	s29 =	simm.s32 $0x7500  }
0x26b: {  	[tilespmem:s29], [sflag:$0x4] =	stream.indirect_vreg.gather [hbm4b:s1+s3], $0x80, v4, vm0, $0xb8;
	[tilespmem:$0x8300] =	vst v63  }
0x26c: {  	v4 =	vadd.s32 v15, v24;
	v24 =	vperm.xlane v0, v33;
	s29 =	simm.s32 $0x7580  }
0x26d: {  	[tilespmem:s29], [sflag:$0x4] =	stream.indirect_vreg.gather [hbm4b:s1+s3], $0x80, v8, vm0, $0xb8;
	[tilespmem:$0x8300] =	vst v63  }
0x26e: {  	v8 =	vadd.s32 v15, v24;
	v24 =	vperm.xlane v0, v38;
	s29 =	simm.s32 $0x7600  }
0x26f: {  	[tilespmem:s29], [sflag:$0x4] =	stream.indirect_vreg.gather [hbm4b:s1+s3], $0x80, v19, vm0, $0xb8;
	[tilespmem:$0x8300] =	vst v63  }
0x270: {  	v19 =	vadd.s32 v15, v24;
	v24 =	vperm.xlane v0, v40;
	s29 =	simm.s32 $0x7680  }
0x271: {  	[tilespmem:s29], [sflag:$0x4] =	stream.indirect_vreg.gather [hbm4b:s1+s3], $0x80, v4, vm0, $0xb8;
	[tilespmem:$0x8300] =	vst v63  }
0x272: {  	v4 =	vadd.s32 v15, v24;
	v24 =	vperm.xlane v0, v41;
	s29 =	simm.s32 $0x7700  }
0x273: {  	[tilespmem:s29], [sflag:$0x4] =	stream.indirect_vreg.gather [hbm4b:s1+s3], $0x80, v8, vm0, $0xb8;
	[tilespmem:$0x8300] =	vst v63  }
0x274: {  	v8 =	vadd.s32 v15, v24;
	v24 =	vperm.xlane v0, v42;
	s29 =	simm.s32 $0x7780  }
0x275: {  	[tilespmem:s29], [sflag:$0x4] =	stream.indirect_vreg.gather [hbm4b:s1+s3], $0x80, v19, vm0, $0xb8;
	[tilespmem:$0x8300] =	vst v63  }
0x276: {  	v0 =	vperm.xlane v0, v43;
	v19 =	vadd.s32 v15, v24;
	s29 =	simm.s32 $0x7800  }
0x277: {  	[tilespmem:s29], [sflag:$0x4] =	stream.indirect_vreg.gather [hbm4b:s1+s3], $0x80, v4, vm0, $0xb8;
	[tilespmem:$0x8300] =	vst v63  }
0x278: {  	v0 =	vadd.s32 v15, v0;
	s29 =	simm.s32 $0x7880  }
0x279: {  	[tilespmem:s29], [sflag:$0x4] =	stream.indirect_vreg.gather [hbm4b:s1+s3], $0x80, v8, vm0, $0xb8;
	[tilespmem:$0x8300] =	vst v63  }
0x27a: {  	s29 =	simm.s32 $0x7900  }
0x27b: {  	[tilespmem:s29], [sflag:$0x4] =	stream.indirect_vreg.gather [hbm4b:s1+s3], $0x80, v19, vm0, $0xb8;
	[tilespmem:$0x8300] =	vst v63  }
0x27c: {  	s29 =	simm.s32 $0x7980  }
0x27d: {  	[tilespmem:s29], [sflag:$0x4] =	stream.indirect_vreg.gather [hbm4b:s1+s3], $0x80, v0, vm0, $0xb8;
	[tilespmem:$0x8300] =	vst v63  }
0x27e: {  	v0 =	vld [tilespmem:$0x1B0];
	_ =	sdelay $0x4  }
0x27f: {  	v4 =	vshll.u32 v0, $0x4  }
0x280: {  	v0 =	vand.u32 $0x7, v0;
	v4 =	vand.u32 $0xFFFFFF80, v4  }
0x281: {  	v0 =	vor.u32 v0, v4  }
0x282: {  	v4 =	vperm.xlane v0, v13;
	_ =	sdelay $0x1  }
0x283: {  	v8 =	vperm.xlane v0, v20;
	v4 =	vadd.s32 v15, v4;
	_ =	sdelay $0x1  }
0x284: {  	v19 =	vperm.xlane v0, v21;
	v8 =	vadd.s32 v15, v8;
	_ =	sdelay $0x1  }
0x285: {  	v24 =	vperm.xlane v0, v22;
	v19 =	vadd.s32 v15, v19  }
0x286: {  	[tilespmem:s30], [sflag:$0x4] =	stream.indirect_vreg.gather [hbm4b:s1+s3], $0x80, v4, vm0, $0xb8;
	[tilespmem:$0x8300] =	vst v63  }
0x287: {  	v4 =	vadd.s32 v15, v24;
	v24 =	vperm.xlane v0, v18  }
0x288: {  	[tilespmem:s31], [sflag:$0x4] =	stream.indirect_vreg.gather [hbm4b:s1+s3], $0x80, v8, vm0, $0xb8;
	[tilespmem:$0x8300] =	vst v63  }
0x289: {  	v8 =	vadd.s32 v15, v24;
	v24 =	vperm.xlane v0, v23  }
0x28a: {  	[tilespmem:s0], [sflag:$0x4] =	stream.indirect_vreg.gather [hbm4b:s1+s3], $0x80, v19, vm0, $0xb8;
	[tilespmem:$0x8300] =	vst v63  }
0x28b: {  	v19 =	vadd.s32 v15, v24;
	v24 =	vperm.xlane v0, v28  }
0x28c: {  	[tilespmem:s2], [sflag:$0x4] =	stream.indirect_vreg.gather [hbm4b:s1+s3], $0x80, v4, vm0, $0xb8;
	[tilespmem:$0x8300] =	vst v63  }
0x28d: {  	v4 =	vadd.s32 v15, v24;
	v24 =	vperm.xlane v0, v30  }
0x28e: {  	[tilespmem:s6], [sflag:$0x4] =	stream.indirect_vreg.gather [hbm4b:s1+s3], $0x80, v8, vm0, $0xb8;
	[tilespmem:$0x8300] =	vst v63  }
0x28f: {  	v8 =	vadd.s32 v15, v24;
	v24 =	vperm.xlane v0, v31  }
0x290: {  	[tilespmem:s7], [sflag:$0x4] =	stream.indirect_vreg.gather [hbm4b:s1+s3], $0x80, v19, vm0, $0xb8;
	[tilespmem:$0x8300] =	vst v63  }
0x291: {  	v19 =	vadd.s32 v15, v24;
	v24 =	vperm.xlane v0, v32  }
0x292: {  	[tilespmem:s8], [sflag:$0x4] =	stream.indirect_vreg.gather [hbm4b:s1+s3], $0x80, v4, vm0, $0xb8;
	[tilespmem:$0x8300] =	vst v63  }
0x293: {  	v4 =	vadd.s32 v15, v24;
	v24 =	vperm.xlane v0, v33  }
0x294: {  	[tilespmem:s9], [sflag:$0x4] =	stream.indirect_vreg.gather [hbm4b:s1+s3], $0x80, v8, vm0, $0xb8;
	[tilespmem:$0x8300] =	vst v63  }
0x295: {  	v8 =	vadd.s32 v15, v24;
	v24 =	vperm.xlane v0, v38  }
0x296: {  	[tilespmem:s10], [sflag:$0x4] =	stream.indirect_vreg.gather [hbm4b:s1+s3], $0x80, v19, vm0, $0xb8;
	[tilespmem:$0x8300] =	vst v63  }
0x297: {  	v19 =	vadd.s32 v15, v24;
	v24 =	vperm.xlane v0, v40  }
0x298: {  	[tilespmem:s11], [sflag:$0x4] =	stream.indirect_vreg.gather [hbm4b:s1+s3], $0x80, v4, vm0, $0xb8;
	[tilespmem:$0x8300] =	vst v63  }
0x299: {  	v4 =	vadd.s32 v15, v24;
	v24 =	vperm.xlane v0, v41  }
0x29a: {  	[tilespmem:s12], [sflag:$0x4] =	stream.indirect_vreg.gather [hbm4b:s1+s3], $0x80, v8, vm0, $0xb8;
	[tilespmem:$0x8300] =	vst v63  }
0x29b: {  	v8 =	vadd.s32 v15, v24;
	v24 =	vperm.xlane v0, v42  }
0x29c: {  	[tilespmem:s13], [sflag:$0x4] =	stream.indirect_vreg.gather [hbm4b:s1+s3], $0x80, v19, vm0, $0xb8;
	[tilespmem:$0x8300] =	vst v63  }
0x29d: {  	v0 =	vperm.xlane v0, v43;
	v19 =	vadd.s32 v15, v24  }
0x29e: {  	[tilespmem:s14], [sflag:$0x4] =	stream.indirect_vreg.gather [hbm4b:s1+s3], $0x80, v4, vm0, $0xb8;
	[tilespmem:$0x8300] =	vst v63  }
0x29f: {  	v0 =	vadd.s32 v15, v0  }
0x2a0: {  	[tilespmem:s15], [sflag:$0x4] =	stream.indirect_vreg.gather [hbm4b:s1+s3], $0x80, v8, vm0, $0xb8;
	[tilespmem:$0x8300] =	vst v63  }
0x2a1: {  	_ = 	snop  }
0x2a2: {  	[tilespmem:s16], [sflag:$0x4] =	stream.indirect_vreg.gather [hbm4b:s1+s3], $0x80, v19, vm0, $0xb8;
	[tilespmem:$0x8300] =	vst v63  }
0x2a3: {  	_ = 	snop  }
0x2a4: {  	[tilespmem:s17], [sflag:$0x4] =	stream.indirect_vreg.gather [hbm4b:s1+s3], $0x80, v0, vm0, $0xb8;
	[tilespmem:$0x8300] =	vst v63  }
0x2a5: {  	_ =	swait.ge [sflag:s18], $0x2000  }
0x2a6: {  	[sflag:s18] =	ssyncset.done $0x0  }
0x2a7: {  	[sflag:s18] =	ssyncadd.s32 $0xFFFFE000  }
0x2a8: {  	v0 =	vld.msk [tilespmem:s25+$0xFFFFFD00 ss:$0x0], $0xffff  }
0x2a9: {  	s28 =	simm.s32 $0x40;
	s26 =	simm.s32 $0x0;
	v19 =	vld.msk [tilespmem:s25+$0xFFFFFC80 ss:$0x0], $0xffff  }
.LBB2_2:
0x2aa: {  	p0 =	sne.s32 s28, $0xC0;
	v4 =	vld [tilespmem:s25+$0xFFFFFC00]  }
0x2ab: {  	v8 =	vld.msk [tilespmem:s25+$0xFFFFFD80 ss:$0x0], $0xffff  }
0x2ac: {  	v24 =	vld.msk [tilespmem:s25+$0xFFFFFE00 ss:$0x0], $0xffff  }
0x2ad: {  	v25 =	vld.msk [tilespmem:s25+$0xFFFFFE80 ss:$0x0], $0xffff  }
0x2ae: {  	v26 =	vld.msk [tilespmem:s25+$0xFFFFFF00 ss:$0x0], $0xffff  }
0x2af: {  	v4 =	vsel vm1, v19, v4;
	v19 =	vld.msk [tilespmem:s25+$0xFFFFFF80 ss:$0x0], $0xffff  }
0x2b0: {  	v0 =	vsel vm2, v4, v0;
	v4 =	vld.msk [tilespmem:s25+$0x0 ss:$0x0], $0xffff  }
0x2b1: {  	v0 =	vsel vm3, v0, v8;
	v8 =	vld.msk [tilespmem:s25+$0x80 ss:$0x0], $0xffff  }
0x2b2: {  	v0 =	vsel vm4, v0, v24;
	v24 =	vld.msk [tilespmem:s25+$0x100 ss:$0x0], $0xffff  }
0x2b3: {  	v0 =	vsel vm5, v0, v25;
	v25 =	vld.msk [tilespmem:s25+$0x180 ss:$0x0], $0xffff  }
0x2b4: {  	v0 =	vsel vm6, v0, v26;
	v26 =	vld.msk [tilespmem:s25+$0x200 ss:$0x0], $0xffff  }
0x2b5: {  	v0 =	vsel vm7, v0, v19;
	v19 =	vld.msk [tilespmem:s25+$0x280 ss:$0x0], $0xffff  }
0x2b6: {  	v0 =	vsel vm8, v0, v4;
	v4 =	vld.msk [tilespmem:s25+$0x300 ss:$0x0], $0xffff  }
0x2b7: {  	v0 =	vsel vm9, v0, v8;
	v8 =	vld.msk [tilespmem:s25+$0x380 ss:$0x0], $0xffff  }
0x2b8: {  	v0 =	vsel vm10, v0, v24  }
0x2b9: {  	v0 =	vsel vm11, v0, v25  }
0x2ba: {  	v0 =	vsel vm12, v0, v26  }
0x2bb: {  	v0 =	vsel vm13, v0, v19  }
.Ltmp0:
0x2bc: {  	v0 =	vsel vm14, v0, v4;
	(pc) =	sbr.rel @p0 .LBB2_2-.Ltmp0, $4  }
0x2bd: {  	s29 =	sshra.s32 s26, $0x2;
	s26 =	smov.u32 s28;
	v0 =	vsel vm15, v0, v8  }
0x2be: {  	s25 =	sadd.s32 $0x800, s25;
	[tilespmem:s29+$0x8200] =	vst v0  }
0x2bf: {  	v0 =	vld.msk [tilespmem:s25+$0xFFFFFD00 ss:$0x0], $0xffff  }
0x2c0: {  	s28 =	sadd.s32 $0x40, s28;
	v19 =	vld.msk [tilespmem:s25+$0xFFFFFC80 ss:$0x0], $0xffff  }
0x2c1: {  	v4 =	vld [tilespmem:s25+$0xFFFFFC00];
	_ =	sdelay $0x1  }
0x2c2: {  	v8 =	vld.msk [tilespmem:s25+$0xFFFFFD80 ss:$0x0], $0xffff  }
0x2c3: {  	v24 =	vld.msk [tilespmem:s25+$0xFFFFFE00 ss:$0x0], $0xffff  }
0x2c4: {  	v25 =	vld.msk [tilespmem:s25+$0xFFFFFE80 ss:$0x0], $0xffff  }
0x2c5: {  	v26 =	vld.msk [tilespmem:s25+$0xFFFFFF00 ss:$0x0], $0xffff;
	v4 =	vsel vm1, v19, v4  }
0x2c6: {  	v19 =	vld.msk [tilespmem:s25+$0xFFFFFF80 ss:$0x0], $0xffff;
	v0 =	vsel vm2, v4, v0  }
0x2c7: {  	v4 =	vld.msk [tilespmem:s25+$0x0 ss:$0x0], $0xffff;
	v0 =	vsel vm3, v0, v8  }
0x2c8: {  	v8 =	vld.msk [tilespmem:s25+$0x80 ss:$0x0], $0xffff;
	v0 =	vsel vm4, v0, v24  }
0x2c9: {  	v24 =	vld.msk [tilespmem:s25+$0x100 ss:$0x0], $0xffff;
	v0 =	vsel vm5, v0, v25  }
0x2ca: {  	v25 =	vld.msk [tilespmem:s25+$0x180 ss:$0x0], $0xffff;
	v0 =	vsel vm6, v0, v26  }
0x2cb: {  	v26 =	vld.msk [tilespmem:s25+$0x200 ss:$0x0], $0xffff;
	v0 =	vsel vm7, v0, v19  }
0x2cc: {  	v19 =	vld.msk [tilespmem:s25+$0x280 ss:$0x0], $0xffff;
	v0 =	vsel vm8, v0, v4  }
0x2cd: {  	v4 =	vld.msk [tilespmem:s25+$0x300 ss:$0x0], $0xffff;
	v0 =	vsel vm9, v0, v8  }
0x2ce: {  	v8 =	vld.msk [tilespmem:s25+$0x380 ss:$0x0], $0xffff;
	v0 =	vsel vm10, v0, v24  }
0x2cf: {  	v0 =	vsel vm11, v0, v25  }
0x2d0: {  	v0 =	vsel vm12, v0, v26  }
0x2d1: {  	v0 =	vsel vm13, v0, v19  }
0x2d2: {  	v0 =	vsel vm14, v0, v4  }
0x2d3: {  	s29 =	sshra.s32 s26, $0x2;
	v0 =	vsel vm15, v0, v8  }
0x2d4: {  	[tilespmem:s29+$0x8200] =	vst v0  }
0x2d5: {  	_ =	swait.ge [sflag:s19], $0x2000  }
0x2d6: {  	[sflag:s19] =	ssyncset.done $0x0  }
0x2d7: {  	s26 =	simm.s32 $0x2600;
	[sflag:s19] =	ssyncadd.s32 $0xFFFFE000  }
0x2d8: {  	v0 =	vld.msk [tilespmem:s26+$0xFFFFFD00 ss:$0x0], $0xffff  }
0x2d9: {  	s28 =	simm.s32 $0x40;
	s25 =	simm.s32 $0x0;
	v19 =	vld.msk [tilespmem:s26+$0xFFFFFC80 ss:$0x0], $0xffff  }
.LBB2_4:
0x2da: {  	p0 =	sne.s32 s28, $0xC0;
	v4 =	vld [tilespmem:s26+$0xFFFFFC00]  }
0x2db: {  	v8 =	vld.msk [tilespmem:s26+$0xFFFFFD80 ss:$0x0], $0xffff  }
0x2dc: {  	v24 =	vld.msk [tilespmem:s26+$0xFFFFFE00 ss:$0x0], $0xffff  }
0x2dd: {  	v25 =	vld.msk [tilespmem:s26+$0xFFFFFE80 ss:$0x0], $0xffff  }
0x2de: {  	v26 =	vld.msk [tilespmem:s26+$0xFFFFFF00 ss:$0x0], $0xffff  }
0x2df: {  	v4 =	vsel vm1, v19, v4;
	v19 =	vld.msk [tilespmem:s26+$0xFFFFFF80 ss:$0x0], $0xffff  }
0x2e0: {  	v0 =	vsel vm2, v4, v0;
	v4 =	vld.msk [tilespmem:s26+$0x0 ss:$0x0], $0xffff  }
0x2e1: {  	v0 =	vsel vm3, v0, v8;
	v8 =	vld.msk [tilespmem:s26+$0x80 ss:$0x0], $0xffff  }
0x2e2: {  	v0 =	vsel vm4, v0, v24;
	v24 =	vld.msk [tilespmem:s26+$0x100 ss:$0x0], $0xffff  }
0x2e3: {  	v0 =	vsel vm5, v0, v25;
	v25 =	vld.msk [tilespmem:s26+$0x180 ss:$0x0], $0xffff  }
0x2e4: {  	v0 =	vsel vm6, v0, v26;
	v26 =	vld.msk [tilespmem:s26+$0x200 ss:$0x0], $0xffff  }
0x2e5: {  	v0 =	vsel vm7, v0, v19;
	v19 =	vld.msk [tilespmem:s26+$0x280 ss:$0x0], $0xffff  }
0x2e6: {  	v0 =	vsel vm8, v0, v4;
	v4 =	vld.msk [tilespmem:s26+$0x300 ss:$0x0], $0xffff  }
0x2e7: {  	v0 =	vsel vm9, v0, v8;
	v8 =	vld.msk [tilespmem:s26+$0x380 ss:$0x0], $0xffff  }
0x2e8: {  	v0 =	vsel vm10, v0, v24  }
0x2e9: {  	v0 =	vsel vm11, v0, v25  }
0x2ea: {  	v0 =	vsel vm12, v0, v26  }
0x2eb: {  	v0 =	vsel vm13, v0, v19  }
.Ltmp1:
0x2ec: {  	v0 =	vsel vm14, v0, v4;
	(pc) =	sbr.rel @p0 .LBB2_4-.Ltmp1, $4  }
0x2ed: {  	s29 =	sshra.s32 s25, $0x2;
	s25 =	smov.u32 s28;
	v0 =	vsel vm15, v0, v8  }
0x2ee: {  	s26 =	sadd.s32 $0x800, s26;
	[tilespmem:s29+$0x8240] =	vst v0  }
0x2ef: {  	v0 =	vld.msk [tilespmem:s26+$0xFFFFFD00 ss:$0x0], $0xffff  }
0x2f0: {  	s28 =	sadd.s32 $0x40, s28;
	v19 =	vld.msk [tilespmem:s26+$0xFFFFFC80 ss:$0x0], $0xffff  }
0x2f1: {  	v4 =	vld [tilespmem:s26+$0xFFFFFC00];
	_ =	sdelay $0x1  }
0x2f2: {  	v8 =	vld.msk [tilespmem:s26+$0xFFFFFD80 ss:$0x0], $0xffff  }
0x2f3: {  	v24 =	vld.msk [tilespmem:s26+$0xFFFFFE00 ss:$0x0], $0xffff  }
0x2f4: {  	v25 =	vld.msk [tilespmem:s26+$0xFFFFFE80 ss:$0x0], $0xffff  }
0x2f5: {  	v26 =	vld.msk [tilespmem:s26+$0xFFFFFF00 ss:$0x0], $0xffff;
	v4 =	vsel vm1, v19, v4  }
0x2f6: {  	v19 =	vld.msk [tilespmem:s26+$0xFFFFFF80 ss:$0x0], $0xffff;
	v0 =	vsel vm2, v4, v0  }
0x2f7: {  	v4 =	vld.msk [tilespmem:s26+$0x0 ss:$0x0], $0xffff;
	v0 =	vsel vm3, v0, v8  }
0x2f8: {  	v8 =	vld.msk [tilespmem:s26+$0x80 ss:$0x0], $0xffff;
	v0 =	vsel vm4, v0, v24  }
0x2f9: {  	v24 =	vld.msk [tilespmem:s26+$0x100 ss:$0x0], $0xffff;
	v0 =	vsel vm5, v0, v25  }
0x2fa: {  	v25 =	vld.msk [tilespmem:s26+$0x180 ss:$0x0], $0xffff;
	v0 =	vsel vm6, v0, v26  }
0x2fb: {  	v26 =	vld.msk [tilespmem:s26+$0x200 ss:$0x0], $0xffff;
	v0 =	vsel vm7, v0, v19  }
0x2fc: {  	v19 =	vld.msk [tilespmem:s26+$0x280 ss:$0x0], $0xffff;
	v0 =	vsel vm8, v0, v4  }
0x2fd: {  	v4 =	vld.msk [tilespmem:s26+$0x300 ss:$0x0], $0xffff;
	v0 =	vsel vm9, v0, v8  }
0x2fe: {  	v8 =	vld.msk [tilespmem:s26+$0x380 ss:$0x0], $0xffff;
	v0 =	vsel vm10, v0, v24  }
0x2ff: {  	v0 =	vsel vm11, v0, v25  }
0x300: {  	v0 =	vsel vm12, v0, v26  }
0x301: {  	v0 =	vsel vm13, v0, v19  }
0x302: {  	v0 =	vsel vm14, v0, v4  }
0x303: {  	s25 =	sshra.s32 s25, $0x2;
	v0 =	vsel vm15, v0, v8  }
0x304: {  	[tilespmem:s25+$0x8240] =	vst v0  }
0x305: {  	_ =	swait.ge [sflag:s20], $0x2000  }
0x306: {  	[sflag:s20] =	ssyncset.done $0x0  }
0x307: {  	s26 =	simm.s32 $0x4600;
	[sflag:s20] =	ssyncadd.s32 $0xFFFFE000  }
0x308: {  	v0 =	vld.msk [tilespmem:s26+$0xFFFFFD00 ss:$0x0], $0xffff  }
0x309: {  	s28 =	simm.s32 $0x40;
	s25 =	simm.s32 $0x0;
	v19 =	vld.msk [tilespmem:s26+$0xFFFFFC80 ss:$0x0], $0xffff  }
.LBB2_6:
0x30a: {  	p0 =	sne.s32 s28, $0xC0;
	v4 =	vld [tilespmem:s26+$0xFFFFFC00]  }
0x30b: {  	v8 =	vld.msk [tilespmem:s26+$0xFFFFFD80 ss:$0x0], $0xffff  }
0x30c: {  	v24 =	vld.msk [tilespmem:s26+$0xFFFFFE00 ss:$0x0], $0xffff  }
0x30d: {  	v25 =	vld.msk [tilespmem:s26+$0xFFFFFE80 ss:$0x0], $0xffff  }
0x30e: {  	v26 =	vld.msk [tilespmem:s26+$0xFFFFFF00 ss:$0x0], $0xffff  }
0x30f: {  	v4 =	vsel vm1, v19, v4;
	v19 =	vld.msk [tilespmem:s26+$0xFFFFFF80 ss:$0x0], $0xffff  }
0x310: {  	v0 =	vsel vm2, v4, v0;
	v4 =	vld.msk [tilespmem:s26+$0x0 ss:$0x0], $0xffff  }
0x311: {  	v0 =	vsel vm3, v0, v8;
	v8 =	vld.msk [tilespmem:s26+$0x80 ss:$0x0], $0xffff  }
0x312: {  	v0 =	vsel vm4, v0, v24;
	v24 =	vld.msk [tilespmem:s26+$0x100 ss:$0x0], $0xffff  }
0x313: {  	v0 =	vsel vm5, v0, v25;
	v25 =	vld.msk [tilespmem:s26+$0x180 ss:$0x0], $0xffff  }
0x314: {  	v0 =	vsel vm6, v0, v26;
	v26 =	vld.msk [tilespmem:s26+$0x200 ss:$0x0], $0xffff  }
0x315: {  	v0 =	vsel vm7, v0, v19;
	v19 =	vld.msk [tilespmem:s26+$0x280 ss:$0x0], $0xffff  }
0x316: {  	v0 =	vsel vm8, v0, v4;
	v4 =	vld.msk [tilespmem:s26+$0x300 ss:$0x0], $0xffff  }
0x317: {  	v0 =	vsel vm9, v0, v8;
	v8 =	vld.msk [tilespmem:s26+$0x380 ss:$0x0], $0xffff  }
0x318: {  	v0 =	vsel vm10, v0, v24  }
0x319: {  	v0 =	vsel vm11, v0, v25  }
0x31a: {  	v0 =	vsel vm12, v0, v26  }
0x31b: {  	v0 =	vsel vm13, v0, v19  }
.Ltmp2:
0x31c: {  	v0 =	vsel vm14, v0, v4;
	(pc) =	sbr.rel @p0 .LBB2_6-.Ltmp2, $4  }
0x31d: {  	s29 =	sshra.s32 s25, $0x2;
	s25 =	smov.u32 s28;
	v0 =	vsel vm15, v0, v8  }
0x31e: {  	s26 =	sadd.s32 $0x800, s26;
	[tilespmem:s29+$0x8280] =	vst v0  }
0x31f: {  	v0 =	vld.msk [tilespmem:s26+$0xFFFFFD00 ss:$0x0], $0xffff  }
0x320: {  	s28 =	sadd.s32 $0x40, s28;
	v19 =	vld.msk [tilespmem:s26+$0xFFFFFC80 ss:$0x0], $0xffff  }
0x321: {  	v4 =	vld [tilespmem:s26+$0xFFFFFC00];
	_ =	sdelay $0x1  }
0x322: {  	v8 =	vld.msk [tilespmem:s26+$0xFFFFFD80 ss:$0x0], $0xffff  }
0x323: {  	v24 =	vld.msk [tilespmem:s26+$0xFFFFFE00 ss:$0x0], $0xffff  }
0x324: {  	v25 =	vld.msk [tilespmem:s26+$0xFFFFFE80 ss:$0x0], $0xffff  }
0x325: {  	v26 =	vld.msk [tilespmem:s26+$0xFFFFFF00 ss:$0x0], $0xffff;
	v4 =	vsel vm1, v19, v4  }
0x326: {  	v19 =	vld.msk [tilespmem:s26+$0xFFFFFF80 ss:$0x0], $0xffff;
	v0 =	vsel vm2, v4, v0  }
0x327: {  	v4 =	vld.msk [tilespmem:s26+$0x0 ss:$0x0], $0xffff;
	v0 =	vsel vm3, v0, v8  }
0x328: {  	v8 =	vld.msk [tilespmem:s26+$0x80 ss:$0x0], $0xffff;
	v0 =	vsel vm4, v0, v24  }
0x329: {  	v24 =	vld.msk [tilespmem:s26+$0x100 ss:$0x0], $0xffff;
	v0 =	vsel vm5, v0, v25  }
0x32a: {  	v25 =	vld.msk [tilespmem:s26+$0x180 ss:$0x0], $0xffff;
	v0 =	vsel vm6, v0, v26  }
0x32b: {  	v26 =	vld.msk [tilespmem:s26+$0x200 ss:$0x0], $0xffff;
	v0 =	vsel vm7, v0, v19  }
0x32c: {  	v19 =	vld.msk [tilespmem:s26+$0x280 ss:$0x0], $0xffff;
	v0 =	vsel vm8, v0, v4  }
0x32d: {  	v4 =	vld.msk [tilespmem:s26+$0x300 ss:$0x0], $0xffff;
	v0 =	vsel vm9, v0, v8  }
0x32e: {  	v8 =	vld.msk [tilespmem:s26+$0x380 ss:$0x0], $0xffff;
	v0 =	vsel vm10, v0, v24  }
0x32f: {  	v0 =	vsel vm11, v0, v25  }
0x330: {  	v0 =	vsel vm12, v0, v26  }
0x331: {  	v0 =	vsel vm13, v0, v19  }
0x332: {  	v0 =	vsel vm14, v0, v4  }
0x333: {  	s25 =	sshra.s32 s25, $0x2;
	v0 =	vsel vm15, v0, v8  }
0x334: {  	[tilespmem:s25+$0x8280] =	vst v0  }
0x335: {  	_ =	swait.ge [sflag:s21], $0x2000  }
0x336: {  	[sflag:s21] =	ssyncset.done $0x0  }
0x337: {  	s26 =	simm.s32 $0x6600;
	[sflag:s21] =	ssyncadd.s32 $0xFFFFE000  }
0x338: {  	v0 =	vld.msk [tilespmem:s26+$0xFFFFFD00 ss:$0x0], $0xffff  }
0x339: {  	s28 =	simm.s32 $0x40;
	s25 =	simm.s32 $0x0;
	v19 =	vld.msk [tilespmem:s26+$0xFFFFFC80 ss:$0x0], $0xffff  }
.LBB2_8:
0x33a: {  	p0 =	sne.s32 s28, $0xC0;
	v4 =	vld [tilespmem:s26+$0xFFFFFC00]  }
0x33b: {  	v8 =	vld.msk [tilespmem:s26+$0xFFFFFD80 ss:$0x0], $0xffff  }
0x33c: {  	v24 =	vld.msk [tilespmem:s26+$0xFFFFFE00 ss:$0x0], $0xffff  }
0x33d: {  	v25 =	vld.msk [tilespmem:s26+$0xFFFFFE80 ss:$0x0], $0xffff  }
0x33e: {  	v26 =	vld.msk [tilespmem:s26+$0xFFFFFF00 ss:$0x0], $0xffff  }
0x33f: {  	v4 =	vsel vm1, v19, v4;
	v19 =	vld.msk [tilespmem:s26+$0xFFFFFF80 ss:$0x0], $0xffff  }
0x340: {  	v0 =	vsel vm2, v4, v0;
	v4 =	vld.msk [tilespmem:s26+$0x0 ss:$0x0], $0xffff  }
0x341: {  	v0 =	vsel vm3, v0, v8;
	v8 =	vld.msk [tilespmem:s26+$0x80 ss:$0x0], $0xffff  }
0x342: {  	v0 =	vsel vm4, v0, v24;
	v24 =	vld.msk [tilespmem:s26+$0x100 ss:$0x0], $0xffff  }
0x343: {  	v0 =	vsel vm5, v0, v25;
	v25 =	vld.msk [tilespmem:s26+$0x180 ss:$0x0], $0xffff  }
0x344: {  	v0 =	vsel vm6, v0, v26;
	v26 =	vld.msk [tilespmem:s26+$0x200 ss:$0x0], $0xffff  }
0x345: {  	v0 =	vsel vm7, v0, v19;
	v19 =	vld.msk [tilespmem:s26+$0x280 ss:$0x0], $0xffff  }
0x346: {  	v0 =	vsel vm8, v0, v4;
	v4 =	vld.msk [tilespmem:s26+$0x300 ss:$0x0], $0xffff  }
0x347: {  	v0 =	vsel vm9, v0, v8;
	v8 =	vld.msk [tilespmem:s26+$0x380 ss:$0x0], $0xffff  }
0x348: {  	v0 =	vsel vm10, v0, v24  }
0x349: {  	v0 =	vsel vm11, v0, v25  }
0x34a: {  	v0 =	vsel vm12, v0, v26  }
0x34b: {  	v0 =	vsel vm13, v0, v19  }
.Ltmp3:
0x34c: {  	v0 =	vsel vm14, v0, v4;
	(pc) =	sbr.rel @p0 .LBB2_8-.Ltmp3, $4  }
0x34d: {  	s29 =	sshra.s32 s25, $0x2;
	s25 =	smov.u32 s28;
	v0 =	vsel vm15, v0, v8  }
0x34e: {  	s26 =	sadd.s32 $0x800, s26;
	[tilespmem:s29+$0x82C0] =	vst v0  }
0x34f: {  	v0 =	vld.msk [tilespmem:s26+$0xFFFFFD00 ss:$0x0], $0xffff  }
0x350: {  	s28 =	sadd.s32 $0x40, s28;
	v19 =	vld.msk [tilespmem:s26+$0xFFFFFC80 ss:$0x0], $0xffff  }
0x351: {  	v4 =	vld [tilespmem:s26+$0xFFFFFC00];
	_ =	sdelay $0x1  }
0x352: {  	v8 =	vld.msk [tilespmem:s26+$0xFFFFFD80 ss:$0x0], $0xffff  }
0x353: {  	v24 =	vld.msk [tilespmem:s26+$0xFFFFFE00 ss:$0x0], $0xffff  }
0x354: {  	v25 =	vld.msk [tilespmem:s26+$0xFFFFFE80 ss:$0x0], $0xffff  }
0x355: {  	v26 =	vld.msk [tilespmem:s26+$0xFFFFFF00 ss:$0x0], $0xffff;
	v4 =	vsel vm1, v19, v4  }
0x356: {  	v19 =	vld.msk [tilespmem:s26+$0xFFFFFF80 ss:$0x0], $0xffff;
	v0 =	vsel vm2, v4, v0  }
0x357: {  	v4 =	vld.msk [tilespmem:s26+$0x0 ss:$0x0], $0xffff;
	v0 =	vsel vm3, v0, v8  }
0x358: {  	v8 =	vld.msk [tilespmem:s26+$0x80 ss:$0x0], $0xffff;
	v0 =	vsel vm4, v0, v24  }
0x359: {  	v24 =	vld.msk [tilespmem:s26+$0x100 ss:$0x0], $0xffff;
	v0 =	vsel vm5, v0, v25  }
0x35a: {  	v25 =	vld.msk [tilespmem:s26+$0x180 ss:$0x0], $0xffff;
	v0 =	vsel vm6, v0, v26  }
0x35b: {  	v26 =	vld.msk [tilespmem:s26+$0x200 ss:$0x0], $0xffff;
	v0 =	vsel vm7, v0, v19  }
0x35c: {  	v19 =	vld.msk [tilespmem:s26+$0x280 ss:$0x0], $0xffff;
	v0 =	vsel vm8, v0, v4  }
0x35d: {  	v4 =	vld.msk [tilespmem:s26+$0x300 ss:$0x0], $0xffff;
	v0 =	vsel vm9, v0, v8  }
0x35e: {  	v8 =	vld.msk [tilespmem:s26+$0x380 ss:$0x0], $0xffff;
	v0 =	vsel vm10, v0, v24  }
0x35f: {  	v0 =	vsel vm11, v0, v25  }
0x360: {  	v0 =	vsel vm12, v0, v26  }
0x361: {  	v0 =	vsel vm13, v0, v19  }
0x362: {  	s24 =	sadd.s32 $0x1, s24;
	v0 =	vsel vm14, v0, v4  }
0x363: {  	s25 =	sshra.s32 s25, $0x2;
	p0 =	sne.s32 s24, s5;
	v0 =	vsel vm15, v0, v8  }
.Ltmp4:
0x364: {  	[tilespmem:s25+$0x82C0] =	vst v0;
	(pc) =	sbr.rel @p0 .LBB2_1-.Ltmp4, $4  }
0x365: {  	[hbm4b:s4+s3] =	stream.linear.scatter [tilespmem:s22], [sflag:$0x5], $0x100, $0x38;
	[tilespmem:$0x8300] =	vst v63  }
0x366: {  	_ =	swait.ge [sflag:s23], $0x100  }
0x367: {  	[sflag:s23] =	ssyncset.done $0x0  }
0x368: {  	[sflag:s23] =	ssyncadd.s32 $0xFFFFFF00  }
0x369: {  	_ =	sfence.sel $0x180000  }
0x36a: {  	[bflag:$0x0] =	sbarrier.arrive $0xFFFF  }
0x36b: {  	_ =	strace $0x90000047  }
0x36c: {  	s0 =	stileid.u32;
	[bflag:$0x2] =	sbarrier.arrive $0xFFFF  }
0x36d: {  	p0 =	sne.s32 s0, $0x0;
	s0 =	rddreg [dreg:$0x2]  }
0x36e: {  	s0 =	sadd.s32 @!p0 $0x100000, s0  }
0x36f: {  	[sflag:s0] =	ssyncadd.tile.s32 @!p0 $0x1;
	_ =	shalt  }
.Lfunc_end2:
_tile_overlayer_lowered:
.L_overlay_start_2:
0x370: {  	(tag) =	ssettag $0x2  }
0x371: {  	s0 =	rddreg [dreg:$0x0];
	s2 =	stileid.u32  }
0x372: {  	s1 =	rddreg [dreg:$0x1];
	p0 =	sne.s32 s2, $0x0  }
0x373: {  	s3 =	rddreg [dreg:$0x2];
	[bflag:$0x3] =	sbarrier.arrive $0xFFFF;
	s2 =	simm.s32 @!p0 $0x1C05  }
0x374: {  	[timem:s3], [sflag:s2] =	dma.local @!p0 [hbm:s0], s1  }
0x375: {  	s0 =	simm.s32 @!p0 $0x5  }
0x376: {  	_ =	swait.ge @!p0 [sflag:s0], s1  }
0x377: {  	s1 =	ssub.s32 @!p0 $0x0, s1;
	[sflag:s0] =	ssyncset.done @!p0 $0x0  }
0x378: {  	[sflag:s0] =	ssyncadd.s32 @!p0 s1  }
0x379: {  	[bflag:$0x3] =	sbarrier.arrive $0xFFFF  }
0x37a: {  	_ =	shalt  }

</sc_bundles>
